<compile_context>
chip_gen: v7x
topology: tpu7x:2x2x1
jax: 0.10.2.dev20260603
libtpu: 0.0.44.dev20260713+nightly
codegen_flags: <defaults>
</compile_context>

<pallas_src>
import jax
import jax.numpy as jnp
from jax import lax
from jax.experimental import pallas as pl
from jax.experimental.pallas import tpu as pltpu
from jax.experimental.pallas import tpu_sc as plsc

VOCAB = 128
DIM = 32
IW = 256


def kernel(x, table):
    nrows, seq = x.shape
    xt = jnp.transpose(x.astype(jnp.int32))
    tab_flat = jnp.transpose(table.astype(jnp.float32)).reshape(VOCAB * DIM)

    mesh = plsc.VectorSubcoreMesh(core_axis_name="core",
                                  subcore_axis_name="subcore")

    out5 = jax.ShapeDtypeStruct((seq, DIM // 8, nrows // VOCAB, 8, VOCAB),
                                jnp.float32)

    @pl.kernel(out_type=out5,
               mesh=mesh,
               compiler_params=pltpu.CompilerParams(
                   use_tc_tiling_on_sc=False, needs_layout_passes=False),
               scratch_types=[pltpu.VMEM((VOCAB * DIM,), jnp.float32)])
    def gather_kernel(table_hbm, i_hbm, o_hbm, tab_v):
        pltpu.sync_copy(table_hbm, tab_v)

        def body(i_vmem, o_vmem):
            @plsc.parallel_loop(0, IW, step=16, unroll=16)
            def _(i0):
                vidx = i_vmem[0, pl.ds(i0, 16)]
                b = i0 // VOCAB
                l0 = i0 % VOCAB
                for c in range(DIM):
                    o_vmem[0, c // 8, b, c % 8, pl.ds(l0, 16)] = (
                        plsc.load_gather(tab_v, [vidx + c * VOCAB]))

        pltpu.emit_pipeline(
            body,
            grid=(seq, nrows // IW),
            in_specs=[pl.BlockSpec((1, IW), lambda j, i: (j, i))],
            out_specs=[pl.BlockSpec((1, DIM // 8, IW // VOCAB, 8, VOCAB),
                                    lambda j, i: (j, 0, i, 0, 0))],
            core_axis_name=("core", "subcore"),
            dimension_semantics=(pltpu.PARALLEL, pltpu.PARALLEL),
        )(i_hbm, o_hbm)

    out_t = gather_kernel(tab_flat, xt)
    out = jnp.transpose(out_t, (2, 4, 0, 1, 3)).reshape(nrows, seq, DIM)
    return out

# --- scband reference (transcript-rebuilt; emitter-appended) ---
"""Pipeline reference for scband-character-embedding-17351667876361 (READ-ONLY COPY).

The authoritative reference and input builder live on the scoring server;
editing this copy changes nothing except your own understanding.
"""

import jax, jax.numpy as jnp
import numpy as np

VOCAB_SIZE = 128
EMBED_DIM = 32

def setup_inputs(seed: int = 0) -> dict:
    key = jax.random.key(seed)
    k_idx, k_tab = jax.random.split(key)
    x = jax.random.randint(k_idx, (16384, 200), 0, VOCAB_SIZE, dtype=jnp.int64 if jax.config.jax_enable_x64 else jnp.int32)
    table = jax.random.normal(k_tab, (VOCAB_SIZE, EMBED_DIM), dtype=jnp.float32)
    # padding_idx=0: torch zeroes the padding row at init
    table = table.at[0].set(0.0)
    return {"x": x, "table": table}

def reference(x, table):
    # nn.Embedding forward: pure row gather
    return jnp.take(table, x, axis=0)

if __name__ == "__main__":
    import jax
    _d = setup_inputs()
    print(jax.jit(kernel)(*tuple(_d.values())))

</pallas_src>

<mosaic_0001>
#map = affine_map<(d0, d1) -> (0)>
#map1 = affine_map<(d0, d1) -> (0, 0)>
#map2 = affine_map<(d0, d1) -> (0, 0, 0, 0, 0)>
module attributes {stable_mosaic.version = 14 : i64} {
  func.func @gather_kernel(%arg0: i32, %arg1: i32, %arg2: memref<4096xf32, #tpu.memory_space<hbm>>, %arg3: memref<200x16384xi32, #tpu.memory_space<hbm>>, %arg4: memref<200x4x128x8x128xf32, #tpu.memory_space<hbm>>, %arg5: memref<4096xf32, #tpu.memory_space<vmem>>) attributes {dimension_semantics = [#tpu.dimension_semantics<core_parallel>, #tpu.dimension_semantics<subcore_parallel>], iteration_bounds = array<i64: 2, 16>, scalar_prefetch = 0 : i64, scratch_operands = 1 : i64, tpu.core_type = #tpu.core_type<sc_vector_subcore>, window_params = [{transform_indices = #map}, {transform_indices = #map1}, {transform_indices = #map2}]} {
    "tpu.region"() ({
      %run_scoped3A = tpu.sem_alloc : memref<!tpu.dma_semaphore, #tpu.memory_space<semaphore_mem>>
      tpu.enqueue_dma source(%arg2 : memref<4096xf32, #tpu.memory_space<hbm>>) target(%arg5 : memref<4096xf32, #tpu.memory_space<vmem>>) target_semaphore(%run_scoped3A : memref<!tpu.dma_semaphore, #tpu.memory_space<semaphore_mem>>)
      tpu.wait_dma2 semaphore(%run_scoped3A : memref<!tpu.dma_semaphore, #tpu.memory_space<semaphore_mem>>) src(%arg2 : memref<4096xf32, #tpu.memory_space<hbm>>) dst(%arg5 : memref<4096xf32, #tpu.memory_space<vmem>>)
      tpu.yield
    }) : () -> ()
    %mul3A = arith.constant 1 : i32
    %mul3A_0 = arith.muli %arg1, %mul3A : i32
    %add3A = arith.constant 0 : i32
    %add3A_1 = arith.addi %add3A, %mul3A_0 : i32
    %mul3A_2 = arith.constant 16 : i32
    %mul3A_3 = arith.muli %arg0, %mul3A_2 : i32
    %add3A_4 = arith.addi %add3A_1, %mul3A_3 : i32
    %mul3A_5 = arith.constant 2 : i32
    %mul3A_6 = arith.muli %add3A_4, %mul3A_5 : i32
    "tpu.region"() ({
      %run_scoped3A = memref.alloca() : memref<2x1x256xi32, #tpu.memory_space<vmem>>
      %run_scoped3A_7 = tpu.sem_alloc : memref<2x!tpu.dma_semaphore, #tpu.memory_space<semaphore_mem>>
      %run_scoped3A_8 = memref.alloca() : memref<2x1x4x2x8x128xf32, #tpu.memory_space<vmem>>
      %run_scoped3A_9 = tpu.sem_alloc : memref<2x!tpu.dma_semaphore, #tpu.memory_space<semaphore_mem>>
      %add3A_10 = arith.constant 0 : i32
      %add3A_11 = arith.addi %add3A_10, %mul3A_6 : i32
      %select_n3A = arith.constant true
      %select_n3A_12 = arith.constant 0 : i32
      %select_n3A_13 = arith.constant -1 : i32
      %select_n3A_14 = arith.select %select_n3A, %select_n3A_13, %select_n3A_12 : i32
      %eq3A = arith.constant -1 : i32
      %eq3A_15 = arith.cmpi eq, %select_n3A_14, %eq3A : i32
      %select_n3A_16 = arith.constant 1 : i32
      %select_n3A_17 = arith.select %eq3A_15, %select_n3A_16, %select_n3A_14 : i32
      %select_n3A_18 = arith.constant 0 : i32
      %select_n3A_19 = arith.constant -1 : i32
      %select_n3A_20 = arith.select %eq3A_15, %select_n3A_19, %select_n3A_18 : i32
      %eq3A_21 = arith.constant -1 : i32
      %eq3A_22 = arith.cmpi eq, %select_n3A_20, %eq3A_21 : i32
      %select_n3A_23 = arith.constant 199 : i32
      %select_n3A_24 = arith.select %eq3A_22, %select_n3A_23, %select_n3A_20 : i32
      %add3A_25 = arith.constant 0 : i32
      %add3A_26 = arith.addi %select_n3A_24, %add3A_25 : i32
      %add3A_27 = arith.addi %select_n3A_17, %mul3A_6 : i32
      %select_n3A_28 = arith.constant true
      %select_n3A_29 = arith.constant 0 : i32
      %select_n3A_30 = arith.constant 1 : i32
      %select_n3A_31 = arith.select %select_n3A_28, %select_n3A_30, %select_n3A_29 : i32
      %eq3A_32 = arith.constant 2 : i32
      %eq3A_33 = arith.cmpi eq, %select_n3A_31, %eq3A_32 : i32
      %select_n3A_34 = arith.constant 0 : i32
      %select_n3A_35 = arith.select %eq3A_33, %select_n3A_34, %select_n3A_31 : i32
      %select_n3A_36 = arith.constant 0 : i32
      %select_n3A_37 = arith.constant 1 : i32
      %select_n3A_38 = arith.select %eq3A_33, %select_n3A_37, %select_n3A_36 : i32
      %eq3A_39 = arith.constant 200 : i32
      %eq3A_40 = arith.cmpi eq, %select_n3A_38, %eq3A_39 : i32
      %select_n3A_41 = arith.constant 0 : i32
      %select_n3A_42 = arith.select %eq3A_40, %select_n3A_41, %select_n3A_38 : i32
      %add3A_43 = arith.constant 0 : i32
      %add3A_44 = arith.addi %select_n3A_42, %add3A_43 : i32
      %add3A_45 = arith.addi %select_n3A_35, %mul3A_6 : i32
      %add3A_46 = arith.constant 1 : i32
      %add3A_47 = arith.addi %select_n3A_35, %add3A_46 : i32
      %select_n3A_48 = arith.constant true
      %select_n3A_49 = arith.select %select_n3A_48, %add3A_47, %select_n3A_35 : i32
      %eq3A_50 = arith.constant 2 : i32
      %eq3A_51 = arith.cmpi eq, %select_n3A_49, %eq3A_50 : i32
      %select_n3A_52 = arith.constant 0 : i32
      %select_n3A_53 = arith.select %eq3A_51, %select_n3A_52, %select_n3A_49 : i32
      %add3A_54 = arith.constant 1 : i32
      %add3A_55 = arith.addi %select_n3A_42, %add3A_54 : i32
      %select_n3A_56 = arith.select %eq3A_51, %add3A_55, %select_n3A_42 : i32
      %eq3A_57 = arith.constant 200 : i32
      %eq3A_58 = arith.cmpi eq, %select_n3A_56, %eq3A_57 : i32
      %select_n3A_59 = arith.constant 0 : i32
      %select_n3A_60 = arith.select %eq3A_58, %select_n3A_59, %select_n3A_56 : i32
      %add3A_61 = arith.constant 0 : i32
      %add3A_62 = arith.addi %select_n3A_60, %add3A_61 : i32
      %add3A_63 = arith.addi %select_n3A_53, %mul3A_6 : i32
      "tpu.trace_start"() <{level = 10 : i32, message = "ep_initialize_0"}> : () -> ()
      %rem3A = arith.constant 0 : i32
      %rem3A_64 = arith.constant 2 : i32
      %rem3A_65 = arith.remui %rem3A, %rem3A_64 : i32
      %mul3A_66 = arith.constant 256 : i32
      %mul3A_67 = arith.muli %mul3A_66, %add3A_11 : i32
      %dma_start3A = arith.constant 0 : i32
      %dma_start3A_68 = arith.constant 0 : i32
      %dma_start3A_69 = tpu.memref_slice %run_scoped3A[%rem3A_65, %dma_start3A, %dma_start3A_68] : memref<2x1x256xi32, #tpu.memory_space<vmem>> -> memref<1x1x256xi32, #tpu.memory_space<vmem>>
      %dma_start3A_70 = tpu.memref_squeeze %dma_start3A_69 : memref<1x1x256xi32, #tpu.memory_space<vmem>> -> memref<1x256xi32, #tpu.memory_space<vmem>>
      %dma_start3A_71 = arith.constant 0 : i32
      %dma_start3A_72 = tpu.memref_slice %arg3[%dma_start3A_71, %mul3A_67] : memref<200x16384xi32, #tpu.memory_space<hbm>> -> memref<1x256xi32, #tpu.memory_space<hbm>>
      %dma_start3A_73 = tpu.memref_slice %run_scoped3A_7[%rem3A_65] : memref<2x!tpu.dma_semaphore, #tpu.memory_space<semaphore_mem>> -> memref<1x!tpu.dma_semaphore, #tpu.memory_space<semaphore_mem>>
      %dma_start3A_74 = tpu.memref_squeeze %dma_start3A_73 : memref<1x!tpu.dma_semaphore, #tpu.memory_space<semaphore_mem>> -> memref<!tpu.dma_semaphore, #tpu.memory_space<semaphore_mem>>
      %dma_start3A_75 = arith.constant 0 : i32
      %dma_start3A_76 = arith.constant 0 : i32
      %dma_start3A_77 = tpu.memref_slice %run_scoped3A[%rem3A_65, %dma_start3A_75, %dma_start3A_76] : memref<2x1x256xi32, #tpu.memory_space<vmem>> -> memref<1x1x256xi32, #tpu.memory_space<vmem>>
      %dma_start3A_78 = tpu.memref_squeeze %dma_start3A_77 : memref<1x1x256xi32, #tpu.memory_space<vmem>> -> memref<1x256xi32, #tpu.memory_space<vmem>>
      %dma_start3A_79 = arith.constant 0 : i32
      %dma_start3A_80 = tpu.memref_slice %arg3[%dma_start3A_79, %mul3A_67] : memref<200x16384xi32, #tpu.memory_space<hbm>> -> memref<1x256xi32, #tpu.memory_space<hbm>>
      tpu.enqueue_dma source(%dma_start3A_80 : memref<1x256xi32, #tpu.memory_space<hbm>>) target(%dma_start3A_78 : memref<1x256xi32, #tpu.memory_space<vmem>>) target_semaphore(%dma_start3A_74 : memref<!tpu.dma_semaphore, #tpu.memory_space<semaphore_mem>>)
      %add3A_81 = arith.constant 0 : i32
      %add3A_82 = arith.constant 1 : i32
      %add3A_83 = arith.addi %add3A_81, %add3A_82 : i32
      %select_n3A_84 = arith.constant true
      %select_n3A_85 = arith.constant 0 : i32
      %select_n3A_86 = arith.select %select_n3A_84, %add3A_83, %select_n3A_85 : i32
      "tpu.trace_stop"() : () -> ()
      %scan3A = arith.constant 0 : i32
      %scan3A_87 = arith.constant 0 : i32
      %scan3A_88 = arith.constant 0 : i32
      %scan3A_89 = arith.constant 0 : i32
      %scan3A_90 = arith.constant 0 : i32
      %scan3A_91 = arith.constant 0 : i32
      %scan3A_92 = arith.constant 400 : i32
      %scan3A_93 = arith.addi %scan3A_91, %scan3A_92 : i32
      %scan3A_94 = arith.constant 1 : i32
      %scan3A_95:6 = scf.for %scan3A_197 = %scan3A_91 to %scan3A_93 step %scan3A_94 iter_args(%scan3A_198 = %select_n3A_86, %scan3A_199 = %scan3A, %scan3A_200 = %scan3A_87, %scan3A_201 = %scan3A_88, %scan3A_202 = %scan3A_89, %scan3A_203 = %scan3A_90) -> (i32, i32, i32, i32, i32, i32)  : i32 {
        %eq3A_204 = arith.constant 0 : i32
        %eq3A_205 = arith.cmpi eq, %scan3A_197, %eq3A_204 : i32
        %eq3A_206 = arith.constant 399 : i32
        %eq3A_207 = arith.cmpi eq, %scan3A_197, %eq3A_206 : i32
        %add3A_208 = arith.constant 0 : i32
        %add3A_209 = arith.addi %scan3A_202, %add3A_208 : i32
        %add3A_210 = arith.addi %scan3A_203, %mul3A_6 : i32
        %sub3A_211 = arith.constant 1 : i32
        %sub3A_212 = arith.subi %scan3A_203, %sub3A_211 : i32
        %select_n3A_213 = arith.constant true
        %select_n3A_214 = arith.select %select_n3A_213, %sub3A_212, %scan3A_203 : i32
        %eq3A_215 = arith.constant -1 : i32
        %eq3A_216 = arith.cmpi eq, %select_n3A_214, %eq3A_215 : i32
        %select_n3A_217 = arith.constant 1 : i32
        %select_n3A_218 = arith.select %eq3A_216, %select_n3A_217, %select_n3A_214 : i32
        %sub3A_219 = arith.constant 1 : i32
        %sub3A_220 = arith.subi %scan3A_202, %sub3A_219 : i32
        %select_n3A_221 = arith.select %eq3A_216, %sub3A_220, %scan3A_202 : i32
        %eq3A_222 = arith.constant -1 : i32
        %eq3A_223 = arith.cmpi eq, %select_n3A_221, %eq3A_222 : i32
        %select_n3A_224 = arith.constant 199 : i32
        %select_n3A_225 = arith.select %eq3A_223, %select_n3A_224, %select_n3A_221 : i32
        %add3A_226 = arith.constant 0 : i32
        %add3A_227 = arith.addi %select_n3A_225, %add3A_226 : i32
        %add3A_228 = arith.addi %select_n3A_218, %mul3A_6 : i32
        %add3A_229 = arith.constant 1 : i32
        %add3A_230 = arith.addi %scan3A_203, %add3A_229 : i32
        %select_n3A_231 = arith.constant true
        %select_n3A_232 = arith.select %select_n3A_231, %add3A_230, %scan3A_203 : i32
        %eq3A_233 = arith.constant 2 : i32
        %eq3A_234 = arith.cmpi eq, %select_n3A_232, %eq3A_233 : i32
        %select_n3A_235 = arith.constant 0 : i32
        %select_n3A_236 = arith.select %eq3A_234, %select_n3A_235, %select_n3A_232 : i32
        %add3A_237 = arith.constant 1 : i32
        %add3A_238 = arith.addi %scan3A_202, %add3A_237 : i32
        %select_n3A_239 = arith.select %eq3A_234, %add3A_238, %scan3A_202 : i32
        %eq3A_240 = arith.constant 200 : i32
        %eq3A_241 = arith.cmpi eq, %select_n3A_239, %eq3A_240 : i32
        %select_n3A_242 = arith.constant 0 : i32
        %select_n3A_243 = arith.select %eq3A_241, %select_n3A_242, %select_n3A_239 : i32
        %add3A_244 = arith.constant 0 : i32
        %add3A_245 = arith.addi %select_n3A_243, %add3A_244 : i32
        %add3A_246 = arith.addi %select_n3A_236, %mul3A_6 : i32
        %add3A_247 = arith.constant 1 : i32
        %add3A_248 = arith.addi %select_n3A_236, %add3A_247 : i32
        %select_n3A_249 = arith.constant true
        %select_n3A_250 = arith.select %select_n3A_249, %add3A_248, %select_n3A_236 : i32
        %eq3A_251 = arith.constant 2 : i32
        %eq3A_252 = arith.cmpi eq, %select_n3A_250, %eq3A_251 : i32
        %select_n3A_253 = arith.constant 0 : i32
        %select_n3A_254 = arith.select %eq3A_252, %select_n3A_253, %select_n3A_250 : i32
        %add3A_255 = arith.constant 1 : i32
        %add3A_256 = arith.addi %select_n3A_243, %add3A_255 : i32
        %select_n3A_257 = arith.select %eq3A_252, %add3A_256, %select_n3A_243 : i32
        %eq3A_258 = arith.constant 200 : i32
        %eq3A_259 = arith.cmpi eq, %select_n3A_257, %eq3A_258 : i32
        %select_n3A_260 = arith.constant 0 : i32
        %select_n3A_261 = arith.select %eq3A_259, %select_n3A_260, %select_n3A_257 : i32
        %add3A_262 = arith.constant 0 : i32
        %add3A_263 = arith.addi %select_n3A_261, %add3A_262 : i32
        %add3A_264 = arith.addi %select_n3A_254, %mul3A_6 : i32
        %ne3A = arith.cmpi ne, %add3A_209, %add3A_245 : i32
        %ne3A_265 = arith.cmpi ne, %add3A_210, %add3A_246 : i32
        %or3A = arith.constant false
        %or3A_266 = arith.ori %or3A, %ne3A : i1
        %or3A_267 = arith.ori %or3A_266, %ne3A_265 : i1
        %ge3A = arith.constant 399 : i32
        %ge3A_268 = arith.cmpi sge, %scan3A_197, %ge3A : i32
        %not3A = arith.constant true
        %not3A_269 = arith.xori %ge3A_268, %not3A : i1
        %and3A = arith.andi %or3A_267, %not3A_269 : i1
        %convert_element_type3A = arith.extui %and3A : i1 to i32
        %cond3A = arith.constant 0 : i32
        %cond3A_270 = arith.cmpi ne, %convert_element_type3A, %cond3A : i32
        scf.if %cond3A_270 {
          "tpu.trace_start"() <{level = 10 : i32, message = "ep_copy_in"}> : () -> ()
          %rem3A_412 = arith.constant 2 : i32
          %rem3A_413 = arith.remui %scan3A_198, %rem3A_412 : i32
          %mul3A_414 = arith.constant 1 : i32
          %mul3A_415 = arith.muli %mul3A_414, %add3A_245 : i32
          %mul3A_416 = arith.constant 256 : i32
          %mul3A_417 = arith.muli %mul3A_416, %add3A_246 : i32
          %dma_start3A_418 = arith.constant 0 : i32
          %dma_start3A_419 = arith.constant 0 : i32
          %dma_start3A_420 = tpu.memref_slice %run_scoped3A[%rem3A_413, %dma_start3A_418, %dma_start3A_419] : memref<2x1x256xi32, #tpu.memory_space<vmem>> -> memref<1x1x256xi32, #tpu.memory_space<vmem>>
          %dma_start3A_421 = tpu.memref_squeeze %dma_start3A_420 : memref<1x1x256xi32, #tpu.memory_space<vmem>> -> memref<1x256xi32, #tpu.memory_space<vmem>>
          %dma_start3A_422 = tpu.memref_slice %arg3[%mul3A_415, %mul3A_417] : memref<200x16384xi32, #tpu.memory_space<hbm>> -> memref<1x256xi32, #tpu.memory_space<hbm>>
          %dma_start3A_423 = tpu.memref_slice %run_scoped3A_7[%rem3A_413] : memref<2x!tpu.dma_semaphore, #tpu.memory_space<semaphore_mem>> -> memref<1x!tpu.dma_semaphore, #tpu.memory_space<semaphore_mem>>
          %dma_start3A_424 = tpu.memref_squeeze %dma_start3A_423 : memref<1x!tpu.dma_semaphore, #tpu.memory_space<semaphore_mem>> -> memref<!tpu.dma_semaphore, #tpu.memory_space<semaphore_mem>>
          %dma_start3A_425 = arith.constant 0 : i32
          %dma_start3A_426 = arith.constant 0 : i32
          %dma_start3A_427 = tpu.memref_slice %run_scoped3A[%rem3A_413, %dma_start3A_425, %dma_start3A_426] : memref<2x1x256xi32, #tpu.memory_space<vmem>> -> memref<1x1x256xi32, #tpu.memory_space<vmem>>
          %dma_start3A_428 = tpu.memref_squeeze %dma_start3A_427 : memref<1x1x256xi32, #tpu.memory_space<vmem>> -> memref<1x256xi32, #tpu.memory_space<vmem>>
          %dma_start3A_429 = tpu.memref_slice %arg3[%mul3A_415, %mul3A_417] : memref<200x16384xi32, #tpu.memory_space<hbm>> -> memref<1x256xi32, #tpu.memory_space<hbm>>
          tpu.enqueue_dma source(%dma_start3A_429 : memref<1x256xi32, #tpu.memory_space<hbm>>) target(%dma_start3A_428 : memref<1x256xi32, #tpu.memory_space<vmem>>) target_semaphore(%dma_start3A_424 : memref<!tpu.dma_semaphore, #tpu.memory_space<semaphore_mem>>)
          "tpu.trace_stop"() : () -> ()
        } else {
        }
        %and3A_271 = arith.constant true
        %and3A_272 = arith.andi %and3A, %and3A_271 : i1
        %add3A_273 = arith.constant 1 : i32
        %add3A_274 = arith.addi %scan3A_198, %add3A_273 : i32
        %select_n3A_275 = arith.select %and3A_272, %add3A_274, %scan3A_198 : i32
        %ne3A_276 = arith.cmpi ne, %add3A_209, %add3A_245 : i32
        %ne3A_277 = arith.cmpi ne, %add3A_210, %add3A_246 : i32
        %or3A_278 = arith.constant false
        %or3A_279 = arith.ori %or3A_278, %ne3A_276 : i1
        %or3A_280 = arith.constant false
        %or3A_281 = arith.ori %or3A_279, %or3A_280 : i1
        %or3A_282 = arith.ori %or3A_281, %ne3A_277 : i1
        %or3A_283 = arith.constant false
        %or3A_284 = arith.ori %or3A_282, %or3A_283 : i1
        %or3A_285 = arith.constant false
        %or3A_286 = arith.ori %or3A_284, %or3A_285 : i1
        %ge3A_287 = arith.constant 399 : i32
        %ge3A_288 = arith.cmpi sge, %scan3A_197, %ge3A_287 : i32
        %not3A_289 = arith.constant true
        %not3A_290 = arith.xori %ge3A_288, %not3A_289 : i1
        %and3A_291 = arith.andi %or3A_286, %not3A_290 : i1
        %ne3A_292 = arith.cmpi ne, %add3A_209, %add3A_227 : i32
        %ne3A_293 = arith.cmpi ne, %add3A_210, %add3A_228 : i32
        %or3A_294 = arith.constant false
        %or3A_295 = arith.ori %or3A_294, %ne3A_292 : i1
        %or3A_296 = arith.ori %or3A_295, %ne3A_293 : i1
        %or3A_297 = arith.ori %or3A_296, %eq3A_205 : i1
        %convert_element_type3A_298 = arith.extui %or3A_297 : i1 to i32
        %cond3A_299 = arith.constant 0 : i32
        %cond3A_300 = arith.cmpi ne, %convert_element_type3A_298, %cond3A_299 : i32
        scf.if %cond3A_300 {
          "tpu.trace_start"() <{level = 10 : i32, message = "ep_wait_in"}> : () -> ()
          %mul3A_412 = arith.constant 1 : i32
          %mul3A_413 = arith.muli %mul3A_412, %add3A_209 : i32
          %mul3A_414 = arith.constant 256 : i32
          %mul3A_415 = arith.muli %mul3A_414, %add3A_210 : i32
          %rem3A_416 = arith.constant 2 : i32
          %rem3A_417 = arith.remui %scan3A_199, %rem3A_416 : i32
          %dma_wait3A_418 = arith.constant 0 : i32
          %dma_wait3A_419 = arith.constant 0 : i32
          %dma_wait3A_420 = tpu.memref_slice %run_scoped3A[%rem3A_417, %dma_wait3A_418, %dma_wait3A_419] : memref<2x1x256xi32, #tpu.memory_space<vmem>> -> memref<1x1x256xi32, #tpu.memory_space<vmem>>
          %dma_wait3A_421 = tpu.memref_squeeze %dma_wait3A_420 : memref<1x1x256xi32, #tpu.memory_space<vmem>> -> memref<1x256xi32, #tpu.memory_space<vmem>>
          %dma_wait3A_422 = tpu.memref_slice %arg3[%mul3A_413, %mul3A_415] : memref<200x16384xi32, #tpu.memory_space<hbm>> -> memref<1x256xi32, #tpu.memory_space<hbm>>
          %dma_wait3A_423 = tpu.memref_slice %run_scoped3A_7[%rem3A_417] : memref<2x!tpu.dma_semaphore, #tpu.memory_space<semaphore_mem>> -> memref<1x!tpu.dma_semaphore, #tpu.memory_space<semaphore_mem>>
          %dma_wait3A_424 = tpu.memref_squeeze %dma_wait3A_423 : memref<1x!tpu.dma_semaphore, #tpu.memory_space<semaphore_mem>> -> memref<!tpu.dma_semaphore, #tpu.memory_space<semaphore_mem>>
          %dma_wait3A_425 = arith.constant 0 : i32
          %dma_wait3A_426 = arith.constant 0 : i32
          %dma_wait3A_427 = tpu.memref_slice %run_scoped3A[%rem3A_417, %dma_wait3A_425, %dma_wait3A_426] : memref<2x1x256xi32, #tpu.memory_space<vmem>> -> memref<1x1x256xi32, #tpu.memory_space<vmem>>
          %dma_wait3A_428 = tpu.memref_squeeze %dma_wait3A_427 : memref<1x1x256xi32, #tpu.memory_space<vmem>> -> memref<1x256xi32, #tpu.memory_space<vmem>>
          %dma_wait3A_429 = tpu.memref_slice %arg3[%mul3A_413, %mul3A_415] : memref<200x16384xi32, #tpu.memory_space<hbm>> -> memref<1x256xi32, #tpu.memory_space<hbm>>
          tpu.wait_dma2 semaphore(%dma_wait3A_424 : memref<!tpu.dma_semaphore, #tpu.memory_space<semaphore_mem>>) src(%dma_wait3A_429 : memref<1x256xi32, #tpu.memory_space<hbm>>) dst(%dma_wait3A_428 : memref<1x256xi32, #tpu.memory_space<vmem>>)
          "tpu.trace_stop"() : () -> ()
        } else {
        }
        %ne3A_301 = arith.cmpi ne, %add3A_209, %add3A_227 : i32
        %ne3A_302 = arith.cmpi ne, %add3A_210, %add3A_228 : i32
        %or3A_303 = arith.constant false
        %or3A_304 = arith.ori %or3A_303, %ne3A_301 : i1
        %or3A_305 = arith.constant false
        %or3A_306 = arith.ori %or3A_304, %or3A_305 : i1
        %or3A_307 = arith.ori %or3A_306, %ne3A_302 : i1
        %or3A_308 = arith.constant false
        %or3A_309 = arith.ori %or3A_307, %or3A_308 : i1
        %or3A_310 = arith.constant false
        %or3A_311 = arith.ori %or3A_309, %or3A_310 : i1
        %or3A_312 = arith.ori %or3A_311, %eq3A_205 : i1
        %convert_element_type3A_313 = arith.extui %or3A_312 : i1 to i32
        %cond3A_314 = arith.constant 0 : i32
        %cond3A_315 = arith.cmpi ne, %convert_element_type3A_313, %cond3A_314 : i32
        scf.if %cond3A_315 {
        } else {
        }
        %rem3A_316 = arith.constant 2 : i32
        %rem3A_317 = arith.remui %scan3A_199, %rem3A_316 : i32
        %rem3A_318 = arith.constant 2 : i32
        %rem3A_319 = arith.remui %scan3A_200, %rem3A_318 : i32
        %parallel_loop3A = arith.constant 0 : i32
        %parallel_loop3A_320 = arith.constant 256 : i32
        %parallel_loop3A_321 = arith.constant 16 : i32
        "tpu.trace_start"() <{level = 10 : i32, message = "ep_run_kernel"}> : () -> ()
        scf.for %parallel_loop3A_412 = %parallel_loop3A to %parallel_loop3A_320 step %parallel_loop3A_321  : i32 {
          %parallel_loop3A_413 = arith.constant 0 : i32
          %parallel_loop3A_414 = arith.constant 0 : i32
          %parallel_loop3A_415 = arith.constant 0 : i32
          %parallel_loop3A_416 = tpu.memref_slice %run_scoped3A[%rem3A_317, %parallel_loop3A_414, %parallel_loop3A_415] : memref<2x1x256xi32, #tpu.memory_space<vmem>> -> memref<1x1x256xi32, #tpu.memory_space<vmem>>
          %parallel_loop3A_417 = tpu.memref_squeeze %parallel_loop3A_416 : memref<1x1x256xi32, #tpu.memory_space<vmem>> -> memref<1x256xi32, #tpu.memory_space<vmem>>
          %parallel_loop3A_418 = arith.index_cast %parallel_loop3A_413 : i32 to index
          %parallel_loop3A_419 = arith.index_cast %parallel_loop3A_412 : i32 to index
          %parallel_loop3A_420 = tpu.vector_load %parallel_loop3A_417[%parallel_loop3A_418, %parallel_loop3A_419] {strides = array<i32>} : memref<1x256xi32, #tpu.memory_space<vmem>>, vector<16xi32>,
          %parallel_loop3A_421 = arith.constant 128 : i32
          %parallel_loop3A_422 = arith.divsi %parallel_loop3A_412, %parallel_loop3A_421 : i32
          %parallel_loop3A_423 = arith.constant 0 : i32
          %parallel_loop3A_424 = arith.cmpi sgt, %parallel_loop3A_412, %parallel_loop3A_423 : i32
          %parallel_loop3A_425 = arith.extui %parallel_loop3A_424 : i1 to i32
          %parallel_loop3A_426 = arith.constant 0 : i32
          %parallel_loop3A_427 = arith.cmpi slt, %parallel_loop3A_412, %parallel_loop3A_426 : i32
          %parallel_loop3A_428 = arith.extui %parallel_loop3A_427 : i1 to i32
          %parallel_loop3A_429 = arith.subi %parallel_loop3A_425, %parallel_loop3A_428 : i32
          %parallel_loop3A_430 = arith.constant 0 : i32
          %parallel_loop3A_431 = arith.cmpi sgt, %parallel_loop3A_421, %parallel_loop3A_430 : i32
          %parallel_loop3A_432 = arith.extui %parallel_loop3A_431 : i1 to i32
          %parallel_loop3A_433 = arith.constant 0 : i32
          %parallel_loop3A_434 = arith.cmpi slt, %parallel_loop3A_421, %parallel_loop3A_433 : i32
          %parallel_loop3A_435 = arith.extui %parallel_loop3A_434 : i1 to i32
          %parallel_loop3A_436 = arith.subi %parallel_loop3A_432, %parallel_loop3A_435 : i32
          %parallel_loop3A_437 = arith.cmpi ne, %parallel_loop3A_429, %parallel_loop3A_436 : i32
          %parallel_loop3A_438 = arith.remsi %parallel_loop3A_412, %parallel_loop3A_421 : i32
          %parallel_loop3A_439 = arith.constant 0 : i32
          %parallel_loop3A_440 = arith.cmpi ne, %parallel_loop3A_438, %parallel_loop3A_439 : i32
          %parallel_loop3A_441 = arith.andi %parallel_loop3A_437, %parallel_loop3A_440 : i1
          %parallel_loop3A_442 = arith.constant 1 : i32
          %parallel_loop3A_443 = arith.subi %parallel_loop3A_422, %parallel_loop3A_442 : i32
          %parallel_loop3A_444 = arith.select %parallel_loop3A_441, %parallel_loop3A_443, %parallel_loop3A_422 : i32
          %parallel_loop3A_445 = arith.constant 128 : i32
          %parallel_loop3A_446 = arith.constant 0 : i32
          %parallel_loop3A_447 = arith.cmpi eq, %parallel_loop3A_445, %parallel_loop3A_446 : i32
          %parallel_loop3A_448 = arith.constant 1 : i32
          %parallel_loop3A_449 = arith.select %parallel_loop3A_447, %parallel_loop3A_448, %parallel_loop3A_445 : i32
          %parallel_loop3A_450 = arith.remsi %parallel_loop3A_412, %parallel_loop3A_449 : i32
          %parallel_loop3A_451 = arith.constant 0 : i32
          %parallel_loop3A_452 = arith.cmpi ne, %parallel_loop3A_450, %parallel_loop3A_451 : i32
          %parallel_loop3A_453 = arith.constant 0 : i32
          %parallel_loop3A_454 = arith.cmpi slt, %parallel_loop3A_450, %parallel_loop3A_453 : i32
          %parallel_loop3A_455 = arith.constant 0 : i32
          %parallel_loop3A_456 = arith.cmpi slt, %parallel_loop3A_449, %parallel_loop3A_455 : i32
          %parallel_loop3A_457 = arith.xori %parallel_loop3A_454, %parallel_loop3A_456 : i1
          %parallel_loop3A_458 = arith.andi %parallel_loop3A_457, %parallel_loop3A_452 : i1
          %parallel_loop3A_459 = arith.addi %parallel_loop3A_450, %parallel_loop3A_449 : i32
          %parallel_loop3A_460 = arith.select %parallel_loop3A_458, %parallel_loop3A_459, %parallel_loop3A_450 : i32
          %parallel_loop3A_461 = arith.constant 0 : i32
          %parallel_loop3A_462 = vector.broadcast %parallel_loop3A_461 : i32 to vector<16xi32>
          %parallel_loop3A_463 = arith.addi %parallel_loop3A_420, %parallel_loop3A_462 : vector<16xi32>
          %parallel_loop3A_464 = tpu.vector_load_idx %arg5[%parallel_loop3A_463] : memref<4096xf32, #tpu.memory_space<vmem>>[vector<16xi32>], vector<16xf32>,
          %parallel_loop3A_465 = arith.constant 0 : i32
          %parallel_loop3A_466 = arith.constant 0 : i32
          %parallel_loop3A_467 = arith.constant 0 : i32
          %parallel_loop3A_468 = arith.constant 0 : i32
          %parallel_loop3A_469 = arith.constant 0 : i32
          %parallel_loop3A_470 = arith.constant 0 : i32
          %parallel_loop3A_471 = arith.constant 0 : i32
          %parallel_loop3A_472 = arith.constant 0 : i32
          %parallel_loop3A_473 = tpu.memref_slice %run_scoped3A_8[%rem3A_319, %parallel_loop3A_468, %parallel_loop3A_469, %parallel_loop3A_470, %parallel_loop3A_471, %parallel_loop3A_472] : memref<2x1x4x2x8x128xf32, #tpu.memory_space<vmem>> -> memref<1x1x4x2x8x128xf32, #tpu.memory_space<vmem>>
          %parallel_loop3A_474 = tpu.memref_squeeze %parallel_loop3A_473 : memref<1x1x4x2x8x128xf32, #tpu.memory_space<vmem>> -> memref<1x4x2x8x128xf32, #tpu.memory_space<vmem>>
          %parallel_loop3A_475 = arith.index_cast %parallel_loop3A_465 : i32 to index
          %parallel_loop3A_476 = arith.index_cast %parallel_loop3A_466 : i32 to index
          %parallel_loop3A_477 = arith.index_cast %parallel_loop3A_444 : i32 to index
          %parallel_loop3A_478 = arith.index_cast %parallel_loop3A_467 : i32 to index
          %parallel_loop3A_479 = arith.index_cast %parallel_loop3A_460 : i32 to index
          %parallel_loop3A_480 = tpu.vector_load %parallel_loop3A_474[%parallel_loop3A_475, %parallel_loop3A_476, %parallel_loop3A_477, %parallel_loop3A_478, %parallel_loop3A_479] {strides = array<i32>} : memref<1x4x2x8x128xf32, #tpu.memory_space<vmem>>, vector<16xf32>,
          tpu.vector_store %parallel_loop3A_474[%parallel_loop3A_475, %parallel_loop3A_476, %parallel_loop3A_477, %parallel_loop3A_478, %parallel_loop3A_479], %parallel_loop3A_464 {strides = array<i32>} : memref<1x4x2x8x128xf32, #tpu.memory_space<vmem>>, vector<16xf32>,
          %parallel_loop3A_481 = arith.constant 128 : i32
          %parallel_loop3A_482 = vector.broadcast %parallel_loop3A_481 : i32 to vector<16xi32>
          %parallel_loop3A_483 = arith.addi %parallel_loop3A_420, %parallel_loop3A_482 : vector<16xi32>
          %parallel_loop3A_484 = tpu.vector_load_idx %arg5[%parallel_loop3A_483] : memref<4096xf32, #tpu.memory_space<vmem>>[vector<16xi32>], vector<16xf32>,
          %parallel_loop3A_485 = arith.constant 0 : i32
          %parallel_loop3A_486 = arith.constant 0 : i32
          %parallel_loop3A_487 = arith.constant 1 : i32
          %parallel_loop3A_488 = arith.constant 0 : i32
          %parallel_loop3A_489 = arith.constant 0 : i32
          %parallel_loop3A_490 = arith.constant 0 : i32
          %parallel_loop3A_491 = arith.constant 0 : i32
          %parallel_loop3A_492 = arith.constant 0 : i32
          %parallel_loop3A_493 = tpu.memref_slice %run_scoped3A_8[%rem3A_319, %parallel_loop3A_488, %parallel_loop3A_489, %parallel_loop3A_490, %parallel_loop3A_491, %parallel_loop3A_492] : memref<2x1x4x2x8x128xf32, #tpu.memory_space<vmem>> -> memref<1x1x4x2x8x128xf32, #tpu.memory_space<vmem>>
          %parallel_loop3A_494 = tpu.memref_squeeze %parallel_loop3A_493 : memref<1x1x4x2x8x128xf32, #tpu.memory_space<vmem>> -> memref<1x4x2x8x128xf32, #tpu.memory_space<vmem>>
          %parallel_loop3A_495 = arith.index_cast %parallel_loop3A_485 : i32 to index
          %parallel_loop3A_496 = arith.index_cast %parallel_loop3A_486 : i32 to index
          %parallel_loop3A_497 = arith.index_cast %parallel_loop3A_444 : i32 to index
          %parallel_loop3A_498 = arith.index_cast %parallel_loop3A_487 : i32 to index
          %parallel_loop3A_499 = arith.index_cast %parallel_loop3A_460 : i32 to index
          %parallel_loop3A_500 = tpu.vector_load %parallel_loop3A_494[%parallel_loop3A_495, %parallel_loop3A_496, %parallel_loop3A_497, %parallel_loop3A_498, %parallel_loop3A_499] {strides = array<i32>} : memref<1x4x2x8x128xf32, #tpu.memory_space<vmem>>, vector<16xf32>,
          tpu.vector_store %parallel_loop3A_494[%parallel_loop3A_495, %parallel_loop3A_496, %parallel_loop3A_497, %parallel_loop3A_498, %parallel_loop3A_499], %parallel_loop3A_484 {strides = array<i32>} : memref<1x4x2x8x128xf32, #tpu.memory_space<vmem>>, vector<16xf32>,
          %parallel_loop3A_501 = arith.constant 256 : i32
          %parallel_loop3A_502 = vector.broadcast %parallel_loop3A_501 : i32 to vector<16xi32>
          %parallel_loop3A_503 = arith.addi %parallel_loop3A_420, %parallel_loop3A_502 : vector<16xi32>
          %parallel_loop3A_504 = tpu.vector_load_idx %arg5[%parallel_loop3A_503] : memref<4096xf32, #tpu.memory_space<vmem>>[vector<16xi32>], vector<16xf32>,
          %parallel_loop3A_505 = arith.constant 0 : i32
          %parallel_loop3A_506 = arith.constant 0 : i32
          %parallel_loop3A_507 = arith.constant 2 : i32
          %parallel_loop3A_508 = arith.constant 0 : i32
          %parallel_loop3A_509 = arith.constant 0 : i32
          %parallel_loop3A_510 = arith.constant 0 : i32
          %parallel_loop3A_511 = arith.constant 0 : i32
          %parallel_loop3A_512 = arith.constant 0 : i32
          %parallel_loop3A_513 = tpu.memref_slice %run_scoped3A_8[%rem3A_319, %parallel_loop3A_508, %parallel_loop3A_509, %parallel_loop3A_510, %parallel_loop3A_511, %parallel_loop3A_512] : memref<2x1x4x2x8x128xf32, #tpu.memory_space<vmem>> -> memref<1x1x4x2x8x128xf32, #tpu.memory_space<vmem>>
          %parallel_loop3A_514 = tpu.memref_squeeze %parallel_loop3A_513 : memref<1x1x4x2x8x128xf32, #tpu.memory_space<vmem>> -> memref<1x4x2x8x128xf32, #tpu.memory_space<vmem>>
          %parallel_loop3A_515 = arith.index_cast %parallel_loop3A_505 : i32 to index
          %parallel_loop3A_516 = arith.index_cast %parallel_loop3A_506 : i32 to index
          %parallel_loop3A_517 = arith.index_cast %parallel_loop3A_444 : i32 to index
          %parallel_loop3A_518 = arith.index_cast %parallel_loop3A_507 : i32 to index
          %parallel_loop3A_519 = arith.index_cast %parallel_loop3A_460 : i32 to index
          %parallel_loop3A_520 = tpu.vector_load %parallel_loop3A_514[%parallel_loop3A_515, %parallel_loop3A_516, %parallel_loop3A_517, %parallel_loop3A_518, %parallel_loop3A_519] {strides = array<i32>} : memref<1x4x2x8x128xf32, #tpu.memory_space<vmem>>, vector<16xf32>,
          tpu.vector_store %parallel_loop3A_514[%parallel_loop3A_515, %parallel_loop3A_516, %parallel_loop3A_517, %parallel_loop3A_518, %parallel_loop3A_519], %parallel_loop3A_504 {strides = array<i32>} : memref<1x4x2x8x128xf32, #tpu.memory_space<vmem>>, vector<16xf32>,
          %parallel_loop3A_521 = arith.constant 384 : i32
          %parallel_loop3A_522 = vector.broadcast %parallel_loop3A_521 : i32 to vector<16xi32>
          %parallel_loop3A_523 = arith.addi %parallel_loop3A_420, %parallel_loop3A_522 : vector<16xi32>
          %parallel_loop3A_524 = tpu.vector_load_idx %arg5[%parallel_loop3A_523] : memref<4096xf32, #tpu.memory_space<vmem>>[vector<16xi32>], vector<16xf32>,
          %parallel_loop3A_525 = arith.constant 0 : i32
          %parallel_loop3A_526 = arith.constant 0 : i32
          %parallel_loop3A_527 = arith.constant 3 : i32
          %parallel_loop3A_528 = arith.constant 0 : i32
          %parallel_loop3A_529 = arith.constant 0 : i32
          %parallel_loop3A_530 = arith.constant 0 : i32
          %parallel_loop3A_531 = arith.constant 0 : i32
          %parallel_loop3A_532 = arith.constant 0 : i32
          %parallel_loop3A_533 = tpu.memref_slice %run_scoped3A_8[%rem3A_319, %parallel_loop3A_528, %parallel_loop3A_529, %parallel_loop3A_530, %parallel_loop3A_531, %parallel_loop3A_532] : memref<2x1x4x2x8x128xf32, #tpu.memory_space<vmem>> -> memref<1x1x4x2x8x128xf32, #tpu.memory_space<vmem>>
          %parallel_loop3A_534 = tpu.memref_squeeze %parallel_loop3A_533 : memref<1x1x4x2x8x128xf32, #tpu.memory_space<vmem>> -> memref<1x4x2x8x128xf32, #tpu.memory_space<vmem>>
          %parallel_loop3A_535 = arith.index_cast %parallel_loop3A_525 : i32 to index
          %parallel_loop3A_536 = arith.index_cast %parallel_loop3A_526 : i32 to index
          %parallel_loop3A_537 = arith.index_cast %parallel_loop3A_444 : i32 to index
          %parallel_loop3A_538 = arith.index_cast %parallel_loop3A_527 : i32 to index
          %parallel_loop3A_539 = arith.index_cast %parallel_loop3A_460 : i32 to index
          %parallel_loop3A_540 = tpu.vector_load %parallel_loop3A_534[%parallel_loop3A_535, %parallel_loop3A_536, %parallel_loop3A_537, %parallel_loop3A_538, %parallel_loop3A_539] {strides = array<i32>} : memref<1x4x2x8x128xf32, #tpu.memory_space<vmem>>, vector<16xf32>,
          tpu.vector_store %parallel_loop3A_534[%parallel_loop3A_535, %parallel_loop3A_536, %parallel_loop3A_537, %parallel_loop3A_538, %parallel_loop3A_539], %parallel_loop3A_524 {strides = array<i32>} : memref<1x4x2x8x128xf32, #tpu.memory_space<vmem>>, vector<16xf32>,
          %parallel_loop3A_541 = arith.constant 512 : i32
          %parallel_loop3A_542 = vector.broadcast %parallel_loop3A_541 : i32 to vector<16xi32>
          %parallel_loop3A_543 = arith.addi %parallel_loop3A_420, %parallel_loop3A_542 : vector<16xi32>
          %parallel_loop3A_544 = tpu.vector_load_idx %arg5[%parallel_loop3A_543] : memref<4096xf32, #tpu.memory_space<vmem>>[vector<16xi32>], vector<16xf32>,
          %parallel_loop3A_545 = arith.constant 0 : i32
          %parallel_loop3A_546 = arith.constant 0 : i32
          %parallel_loop3A_547 = arith.constant 4 : i32
          %parallel_loop3A_548 = arith.constant 0 : i32
          %parallel_loop3A_549 = arith.constant 0 : i32
          %parallel_loop3A_550 = arith.constant 0 : i32
          %parallel_loop3A_551 = arith.constant 0 : i32
          %parallel_loop3A_552 = arith.constant 0 : i32
          %parallel_loop3A_553 = tpu.memref_slice %run_scoped3A_8[%rem3A_319, %parallel_loop3A_548, %parallel_loop3A_549, %parallel_loop3A_550, %parallel_loop3A_551, %parallel_loop3A_552] : memref<2x1x4x2x8x128xf32, #tpu.memory_space<vmem>> -> memref<1x1x4x2x8x128xf32, #tpu.memory_space<vmem>>
          %parallel_loop3A_554 = tpu.memref_squeeze %parallel_loop3A_553 : memref<1x1x4x2x8x128xf32, #tpu.memory_space<vmem>> -> memref<1x4x2x8x128xf32, #tpu.memory_space<vmem>>
          %parallel_loop3A_555 = arith.index_cast %parallel_loop3A_545 : i32 to index
          %parallel_loop3A_556 = arith.index_cast %parallel_loop3A_546 : i32 to index
          %parallel_loop3A_557 = arith.index_cast %parallel_loop3A_444 : i32 to index
          %parallel_loop3A_558 = arith.index_cast %parallel_loop3A_547 : i32 to index
          %parallel_loop3A_559 = arith.index_cast %parallel_loop3A_460 : i32 to index
          %parallel_loop3A_560 = tpu.vector_load %parallel_loop3A_554[%parallel_loop3A_555, %parallel_loop3A_556, %parallel_loop3A_557, %parallel_loop3A_558, %parallel_loop3A_559] {strides = array<i32>} : memref<1x4x2x8x128xf32, #tpu.memory_space<vmem>>, vector<16xf32>,
          tpu.vector_store %parallel_loop3A_554[%parallel_loop3A_555, %parallel_loop3A_556, %parallel_loop3A_557, %parallel_loop3A_558, %parallel_loop3A_559], %parallel_loop3A_544 {strides = array<i32>} : memref<1x4x2x8x128xf32, #tpu.memory_space<vmem>>, vector<16xf32>,
          %parallel_loop3A_561 = arith.constant 640 : i32
          %parallel_loop3A_562 = vector.broadcast %parallel_loop3A_561 : i32 to vector<16xi32>
          %parallel_loop3A_563 = arith.addi %parallel_loop3A_420, %parallel_loop3A_562 : vector<16xi32>
          %parallel_loop3A_564 = tpu.vector_load_idx %arg5[%parallel_loop3A_563] : memref<4096xf32, #tpu.memory_space<vmem>>[vector<16xi32>], vector<16xf32>,
          %parallel_loop3A_565 = arith.constant 0 : i32
          %parallel_loop3A_566 = arith.constant 0 : i32
          %parallel_loop3A_567 = arith.constant 5 : i32
          %parallel_loop3A_568 = arith.constant 0 : i32
          %parallel_loop3A_569 = arith.constant 0 : i32
          %parallel_loop3A_570 = arith.constant 0 : i32
          %parallel_loop3A_571 = arith.constant 0 : i32
          %parallel_loop3A_572 = arith.constant 0 : i32
          %parallel_loop3A_573 = tpu.memref_slice %run_scoped3A_8[%rem3A_319, %parallel_loop3A_568, %parallel_loop3A_569, %parallel_loop3A_570, %parallel_loop3A_571, %parallel_loop3A_572] : memref<2x1x4x2x8x128xf32, #tpu.memory_space<vmem>> -> memref<1x1x4x2x8x128xf32, #tpu.memory_space<vmem>>
          %parallel_loop3A_574 = tpu.memref_squeeze %parallel_loop3A_573 : memref<1x1x4x2x8x128xf32, #tpu.memory_space<vmem>> -> memref<1x4x2x8x128xf32, #tpu.memory_space<vmem>>
          %parallel_loop3A_575 = arith.index_cast %parallel_loop3A_565 : i32 to index
          %parallel_loop3A_576 = arith.index_cast %parallel_loop3A_566 : i32 to index
          %parallel_loop3A_577 = arith.index_cast %parallel_loop3A_444 : i32 to index
          %parallel_loop3A_578 = arith.index_cast %parallel_loop3A_567 : i32 to index
          %parallel_loop3A_579 = arith.index_cast %parallel_loop3A_460 : i32 to index
          %parallel_loop3A_580 = tpu.vector_load %parallel_loop3A_574[%parallel_loop3A_575, %parallel_loop3A_576, %parallel_loop3A_577, %parallel_loop3A_578, %parallel_loop3A_579] {strides = array<i32>} : memref<1x4x2x8x128xf32, #tpu.memory_space<vmem>>, vector<16xf32>,
          tpu.vector_store %parallel_loop3A_574[%parallel_loop3A_575, %parallel_loop3A_576, %parallel_loop3A_577, %parallel_loop3A_578, %parallel_loop3A_579], %parallel_loop3A_564 {strides = array<i32>} : memref<1x4x2x8x128xf32, #tpu.memory_space<vmem>>, vector<16xf32>,
          %parallel_loop3A_581 = arith.constant 768 : i32
          %parallel_loop3A_582 = vector.broadcast %parallel_loop3A_581 : i32 to vector<16xi32>
          %parallel_loop3A_583 = arith.addi %parallel_loop3A_420, %parallel_loop3A_582 : vector<16xi32>
          %parallel_loop3A_584 = tpu.vector_load_idx %arg5[%parallel_loop3A_583] : memref<4096xf32, #tpu.memory_space<vmem>>[vector<16xi32>], vector<16xf32>,
          %parallel_loop3A_585 = arith.constant 0 : i32
          %parallel_loop3A_586 = arith.constant 0 : i32
          %parallel_loop3A_587 = arith.constant 6 : i32
          %parallel_loop3A_588 = arith.constant 0 : i32
          %parallel_loop3A_589 = arith.constant 0 : i32
          %parallel_loop3A_590 = arith.constant 0 : i32
          %parallel_loop3A_591 = arith.constant 0 : i32
          %parallel_loop3A_592 = arith.constant 0 : i32
          %parallel_loop3A_593 = tpu.memref_slice %run_scoped3A_8[%rem3A_319, %parallel_loop3A_588, %parallel_loop3A_589, %parallel_loop3A_590, %parallel_loop3A_591, %parallel_loop3A_592] : memref<2x1x4x2x8x128xf32, #tpu.memory_space<vmem>> -> memref<1x1x4x2x8x128xf32, #tpu.memory_space<vmem>>
          %parallel_loop3A_594 = tpu.memref_squeeze %parallel_loop3A_593 : memref<1x1x4x2x8x128xf32, #tpu.memory_space<vmem>> -> memref<1x4x2x8x128xf32, #tpu.memory_space<vmem>>
          %parallel_loop3A_595 = arith.index_cast %parallel_loop3A_585 : i32 to index
          %parallel_loop3A_596 = arith.index_cast %parallel_loop3A_586 : i32 to index
          %parallel_loop3A_597 = arith.index_cast %parallel_loop3A_444 : i32 to index
          %parallel_loop3A_598 = arith.index_cast %parallel_loop3A_587 : i32 to index
          %parallel_loop3A_599 = arith.index_cast %parallel_loop3A_460 : i32 to index
          %parallel_loop3A_600 = tpu.vector_load %parallel_loop3A_594[%parallel_loop3A_595, %parallel_loop3A_596, %parallel_loop3A_597, %parallel_loop3A_598, %parallel_loop3A_599] {strides = array<i32>} : memref<1x4x2x8x128xf32, #tpu.memory_space<vmem>>, vector<16xf32>,
          tpu.vector_store %parallel_loop3A_594[%parallel_loop3A_595, %parallel_loop3A_596, %parallel_loop3A_597, %parallel_loop3A_598, %parallel_loop3A_599], %parallel_loop3A_584 {strides = array<i32>} : memref<1x4x2x8x128xf32, #tpu.memory_space<vmem>>, vector<16xf32>,
          %parallel_loop3A_601 = arith.constant 896 : i32
          %parallel_loop3A_602 = vector.broadcast %parallel_loop3A_601 : i32 to vector<16xi32>
          %parallel_loop3A_603 = arith.addi %parallel_loop3A_420, %parallel_loop3A_602 : vector<16xi32>
          %parallel_loop3A_604 = tpu.vector_load_idx %arg5[%parallel_loop3A_603] : memref<4096xf32, #tpu.memory_space<vmem>>[vector<16xi32>], vector<16xf32>,
          %parallel_loop3A_605 = arith.constant 0 : i32
          %parallel_loop3A_606 = arith.constant 0 : i32
          %parallel_loop3A_607 = arith.constant 7 : i32
          %parallel_loop3A_608 = arith.constant 0 : i32
          %parallel_loop3A_609 = arith.constant 0 : i32
          %parallel_loop3A_610 = arith.constant 0 : i32
          %parallel_loop3A_611 = arith.constant 0 : i32
          %parallel_loop3A_612 = arith.constant 0 : i32
          %parallel_loop3A_613 = tpu.memref_slice %run_scoped3A_8[%rem3A_319, %parallel_loop3A_608, %parallel_loop3A_609, %parallel_loop3A_610, %parallel_loop3A_611, %parallel_loop3A_612] : memref<2x1x4x2x8x128xf32, #tpu.memory_space<vmem>> -> memref<1x1x4x2x8x128xf32, #tpu.memory_space<vmem>>
          %parallel_loop3A_614 = tpu.memref_squeeze %parallel_loop3A_613 : memref<1x1x4x2x8x128xf32, #tpu.memory_space<vmem>> -> memref<1x4x2x8x128xf32, #tpu.memory_space<vmem>>
          %parallel_loop3A_615 = arith.index_cast %parallel_loop3A_605 : i32 to index
          %parallel_loop3A_616 = arith.index_cast %parallel_loop3A_606 : i32 to index
          %parallel_loop3A_617 = arith.index_cast %parallel_loop3A_444 : i32 to index
          %parallel_loop3A_618 = arith.index_cast %parallel_loop3A_607 : i32 to index
          %parallel_loop3A_619 = arith.index_cast %parallel_loop3A_460 : i32 to index
          %parallel_loop3A_620 = tpu.vector_load %parallel_loop3A_614[%parallel_loop3A_615, %parallel_loop3A_616, %parallel_loop3A_617, %parallel_loop3A_618, %parallel_loop3A_619] {strides = array<i32>} : memref<1x4x2x8x128xf32, #tpu.memory_space<vmem>>, vector<16xf32>,
          tpu.vector_store %parallel_loop3A_614[%parallel_loop3A_615, %parallel_loop3A_616, %parallel_loop3A_617, %parallel_loop3A_618, %parallel_loop3A_619], %parallel_loop3A_604 {strides = array<i32>} : memref<1x4x2x8x128xf32, #tpu.memory_space<vmem>>, vector<16xf32>,
          %parallel_loop3A_621 = arith.constant 1024 : i32
          %parallel_loop3A_622 = vector.broadcast %parallel_loop3A_621 : i32 to vector<16xi32>
          %parallel_loop3A_623 = arith.addi %parallel_loop3A_420, %parallel_loop3A_622 : vector<16xi32>
          %parallel_loop3A_624 = tpu.vector_load_idx %arg5[%parallel_loop3A_623] : memref<4096xf32, #tpu.memory_space<vmem>>[vector<16xi32>], vector<16xf32>,
          %parallel_loop3A_625 = arith.constant 0 : i32
          %parallel_loop3A_626 = arith.constant 1 : i32
          %parallel_loop3A_627 = arith.constant 0 : i32
          %parallel_loop3A_628 = arith.constant 0 : i32
          %parallel_loop3A_629 = arith.constant 0 : i32
          %parallel_loop3A_630 = arith.constant 0 : i32
          %parallel_loop3A_631 = arith.constant 0 : i32
          %parallel_loop3A_632 = arith.constant 0 : i32
          %parallel_loop3A_633 = tpu.memref_slice %run_scoped3A_8[%rem3A_319, %parallel_loop3A_628, %parallel_loop3A_629, %parallel_loop3A_630, %parallel_loop3A_631, %parallel_loop3A_632] : memref<2x1x4x2x8x128xf32, #tpu.memory_space<vmem>> -> memref<1x1x4x2x8x128xf32, #tpu.memory_space<vmem>>
          %parallel_loop3A_634 = tpu.memref_squeeze %parallel_loop3A_633 : memref<1x1x4x2x8x128xf32, #tpu.memory_space<vmem>> -> memref<1x4x2x8x128xf32, #tpu.memory_space<vmem>>
          %parallel_loop3A_635 = arith.index_cast %parallel_loop3A_625 : i32 to index
          %parallel_loop3A_636 = arith.index_cast %parallel_loop3A_626 : i32 to index
          %parallel_loop3A_637 = arith.index_cast %parallel_loop3A_444 : i32 to index
          %parallel_loop3A_638 = arith.index_cast %parallel_loop3A_627 : i32 to index
          %parallel_loop3A_639 = arith.index_cast %parallel_loop3A_460 : i32 to index
          %parallel_loop3A_640 = tpu.vector_load %parallel_loop3A_634[%parallel_loop3A_635, %parallel_loop3A_636, %parallel_loop3A_637, %parallel_loop3A_638, %parallel_loop3A_639] {strides = array<i32>} : memref<1x4x2x8x128xf32, #tpu.memory_space<vmem>>, vector<16xf32>,
          tpu.vector_store %parallel_loop3A_634[%parallel_loop3A_635, %parallel_loop3A_636, %parallel_loop3A_637, %parallel_loop3A_638, %parallel_loop3A_639], %parallel_loop3A_624 {strides = array<i32>} : memref<1x4x2x8x128xf32, #tpu.memory_space<vmem>>, vector<16xf32>,
          %parallel_loop3A_641 = arith.constant 1152 : i32
          %parallel_loop3A_642 = vector.broadcast %parallel_loop3A_641 : i32 to vector<16xi32>
          %parallel_loop3A_643 = arith.addi %parallel_loop3A_420, %parallel_loop3A_642 : vector<16xi32>
          %parallel_loop3A_644 = tpu.vector_load_idx %arg5[%parallel_loop3A_643] : memref<4096xf32, #tpu.memory_space<vmem>>[vector<16xi32>], vector<16xf32>,
          %parallel_loop3A_645 = arith.constant 0 : i32
          %parallel_loop3A_646 = arith.constant 1 : i32
          %parallel_loop3A_647 = arith.constant 1 : i32
          %parallel_loop3A_648 = arith.constant 0 : i32
          %parallel_loop3A_649 = arith.constant 0 : i32
          %parallel_loop3A_650 = arith.constant 0 : i32
          %parallel_loop3A_651 = arith.constant 0 : i32
          %parallel_loop3A_652 = arith.constant 0 : i32
          %parallel_loop3A_653 = tpu.memref_slice %run_scoped3A_8[%rem3A_319, %parallel_loop3A_648, %parallel_loop3A_649, %parallel_loop3A_650, %parallel_loop3A_651, %parallel_loop3A_652] : memref<2x1x4x2x8x128xf32, #tpu.memory_space<vmem>> -> memref<1x1x4x2x8x128xf32, #tpu.memory_space<vmem>>
          %parallel_loop3A_654 = tpu.memref_squeeze %parallel_loop3A_653 : memref<1x1x4x2x8x128xf32, #tpu.memory_space<vmem>> -> memref<1x4x2x8x128xf32, #tpu.memory_space<vmem>>
          %parallel_loop3A_655 = arith.index_cast %parallel_loop3A_645 : i32 to index
          %parallel_loop3A_656 = arith.index_cast %parallel_loop3A_646 : i32 to index
          %parallel_loop3A_657 = arith.index_cast %parallel_loop3A_444 : i32 to index
          %parallel_loop3A_658 = arith.index_cast %parallel_loop3A_647 : i32 to index
          %parallel_loop3A_659 = arith.index_cast %parallel_loop3A_460 : i32 to index
          %parallel_loop3A_660 = tpu.vector_load %parallel_loop3A_654[%parallel_loop3A_655, %parallel_loop3A_656, %parallel_loop3A_657, %parallel_loop3A_658, %parallel_loop3A_659] {strides = array<i32>} : memref<1x4x2x8x128xf32, #tpu.memory_space<vmem>>, vector<16xf32>,
          tpu.vector_store %parallel_loop3A_654[%parallel_loop3A_655, %parallel_loop3A_656, %parallel_loop3A_657, %parallel_loop3A_658, %parallel_loop3A_659], %parallel_loop3A_644 {strides = array<i32>} : memref<1x4x2x8x128xf32, #tpu.memory_space<vmem>>, vector<16xf32>,
          %parallel_loop3A_661 = arith.constant 1280 : i32
          %parallel_loop3A_662 = vector.broadcast %parallel_loop3A_661 : i32 to vector<16xi32>
          %parallel_loop3A_663 = arith.addi %parallel_loop3A_420, %parallel_loop3A_662 : vector<16xi32>
          %parallel_loop3A_664 = tpu.vector_load_idx %arg5[%parallel_loop3A_663] : memref<4096xf32, #tpu.memory_space<vmem>>[vector<16xi32>], vector<16xf32>,
          %parallel_loop3A_665 = arith.constant 0 : i32
          %parallel_loop3A_666 = arith.constant 1 : i32
          %parallel_loop3A_667 = arith.constant 2 : i32
          %parallel_loop3A_668 = arith.constant 0 : i32
          %parallel_loop3A_669 = arith.constant 0 : i32
          %parallel_loop3A_670 = arith.constant 0 : i32
          %parallel_loop3A_671 = arith.constant 0 : i32
          %parallel_loop3A_672 = arith.constant 0 : i32
          %parallel_loop3A_673 = tpu.memref_slice %run_scoped3A_8[%rem3A_319, %parallel_loop3A_668, %parallel_loop3A_669, %parallel_loop3A_670, %parallel_loop3A_671, %parallel_loop3A_672] : memref<2x1x4x2x8x128xf32, #tpu.memory_space<vmem>> -> memref<1x1x4x2x8x128xf32, #tpu.memory_space<vmem>>
          %parallel_loop3A_674 = tpu.memref_squeeze %parallel_loop3A_673 : memref<1x1x4x2x8x128xf32, #tpu.memory_space<vmem>> -> memref<1x4x2x8x128xf32, #tpu.memory_space<vmem>>
          %parallel_loop3A_675 = arith.index_cast %parallel_loop3A_665 : i32 to index
          %parallel_loop3A_676 = arith.index_cast %parallel_loop3A_666 : i32 to index
          %parallel_loop3A_677 = arith.index_cast %parallel_loop3A_444 : i32 to index
          %parallel_loop3A_678 = arith.index_cast %parallel_loop3A_667 : i32 to index
          %parallel_loop3A_679 = arith.index_cast %parallel_loop3A_460 : i32 to index
          %parallel_loop3A_680 = tpu.vector_load %parallel_loop3A_674[%parallel_loop3A_675, %parallel_loop3A_676, %parallel_loop3A_677, %parallel_loop3A_678, %parallel_loop3A_679] {strides = array<i32>} : memref<1x4x2x8x128xf32, #tpu.memory_space<vmem>>, vector<16xf32>,
          tpu.vector_store %parallel_loop3A_674[%parallel_loop3A_675, %parallel_loop3A_676, %parallel_loop3A_677, %parallel_loop3A_678, %parallel_loop3A_679], %parallel_loop3A_664 {strides = array<i32>} : memref<1x4x2x8x128xf32, #tpu.memory_space<vmem>>, vector<16xf32>,
          %parallel_loop3A_681 = arith.constant 1408 : i32
          %parallel_loop3A_682 = vector.broadcast %parallel_loop3A_681 : i32 to vector<16xi32>
          %parallel_loop3A_683 = arith.addi %parallel_loop3A_420, %parallel_loop3A_682 : vector<16xi32>
          %parallel_loop3A_684 = tpu.vector_load_idx %arg5[%parallel_loop3A_683] : memref<4096xf32, #tpu.memory_space<vmem>>[vector<16xi32>], vector<16xf32>,
          %parallel_loop3A_685 = arith.constant 0 : i32
          %parallel_loop3A_686 = arith.constant 1 : i32
          %parallel_loop3A_687 = arith.constant 3 : i32
          %parallel_loop3A_688 = arith.constant 0 : i32
          %parallel_loop3A_689 = arith.constant 0 : i32
          %parallel_loop3A_690 = arith.constant 0 : i32
          %parallel_loop3A_691 = arith.constant 0 : i32
          %parallel_loop3A_692 = arith.constant 0 : i32
          %parallel_loop3A_693 = tpu.memref_slice %run_scoped3A_8[%rem3A_319, %parallel_loop3A_688, %parallel_loop3A_689, %parallel_loop3A_690, %parallel_loop3A_691, %parallel_loop3A_692] : memref<2x1x4x2x8x128xf32, #tpu.memory_space<vmem>> -> memref<1x1x4x2x8x128xf32, #tpu.memory_space<vmem>>
          %parallel_loop3A_694 = tpu.memref_squeeze %parallel_loop3A_693 : memref<1x1x4x2x8x128xf32, #tpu.memory_space<vmem>> -> memref<1x4x2x8x128xf32, #tpu.memory_space<vmem>>
          %parallel_loop3A_695 = arith.index_cast %parallel_loop3A_685 : i32 to index
          %parallel_loop3A_696 = arith.index_cast %parallel_loop3A_686 : i32 to index
          %parallel_loop3A_697 = arith.index_cast %parallel_loop3A_444 : i32 to index
          %parallel_loop3A_698 = arith.index_cast %parallel_loop3A_687 : i32 to index
          %parallel_loop3A_699 = arith.index_cast %parallel_loop3A_460 : i32 to index
          %parallel_loop3A_700 = tpu.vector_load %parallel_loop3A_694[%parallel_loop3A_695, %parallel_loop3A_696, %parallel_loop3A_697, %parallel_loop3A_698, %parallel_loop3A_699] {strides = array<i32>} : memref<1x4x2x8x128xf32, #tpu.memory_space<vmem>>, vector<16xf32>,
          tpu.vector_store %parallel_loop3A_694[%parallel_loop3A_695, %parallel_loop3A_696, %parallel_loop3A_697, %parallel_loop3A_698, %parallel_loop3A_699], %parallel_loop3A_684 {strides = array<i32>} : memref<1x4x2x8x128xf32, #tpu.memory_space<vmem>>, vector<16xf32>,
          %parallel_loop3A_701 = arith.constant 1536 : i32
          %parallel_loop3A_702 = vector.broadcast %parallel_loop3A_701 : i32 to vector<16xi32>
          %parallel_loop3A_703 = arith.addi %parallel_loop3A_420, %parallel_loop3A_702 : vector<16xi32>
          %parallel_loop3A_704 = tpu.vector_load_idx %arg5[%parallel_loop3A_703] : memref<4096xf32, #tpu.memory_space<vmem>>[vector<16xi32>], vector<16xf32>,
          %parallel_loop3A_705 = arith.constant 0 : i32
          %parallel_loop3A_706 = arith.constant 1 : i32
          %parallel_loop3A_707 = arith.constant 4 : i32
          %parallel_loop3A_708 = arith.constant 0 : i32
          %parallel_loop3A_709 = arith.constant 0 : i32
          %parallel_loop3A_710 = arith.constant 0 : i32
          %parallel_loop3A_711 = arith.constant 0 : i32
          %parallel_loop3A_712 = arith.constant 0 : i32
          %parallel_loop3A_713 = tpu.memref_slice %run_scoped3A_8[%rem3A_319, %parallel_loop3A_708, %parallel_loop3A_709, %parallel_loop3A_710, %parallel_loop3A_711, %parallel_loop3A_712] : memref<2x1x4x2x8x128xf32, #tpu.memory_space<vmem>> -> memref<1x1x4x2x8x128xf32, #tpu.memory_space<vmem>>
          %parallel_loop3A_714 = tpu.memref_squeeze %parallel_loop3A_713 : memref<1x1x4x2x8x128xf32, #tpu.memory_space<vmem>> -> memref<1x4x2x8x128xf32, #tpu.memory_space<vmem>>
          %parallel_loop3A_715 = arith.index_cast %parallel_loop3A_705 : i32 to index
          %parallel_loop3A_716 = arith.index_cast %parallel_loop3A_706 : i32 to index
          %parallel_loop3A_717 = arith.index_cast %parallel_loop3A_444 : i32 to index
          %parallel_loop3A_718 = arith.index_cast %parallel_loop3A_707 : i32 to index
          %parallel_loop3A_719 = arith.index_cast %parallel_loop3A_460 : i32 to index
          %parallel_loop3A_720 = tpu.vector_load %parallel_loop3A_714[%parallel_loop3A_715, %parallel_loop3A_716, %parallel_loop3A_717, %parallel_loop3A_718, %parallel_loop3A_719] {strides = array<i32>} : memref<1x4x2x8x128xf32, #tpu.memory_space<vmem>>, vector<16xf32>,
          tpu.vector_store %parallel_loop3A_714[%parallel_loop3A_715, %parallel_loop3A_716, %parallel_loop3A_717, %parallel_loop3A_718, %parallel_loop3A_719], %parallel_loop3A_704 {strides = array<i32>} : memref<1x4x2x8x128xf32, #tpu.memory_space<vmem>>, vector<16xf32>,
          %parallel_loop3A_721 = arith.constant 1664 : i32
          %parallel_loop3A_722 = vector.broadcast %parallel_loop3A_721 : i32 to vector<16xi32>
          %parallel_loop3A_723 = arith.addi %parallel_loop3A_420, %parallel_loop3A_722 : vector<16xi32>
          %parallel_loop3A_724 = tpu.vector_load_idx %arg5[%parallel_loop3A_723] : memref<4096xf32, #tpu.memory_space<vmem>>[vector<16xi32>], vector<16xf32>,
          %parallel_loop3A_725 = arith.constant 0 : i32
          %parallel_loop3A_726 = arith.constant 1 : i32
          %parallel_loop3A_727 = arith.constant 5 : i32
          %parallel_loop3A_728 = arith.constant 0 : i32
          %parallel_loop3A_729 = arith.constant 0 : i32
          %parallel_loop3A_730 = arith.constant 0 : i32
          %parallel_loop3A_731 = arith.constant 0 : i32
          %parallel_loop3A_732 = arith.constant 0 : i32
          %parallel_loop3A_733 = tpu.memref_slice %run_scoped3A_8[%rem3A_319, %parallel_loop3A_728, %parallel_loop3A_729, %parallel_loop3A_730, %parallel_loop3A_731, %parallel_loop3A_732] : memref<2x1x4x2x8x128xf32, #tpu.memory_space<vmem>> -> memref<1x1x4x2x8x128xf32, #tpu.memory_space<vmem>>
          %parallel_loop3A_734 = tpu.memref_squeeze %parallel_loop3A_733 : memref<1x1x4x2x8x128xf32, #tpu.memory_space<vmem>> -> memref<1x4x2x8x128xf32, #tpu.memory_space<vmem>>
          %parallel_loop3A_735 = arith.index_cast %parallel_loop3A_725 : i32 to index
          %parallel_loop3A_736 = arith.index_cast %parallel_loop3A_726 : i32 to index
          %parallel_loop3A_737 = arith.index_cast %parallel_loop3A_444 : i32 to index
          %parallel_loop3A_738 = arith.index_cast %parallel_loop3A_727 : i32 to index
          %parallel_loop3A_739 = arith.index_cast %parallel_loop3A_460 : i32 to index
          %parallel_loop3A_740 = tpu.vector_load %parallel_loop3A_734[%parallel_loop3A_735, %parallel_loop3A_736, %parallel_loop3A_737, %parallel_loop3A_738, %parallel_loop3A_739] {strides = array<i32>} : memref<1x4x2x8x128xf32, #tpu.memory_space<vmem>>, vector<16xf32>,
          tpu.vector_store %parallel_loop3A_734[%parallel_loop3A_735, %parallel_loop3A_736, %parallel_loop3A_737, %parallel_loop3A_738, %parallel_loop3A_739], %parallel_loop3A_724 {strides = array<i32>} : memref<1x4x2x8x128xf32, #tpu.memory_space<vmem>>, vector<16xf32>,
          %parallel_loop3A_741 = arith.constant 1792 : i32
          %parallel_loop3A_742 = vector.broadcast %parallel_loop3A_741 : i32 to vector<16xi32>
          %parallel_loop3A_743 = arith.addi %parallel_loop3A_420, %parallel_loop3A_742 : vector<16xi32>
          %parallel_loop3A_744 = tpu.vector_load_idx %arg5[%parallel_loop3A_743] : memref<4096xf32, #tpu.memory_space<vmem>>[vector<16xi32>], vector<16xf32>,
          %parallel_loop3A_745 = arith.constant 0 : i32
          %parallel_loop3A_746 = arith.constant 1 : i32
          %parallel_loop3A_747 = arith.constant 6 : i32
          %parallel_loop3A_748 = arith.constant 0 : i32
          %parallel_loop3A_749 = arith.constant 0 : i32
          %parallel_loop3A_750 = arith.constant 0 : i32
          %parallel_loop3A_751 = arith.constant 0 : i32
          %parallel_loop3A_752 = arith.constant 0 : i32
          %parallel_loop3A_753 = tpu.memref_slice %run_scoped3A_8[%rem3A_319, %parallel_loop3A_748, %parallel_loop3A_749, %parallel_loop3A_750, %parallel_loop3A_751, %parallel_loop3A_752] : memref<2x1x4x2x8x128xf32, #tpu.memory_space<vmem>> -> memref<1x1x4x2x8x128xf32, #tpu.memory_space<vmem>>
          %parallel_loop3A_754 = tpu.memref_squeeze %parallel_loop3A_753 : memref<1x1x4x2x8x128xf32, #tpu.memory_space<vmem>> -> memref<1x4x2x8x128xf32, #tpu.memory_space<vmem>>
          %parallel_loop3A_755 = arith.index_cast %parallel_loop3A_745 : i32 to index
          %parallel_loop3A_756 = arith.index_cast %parallel_loop3A_746 : i32 to index
          %parallel_loop3A_757 = arith.index_cast %parallel_loop3A_444 : i32 to index
          %parallel_loop3A_758 = arith.index_cast %parallel_loop3A_747 : i32 to index
          %parallel_loop3A_759 = arith.index_cast %parallel_loop3A_460 : i32 to index
          %parallel_loop3A_760 = tpu.vector_load %parallel_loop3A_754[%parallel_loop3A_755, %parallel_loop3A_756, %parallel_loop3A_757, %parallel_loop3A_758, %parallel_loop3A_759] {strides = array<i32>} : memref<1x4x2x8x128xf32, #tpu.memory_space<vmem>>, vector<16xf32>,
          tpu.vector_store %parallel_loop3A_754[%parallel_loop3A_755, %parallel_loop3A_756, %parallel_loop3A_757, %parallel_loop3A_758, %parallel_loop3A_759], %parallel_loop3A_744 {strides = array<i32>} : memref<1x4x2x8x128xf32, #tpu.memory_space<vmem>>, vector<16xf32>,
          %parallel_loop3A_761 = arith.constant 1920 : i32
          %parallel_loop3A_762 = vector.broadcast %parallel_loop3A_761 : i32 to vector<16xi32>
          %parallel_loop3A_763 = arith.addi %parallel_loop3A_420, %parallel_loop3A_762 : vector<16xi32>
          %parallel_loop3A_764 = tpu.vector_load_idx %arg5[%parallel_loop3A_763] : memref<4096xf32, #tpu.memory_space<vmem>>[vector<16xi32>], vector<16xf32>,
          %parallel_loop3A_765 = arith.constant 0 : i32
          %parallel_loop3A_766 = arith.constant 1 : i32
          %parallel_loop3A_767 = arith.constant 7 : i32
          %parallel_loop3A_768 = arith.constant 0 : i32
          %parallel_loop3A_769 = arith.constant 0 : i32
          %parallel_loop3A_770 = arith.constant 0 : i32
          %parallel_loop3A_771 = arith.constant 0 : i32
          %parallel_loop3A_772 = arith.constant 0 : i32
          %parallel_loop3A_773 = tpu.memref_slice %run_scoped3A_8[%rem3A_319, %parallel_loop3A_768, %parallel_loop3A_769, %parallel_loop3A_770, %parallel_loop3A_771, %parallel_loop3A_772] : memref<2x1x4x2x8x128xf32, #tpu.memory_space<vmem>> -> memref<1x1x4x2x8x128xf32, #tpu.memory_space<vmem>>
          %parallel_loop3A_774 = tpu.memref_squeeze %parallel_loop3A_773 : memref<1x1x4x2x8x128xf32, #tpu.memory_space<vmem>> -> memref<1x4x2x8x128xf32, #tpu.memory_space<vmem>>
          %parallel_loop3A_775 = arith.index_cast %parallel_loop3A_765 : i32 to index
          %parallel_loop3A_776 = arith.index_cast %parallel_loop3A_766 : i32 to index
          %parallel_loop3A_777 = arith.index_cast %parallel_loop3A_444 : i32 to index
          %parallel_loop3A_778 = arith.index_cast %parallel_loop3A_767 : i32 to index
          %parallel_loop3A_779 = arith.index_cast %parallel_loop3A_460 : i32 to index
          %parallel_loop3A_780 = tpu.vector_load %parallel_loop3A_774[%parallel_loop3A_775, %parallel_loop3A_776, %parallel_loop3A_777, %parallel_loop3A_778, %parallel_loop3A_779] {strides = array<i32>} : memref<1x4x2x8x128xf32, #tpu.memory_space<vmem>>, vector<16xf32>,
          tpu.vector_store %parallel_loop3A_774[%parallel_loop3A_775, %parallel_loop3A_776, %parallel_loop3A_777, %parallel_loop3A_778, %parallel_loop3A_779], %parallel_loop3A_764 {strides = array<i32>} : memref<1x4x2x8x128xf32, #tpu.memory_space<vmem>>, vector<16xf32>,
          %parallel_loop3A_781 = arith.constant 2048 : i32
          %parallel_loop3A_782 = vector.broadcast %parallel_loop3A_781 : i32 to vector<16xi32>
          %parallel_loop3A_783 = arith.addi %parallel_loop3A_420, %parallel_loop3A_782 : vector<16xi32>
          %parallel_loop3A_784 = tpu.vector_load_idx %arg5[%parallel_loop3A_783] : memref<4096xf32, #tpu.memory_space<vmem>>[vector<16xi32>], vector<16xf32>,
          %parallel_loop3A_785 = arith.constant 0 : i32
          %parallel_loop3A_786 = arith.constant 2 : i32
          %parallel_loop3A_787 = arith.constant 0 : i32
          %parallel_loop3A_788 = arith.constant 0 : i32
          %parallel_loop3A_789 = arith.constant 0 : i32
          %parallel_loop3A_790 = arith.constant 0 : i32
          %parallel_loop3A_791 = arith.constant 0 : i32
          %parallel_loop3A_792 = arith.constant 0 : i32
          %parallel_loop3A_793 = tpu.memref_slice %run_scoped3A_8[%rem3A_319, %parallel_loop3A_788, %parallel_loop3A_789, %parallel_loop3A_790, %parallel_loop3A_791, %parallel_loop3A_792] : memref<2x1x4x2x8x128xf32, #tpu.memory_space<vmem>> -> memref<1x1x4x2x8x128xf32, #tpu.memory_space<vmem>>
          %parallel_loop3A_794 = tpu.memref_squeeze %parallel_loop3A_793 : memref<1x1x4x2x8x128xf32, #tpu.memory_space<vmem>> -> memref<1x4x2x8x128xf32, #tpu.memory_space<vmem>>
          %parallel_loop3A_795 = arith.index_cast %parallel_loop3A_785 : i32 to index
          %parallel_loop3A_796 = arith.index_cast %parallel_loop3A_786 : i32 to index
          %parallel_loop3A_797 = arith.index_cast %parallel_loop3A_444 : i32 to index
          %parallel_loop3A_798 = arith.index_cast %parallel_loop3A_787 : i32 to index
          %parallel_loop3A_799 = arith.index_cast %parallel_loop3A_460 : i32 to index
          %parallel_loop3A_800 = tpu.vector_load %parallel_loop3A_794[%parallel_loop3A_795, %parallel_loop3A_796, %parallel_loop3A_797, %parallel_loop3A_798, %parallel_loop3A_799] {strides = array<i32>} : memref<1x4x2x8x128xf32, #tpu.memory_space<vmem>>, vector<16xf32>,
          tpu.vector_store %parallel_loop3A_794[%parallel_loop3A_795, %parallel_loop3A_796, %parallel_loop3A_797, %parallel_loop3A_798, %parallel_loop3A_799], %parallel_loop3A_784 {strides = array<i32>} : memref<1x4x2x8x128xf32, #tpu.memory_space<vmem>>, vector<16xf32>,
          %parallel_loop3A_801 = arith.constant 2176 : i32
          %parallel_loop3A_802 = vector.broadcast %parallel_loop3A_801 : i32 to vector<16xi32>
          %parallel_loop3A_803 = arith.addi %parallel_loop3A_420, %parallel_loop3A_802 : vector<16xi32>
          %parallel_loop3A_804 = tpu.vector_load_idx %arg5[%parallel_loop3A_803] : memref<4096xf32, #tpu.memory_space<vmem>>[vector<16xi32>], vector<16xf32>,
          %parallel_loop3A_805 = arith.constant 0 : i32
          %parallel_loop3A_806 = arith.constant 2 : i32
          %parallel_loop3A_807 = arith.constant 1 : i32
          %parallel_loop3A_808 = arith.constant 0 : i32
          %parallel_loop3A_809 = arith.constant 0 : i32
          %parallel_loop3A_810 = arith.constant 0 : i32
          %parallel_loop3A_811 = arith.constant 0 : i32
          %parallel_loop3A_812 = arith.constant 0 : i32
          %parallel_loop3A_813 = tpu.memref_slice %run_scoped3A_8[%rem3A_319, %parallel_loop3A_808, %parallel_loop3A_809, %parallel_loop3A_810, %parallel_loop3A_811, %parallel_loop3A_812] : memref<2x1x4x2x8x128xf32, #tpu.memory_space<vmem>> -> memref<1x1x4x2x8x128xf32, #tpu.memory_space<vmem>>
          %parallel_loop3A_814 = tpu.memref_squeeze %parallel_loop3A_813 : memref<1x1x4x2x8x128xf32, #tpu.memory_space<vmem>> -> memref<1x4x2x8x128xf32, #tpu.memory_space<vmem>>
          %parallel_loop3A_815 = arith.index_cast %parallel_loop3A_805 : i32 to index
          %parallel_loop3A_816 = arith.index_cast %parallel_loop3A_806 : i32 to index
          %parallel_loop3A_817 = arith.index_cast %parallel_loop3A_444 : i32 to index
          %parallel_loop3A_818 = arith.index_cast %parallel_loop3A_807 : i32 to index
          %parallel_loop3A_819 = arith.index_cast %parallel_loop3A_460 : i32 to index
          %parallel_loop3A_820 = tpu.vector_load %parallel_loop3A_814[%parallel_loop3A_815, %parallel_loop3A_816, %parallel_loop3A_817, %parallel_loop3A_818, %parallel_loop3A_819] {strides = array<i32>} : memref<1x4x2x8x128xf32, #tpu.memory_space<vmem>>, vector<16xf32>,
          tpu.vector_store %parallel_loop3A_814[%parallel_loop3A_815, %parallel_loop3A_816, %parallel_loop3A_817, %parallel_loop3A_818, %parallel_loop3A_819], %parallel_loop3A_804 {strides = array<i32>} : memref<1x4x2x8x128xf32, #tpu.memory_space<vmem>>, vector<16xf32>,
          %parallel_loop3A_821 = arith.constant 2304 : i32
          %parallel_loop3A_822 = vector.broadcast %parallel_loop3A_821 : i32 to vector<16xi32>
          %parallel_loop3A_823 = arith.addi %parallel_loop3A_420, %parallel_loop3A_822 : vector<16xi32>
          %parallel_loop3A_824 = tpu.vector_load_idx %arg5[%parallel_loop3A_823] : memref<4096xf32, #tpu.memory_space<vmem>>[vector<16xi32>], vector<16xf32>,
          %parallel_loop3A_825 = arith.constant 0 : i32
          %parallel_loop3A_826 = arith.constant 2 : i32
          %parallel_loop3A_827 = arith.constant 2 : i32
          %parallel_loop3A_828 = arith.constant 0 : i32
          %parallel_loop3A_829 = arith.constant 0 : i32
          %parallel_loop3A_830 = arith.constant 0 : i32
          %parallel_loop3A_831 = arith.constant 0 : i32
          %parallel_loop3A_832 = arith.constant 0 : i32
          %parallel_loop3A_833 = tpu.memref_slice %run_scoped3A_8[%rem3A_319, %parallel_loop3A_828, %parallel_loop3A_829, %parallel_loop3A_830, %parallel_loop3A_831, %parallel_loop3A_832] : memref<2x1x4x2x8x128xf32, #tpu.memory_space<vmem>> -> memref<1x1x4x2x8x128xf32, #tpu.memory_space<vmem>>
          %parallel_loop3A_834 = tpu.memref_squeeze %parallel_loop3A_833 : memref<1x1x4x2x8x128xf32, #tpu.memory_space<vmem>> -> memref<1x4x2x8x128xf32, #tpu.memory_space<vmem>>
          %parallel_loop3A_835 = arith.index_cast %parallel_loop3A_825 : i32 to index
          %parallel_loop3A_836 = arith.index_cast %parallel_loop3A_826 : i32 to index
          %parallel_loop3A_837 = arith.index_cast %parallel_loop3A_444 : i32 to index
          %parallel_loop3A_838 = arith.index_cast %parallel_loop3A_827 : i32 to index
          %parallel_loop3A_839 = arith.index_cast %parallel_loop3A_460 : i32 to index
          %parallel_loop3A_840 = tpu.vector_load %parallel_loop3A_834[%parallel_loop3A_835, %parallel_loop3A_836, %parallel_loop3A_837, %parallel_loop3A_838, %parallel_loop3A_839] {strides = array<i32>} : memref<1x4x2x8x128xf32, #tpu.memory_space<vmem>>, vector<16xf32>,
          tpu.vector_store %parallel_loop3A_834[%parallel_loop3A_835, %parallel_loop3A_836, %parallel_loop3A_837, %parallel_loop3A_838, %parallel_loop3A_839], %parallel_loop3A_824 {strides = array<i32>} : memref<1x4x2x8x128xf32, #tpu.memory_space<vmem>>, vector<16xf32>,
          %parallel_loop3A_841 = arith.constant 2432 : i32
          %parallel_loop3A_842 = vector.broadcast %parallel_loop3A_841 : i32 to vector<16xi32>
          %parallel_loop3A_843 = arith.addi %parallel_loop3A_420, %parallel_loop3A_842 : vector<16xi32>
          %parallel_loop3A_844 = tpu.vector_load_idx %arg5[%parallel_loop3A_843] : memref<4096xf32, #tpu.memory_space<vmem>>[vector<16xi32>], vector<16xf32>,
          %parallel_loop3A_845 = arith.constant 0 : i32
          %parallel_loop3A_846 = arith.constant 2 : i32
          %parallel_loop3A_847 = arith.constant 3 : i32
          %parallel_loop3A_848 = arith.constant 0 : i32
          %parallel_loop3A_849 = arith.constant 0 : i32
          %parallel_loop3A_850 = arith.constant 0 : i32
          %parallel_loop3A_851 = arith.constant 0 : i32
          %parallel_loop3A_852 = arith.constant 0 : i32
          %parallel_loop3A_853 = tpu.memref_slice %run_scoped3A_8[%rem3A_319, %parallel_loop3A_848, %parallel_loop3A_849, %parallel_loop3A_850, %parallel_loop3A_851, %parallel_loop3A_852] : memref<2x1x4x2x8x128xf32, #tpu.memory_space<vmem>> -> memref<1x1x4x2x8x128xf32, #tpu.memory_space<vmem>>
          %parallel_loop3A_854 = tpu.memref_squeeze %parallel_loop3A_853 : memref<1x1x4x2x8x128xf32, #tpu.memory_space<vmem>> -> memref<1x4x2x8x128xf32, #tpu.memory_space<vmem>>
          %parallel_loop3A_855 = arith.index_cast %parallel_loop3A_845 : i32 to index
          %parallel_loop3A_856 = arith.index_cast %parallel_loop3A_846 : i32 to index
          %parallel_loop3A_857 = arith.index_cast %parallel_loop3A_444 : i32 to index
          %parallel_loop3A_858 = arith.index_cast %parallel_loop3A_847 : i32 to index
          %parallel_loop3A_859 = arith.index_cast %parallel_loop3A_460 : i32 to index
          %parallel_loop3A_860 = tpu.vector_load %parallel_loop3A_854[%parallel_loop3A_855, %parallel_loop3A_856, %parallel_loop3A_857, %parallel_loop3A_858, %parallel_loop3A_859] {strides = array<i32>} : memref<1x4x2x8x128xf32, #tpu.memory_space<vmem>>, vector<16xf32>,
          tpu.vector_store %parallel_loop3A_854[%parallel_loop3A_855, %parallel_loop3A_856, %parallel_loop3A_857, %parallel_loop3A_858, %parallel_loop3A_859], %parallel_loop3A_844 {strides = array<i32>} : memref<1x4x2x8x128xf32, #tpu.memory_space<vmem>>, vector<16xf32>,
          %parallel_loop3A_861 = arith.constant 2560 : i32
          %parallel_loop3A_862 = vector.broadcast %parallel_loop3A_861 : i32 to vector<16xi32>
          %parallel_loop3A_863 = arith.addi %parallel_loop3A_420, %parallel_loop3A_862 : vector<16xi32>
          %parallel_loop3A_864 = tpu.vector_load_idx %arg5[%parallel_loop3A_863] : memref<4096xf32, #tpu.memory_space<vmem>>[vector<16xi32>], vector<16xf32>,
          %parallel_loop3A_865 = arith.constant 0 : i32
          %parallel_loop3A_866 = arith.constant 2 : i32
          %parallel_loop3A_867 = arith.constant 4 : i32
          %parallel_loop3A_868 = arith.constant 0 : i32
          %parallel_loop3A_869 = arith.constant 0 : i32
          %parallel_loop3A_870 = arith.constant 0 : i32
          %parallel_loop3A_871 = arith.constant 0 : i32
          %parallel_loop3A_872 = arith.constant 0 : i32
          %parallel_loop3A_873 = tpu.memref_slice %run_scoped3A_8[%rem3A_319, %parallel_loop3A_868, %parallel_loop3A_869, %parallel_loop3A_870, %parallel_loop3A_871, %parallel_loop3A_872] : memref<2x1x4x2x8x128xf32, #tpu.memory_space<vmem>> -> memref<1x1x4x2x8x128xf32, #tpu.memory_space<vmem>>
          %parallel_loop3A_874 = tpu.memref_squeeze %parallel_loop3A_873 : memref<1x1x4x2x8x128xf32, #tpu.memory_space<vmem>> -> memref<1x4x2x8x128xf32, #tpu.memory_space<vmem>>
          %parallel_loop3A_875 = arith.index_cast %parallel_loop3A_865 : i32 to index
          %parallel_loop3A_876 = arith.index_cast %parallel_loop3A_866 : i32 to index
          %parallel_loop3A_877 = arith.index_cast %parallel_loop3A_444 : i32 to index
          %parallel_loop3A_878 = arith.index_cast %parallel_loop3A_867 : i32 to index
          %parallel_loop3A_879 = arith.index_cast %parallel_loop3A_460 : i32 to index
          %parallel_loop3A_880 = tpu.vector_load %parallel_loop3A_874[%parallel_loop3A_875, %parallel_loop3A_876, %parallel_loop3A_877, %parallel_loop3A_878, %parallel_loop3A_879] {strides = array<i32>} : memref<1x4x2x8x128xf32, #tpu.memory_space<vmem>>, vector<16xf32>,
          tpu.vector_store %parallel_loop3A_874[%parallel_loop3A_875, %parallel_loop3A_876, %parallel_loop3A_877, %parallel_loop3A_878, %parallel_loop3A_879], %parallel_loop3A_864 {strides = array<i32>} : memref<1x4x2x8x128xf32, #tpu.memory_space<vmem>>, vector<16xf32>,
          %parallel_loop3A_881 = arith.constant 2688 : i32
          %parallel_loop3A_882 = vector.broadcast %parallel_loop3A_881 : i32 to vector<16xi32>
          %parallel_loop3A_883 = arith.addi %parallel_loop3A_420, %parallel_loop3A_882 : vector<16xi32>
          %parallel_loop3A_884 = tpu.vector_load_idx %arg5[%parallel_loop3A_883] : memref<4096xf32, #tpu.memory_space<vmem>>[vector<16xi32>], vector<16xf32>,
          %parallel_loop3A_885 = arith.constant 0 : i32
          %parallel_loop3A_886 = arith.constant 2 : i32
          %parallel_loop3A_887 = arith.constant 5 : i32
          %parallel_loop3A_888 = arith.constant 0 : i32
          %parallel_loop3A_889 = arith.constant 0 : i32
          %parallel_loop3A_890 = arith.constant 0 : i32
          %parallel_loop3A_891 = arith.constant 0 : i32
          %parallel_loop3A_892 = arith.constant 0 : i32
          %parallel_loop3A_893 = tpu.memref_slice %run_scoped3A_8[%rem3A_319, %parallel_loop3A_888, %parallel_loop3A_889, %parallel_loop3A_890, %parallel_loop3A_891, %parallel_loop3A_892] : memref<2x1x4x2x8x128xf32, #tpu.memory_space<vmem>> -> memref<1x1x4x2x8x128xf32, #tpu.memory_space<vmem>>
          %parallel_loop3A_894 = tpu.memref_squeeze %parallel_loop3A_893 : memref<1x1x4x2x8x128xf32, #tpu.memory_space<vmem>> -> memref<1x4x2x8x128xf32, #tpu.memory_space<vmem>>
          %parallel_loop3A_895 = arith.index_cast %parallel_loop3A_885 : i32 to index
          %parallel_loop3A_896 = arith.index_cast %parallel_loop3A_886 : i32 to index
          %parallel_loop3A_897 = arith.index_cast %parallel_loop3A_444 : i32 to index
          %parallel_loop3A_898 = arith.index_cast %parallel_loop3A_887 : i32 to index
          %parallel_loop3A_899 = arith.index_cast %parallel_loop3A_460 : i32 to index
          %parallel_loop3A_900 = tpu.vector_load %parallel_loop3A_894[%parallel_loop3A_895, %parallel_loop3A_896, %parallel_loop3A_897, %parallel_loop3A_898, %parallel_loop3A_899] {strides = array<i32>} : memref<1x4x2x8x128xf32, #tpu.memory_space<vmem>>, vector<16xf32>,
          tpu.vector_store %parallel_loop3A_894[%parallel_loop3A_895, %parallel_loop3A_896, %parallel_loop3A_897, %parallel_loop3A_898, %parallel_loop3A_899], %parallel_loop3A_884 {strides = array<i32>} : memref<1x4x2x8x128xf32, #tpu.memory_space<vmem>>, vector<16xf32>,
          %parallel_loop3A_901 = arith.constant 2816 : i32
          %parallel_loop3A_902 = vector.broadcast %parallel_loop3A_901 : i32 to vector<16xi32>
          %parallel_loop3A_903 = arith.addi %parallel_loop3A_420, %parallel_loop3A_902 : vector<16xi32>
          %parallel_loop3A_904 = tpu.vector_load_idx %arg5[%parallel_loop3A_903] : memref<4096xf32, #tpu.memory_space<vmem>>[vector<16xi32>], vector<16xf32>,
          %parallel_loop3A_905 = arith.constant 0 : i32
          %parallel_loop3A_906 = arith.constant 2 : i32
          %parallel_loop3A_907 = arith.constant 6 : i32
          %parallel_loop3A_908 = arith.constant 0 : i32
          %parallel_loop3A_909 = arith.constant 0 : i32
          %parallel_loop3A_910 = arith.constant 0 : i32
          %parallel_loop3A_911 = arith.constant 0 : i32
          %parallel_loop3A_912 = arith.constant 0 : i32
          %parallel_loop3A_913 = tpu.memref_slice %run_scoped3A_8[%rem3A_319, %parallel_loop3A_908, %parallel_loop3A_909, %parallel_loop3A_910, %parallel_loop3A_911, %parallel_loop3A_912] : memref<2x1x4x2x8x128xf32, #tpu.memory_space<vmem>> -> memref<1x1x4x2x8x128xf32, #tpu.memory_space<vmem>>
          %parallel_loop3A_914 = tpu.memref_squeeze %parallel_loop3A_913 : memref<1x1x4x2x8x128xf32, #tpu.memory_space<vmem>> -> memref<1x4x2x8x128xf32, #tpu.memory_space<vmem>>
          %parallel_loop3A_915 = arith.index_cast %parallel_loop3A_905 : i32 to index
          %parallel_loop3A_916 = arith.index_cast %parallel_loop3A_906 : i32 to index
          %parallel_loop3A_917 = arith.index_cast %parallel_loop3A_444 : i32 to index
          %parallel_loop3A_918 = arith.index_cast %parallel_loop3A_907 : i32 to index
          %parallel_loop3A_919 = arith.index_cast %parallel_loop3A_460 : i32 to index
          %parallel_loop3A_920 = tpu.vector_load %parallel_loop3A_914[%parallel_loop3A_915, %parallel_loop3A_916, %parallel_loop3A_917, %parallel_loop3A_918, %parallel_loop3A_919] {strides = array<i32>} : memref<1x4x2x8x128xf32, #tpu.memory_space<vmem>>, vector<16xf32>,
          tpu.vector_store %parallel_loop3A_914[%parallel_loop3A_915, %parallel_loop3A_916, %parallel_loop3A_917, %parallel_loop3A_918, %parallel_loop3A_919], %parallel_loop3A_904 {strides = array<i32>} : memref<1x4x2x8x128xf32, #tpu.memory_space<vmem>>, vector<16xf32>,
          %parallel_loop3A_921 = arith.constant 2944 : i32
          %parallel_loop3A_922 = vector.broadcast %parallel_loop3A_921 : i32 to vector<16xi32>
          %parallel_loop3A_923 = arith.addi %parallel_loop3A_420, %parallel_loop3A_922 : vector<16xi32>
          %parallel_loop3A_924 = tpu.vector_load_idx %arg5[%parallel_loop3A_923] : memref<4096xf32, #tpu.memory_space<vmem>>[vector<16xi32>], vector<16xf32>,
          %parallel_loop3A_925 = arith.constant 0 : i32
          %parallel_loop3A_926 = arith.constant 2 : i32
          %parallel_loop3A_927 = arith.constant 7 : i32
          %parallel_loop3A_928 = arith.constant 0 : i32
          %parallel_loop3A_929 = arith.constant 0 : i32
          %parallel_loop3A_930 = arith.constant 0 : i32
          %parallel_loop3A_931 = arith.constant 0 : i32
          %parallel_loop3A_932 = arith.constant 0 : i32
          %parallel_loop3A_933 = tpu.memref_slice %run_scoped3A_8[%rem3A_319, %parallel_loop3A_928, %parallel_loop3A_929, %parallel_loop3A_930, %parallel_loop3A_931, %parallel_loop3A_932] : memref<2x1x4x2x8x128xf32, #tpu.memory_space<vmem>> -> memref<1x1x4x2x8x128xf32, #tpu.memory_space<vmem>>
          %parallel_loop3A_934 = tpu.memref_squeeze %parallel_loop3A_933 : memref<1x1x4x2x8x128xf32, #tpu.memory_space<vmem>> -> memref<1x4x2x8x128xf32, #tpu.memory_space<vmem>>
          %parallel_loop3A_935 = arith.index_cast %parallel_loop3A_925 : i32 to index
          %parallel_loop3A_936 = arith.index_cast %parallel_loop3A_926 : i32 to index
          %parallel_loop3A_937 = arith.index_cast %parallel_loop3A_444 : i32 to index
          %parallel_loop3A_938 = arith.index_cast %parallel_loop3A_927 : i32 to index
          %parallel_loop3A_939 = arith.index_cast %parallel_loop3A_460 : i32 to index
          %parallel_loop3A_940 = tpu.vector_load %parallel_loop3A_934[%parallel_loop3A_935, %parallel_loop3A_936, %parallel_loop3A_937, %parallel_loop3A_938, %parallel_loop3A_939] {strides = array<i32>} : memref<1x4x2x8x128xf32, #tpu.memory_space<vmem>>, vector<16xf32>,
          tpu.vector_store %parallel_loop3A_934[%parallel_loop3A_935, %parallel_loop3A_936, %parallel_loop3A_937, %parallel_loop3A_938, %parallel_loop3A_939], %parallel_loop3A_924 {strides = array<i32>} : memref<1x4x2x8x128xf32, #tpu.memory_space<vmem>>, vector<16xf32>,
          %parallel_loop3A_941 = arith.constant 3072 : i32
          %parallel_loop3A_942 = vector.broadcast %parallel_loop3A_941 : i32 to vector<16xi32>
          %parallel_loop3A_943 = arith.addi %parallel_loop3A_420, %parallel_loop3A_942 : vector<16xi32>
          %parallel_loop3A_944 = tpu.vector_load_idx %arg5[%parallel_loop3A_943] : memref<4096xf32, #tpu.memory_space<vmem>>[vector<16xi32>], vector<16xf32>,
          %parallel_loop3A_945 = arith.constant 0 : i32
          %parallel_loop3A_946 = arith.constant 3 : i32
          %parallel_loop3A_947 = arith.constant 0 : i32
          %parallel_loop3A_948 = arith.constant 0 : i32
          %parallel_loop3A_949 = arith.constant 0 : i32
          %parallel_loop3A_950 = arith.constant 0 : i32
          %parallel_loop3A_951 = arith.constant 0 : i32
          %parallel_loop3A_952 = arith.constant 0 : i32
          %parallel_loop3A_953 = tpu.memref_slice %run_scoped3A_8[%rem3A_319, %parallel_loop3A_948, %parallel_loop3A_949, %parallel_loop3A_950, %parallel_loop3A_951, %parallel_loop3A_952] : memref<2x1x4x2x8x128xf32, #tpu.memory_space<vmem>> -> memref<1x1x4x2x8x128xf32, #tpu.memory_space<vmem>>
          %parallel_loop3A_954 = tpu.memref_squeeze %parallel_loop3A_953 : memref<1x1x4x2x8x128xf32, #tpu.memory_space<vmem>> -> memref<1x4x2x8x128xf32, #tpu.memory_space<vmem>>
          %parallel_loop3A_955 = arith.index_cast %parallel_loop3A_945 : i32 to index
          %parallel_loop3A_956 = arith.index_cast %parallel_loop3A_946 : i32 to index
          %parallel_loop3A_957 = arith.index_cast %parallel_loop3A_444 : i32 to index
          %parallel_loop3A_958 = arith.index_cast %parallel_loop3A_947 : i32 to index
          %parallel_loop3A_959 = arith.index_cast %parallel_loop3A_460 : i32 to index
          %parallel_loop3A_960 = tpu.vector_load %parallel_loop3A_954[%parallel_loop3A_955, %parallel_loop3A_956, %parallel_loop3A_957, %parallel_loop3A_958, %parallel_loop3A_959] {strides = array<i32>} : memref<1x4x2x8x128xf32, #tpu.memory_space<vmem>>, vector<16xf32>,
          tpu.vector_store %parallel_loop3A_954[%parallel_loop3A_955, %parallel_loop3A_956, %parallel_loop3A_957, %parallel_loop3A_958, %parallel_loop3A_959], %parallel_loop3A_944 {strides = array<i32>} : memref<1x4x2x8x128xf32, #tpu.memory_space<vmem>>, vector<16xf32>,
          %parallel_loop3A_961 = arith.constant 3200 : i32
          %parallel_loop3A_962 = vector.broadcast %parallel_loop3A_961 : i32 to vector<16xi32>
          %parallel_loop3A_963 = arith.addi %parallel_loop3A_420, %parallel_loop3A_962 : vector<16xi32>
          %parallel_loop3A_964 = tpu.vector_load_idx %arg5[%parallel_loop3A_963] : memref<4096xf32, #tpu.memory_space<vmem>>[vector<16xi32>], vector<16xf32>,
          %parallel_loop3A_965 = arith.constant 0 : i32
          %parallel_loop3A_966 = arith.constant 3 : i32
          %parallel_loop3A_967 = arith.constant 1 : i32
          %parallel_loop3A_968 = arith.constant 0 : i32
          %parallel_loop3A_969 = arith.constant 0 : i32
          %parallel_loop3A_970 = arith.constant 0 : i32
          %parallel_loop3A_971 = arith.constant 0 : i32
          %parallel_loop3A_972 = arith.constant 0 : i32
          %parallel_loop3A_973 = tpu.memref_slice %run_scoped3A_8[%rem3A_319, %parallel_loop3A_968, %parallel_loop3A_969, %parallel_loop3A_970, %parallel_loop3A_971, %parallel_loop3A_972] : memref<2x1x4x2x8x128xf32, #tpu.memory_space<vmem>> -> memref<1x1x4x2x8x128xf32, #tpu.memory_space<vmem>>
          %parallel_loop3A_974 = tpu.memref_squeeze %parallel_loop3A_973 : memref<1x1x4x2x8x128xf32, #tpu.memory_space<vmem>> -> memref<1x4x2x8x128xf32, #tpu.memory_space<vmem>>
          %parallel_loop3A_975 = arith.index_cast %parallel_loop3A_965 : i32 to index
          %parallel_loop3A_976 = arith.index_cast %parallel_loop3A_966 : i32 to index
          %parallel_loop3A_977 = arith.index_cast %parallel_loop3A_444 : i32 to index
          %parallel_loop3A_978 = arith.index_cast %parallel_loop3A_967 : i32 to index
          %parallel_loop3A_979 = arith.index_cast %parallel_loop3A_460 : i32 to index
          %parallel_loop3A_980 = tpu.vector_load %parallel_loop3A_974[%parallel_loop3A_975, %parallel_loop3A_976, %parallel_loop3A_977, %parallel_loop3A_978, %parallel_loop3A_979] {strides = array<i32>} : memref<1x4x2x8x128xf32, #tpu.memory_space<vmem>>, vector<16xf32>,
          tpu.vector_store %parallel_loop3A_974[%parallel_loop3A_975, %parallel_loop3A_976, %parallel_loop3A_977, %parallel_loop3A_978, %parallel_loop3A_979], %parallel_loop3A_964 {strides = array<i32>} : memref<1x4x2x8x128xf32, #tpu.memory_space<vmem>>, vector<16xf32>,
          %parallel_loop3A_981 = arith.constant 3328 : i32
          %parallel_loop3A_982 = vector.broadcast %parallel_loop3A_981 : i32 to vector<16xi32>
          %parallel_loop3A_983 = arith.addi %parallel_loop3A_420, %parallel_loop3A_982 : vector<16xi32>
          %parallel_loop3A_984 = tpu.vector_load_idx %arg5[%parallel_loop3A_983] : memref<4096xf32, #tpu.memory_space<vmem>>[vector<16xi32>], vector<16xf32>,
          %parallel_loop3A_985 = arith.constant 0 : i32
          %parallel_loop3A_986 = arith.constant 3 : i32
          %parallel_loop3A_987 = arith.constant 2 : i32
          %parallel_loop3A_988 = arith.constant 0 : i32
          %parallel_loop3A_989 = arith.constant 0 : i32
          %parallel_loop3A_990 = arith.constant 0 : i32
          %parallel_loop3A_991 = arith.constant 0 : i32
          %parallel_loop3A_992 = arith.constant 0 : i32
          %parallel_loop3A_993 = tpu.memref_slice %run_scoped3A_8[%rem3A_319, %parallel_loop3A_988, %parallel_loop3A_989, %parallel_loop3A_990, %parallel_loop3A_991, %parallel_loop3A_992] : memref<2x1x4x2x8x128xf32, #tpu.memory_space<vmem>> -> memref<1x1x4x2x8x128xf32, #tpu.memory_space<vmem>>
          %parallel_loop3A_994 = tpu.memref_squeeze %parallel_loop3A_993 : memref<1x1x4x2x8x128xf32, #tpu.memory_space<vmem>> -> memref<1x4x2x8x128xf32, #tpu.memory_space<vmem>>
          %parallel_loop3A_995 = arith.index_cast %parallel_loop3A_985 : i32 to index
          %parallel_loop3A_996 = arith.index_cast %parallel_loop3A_986 : i32 to index
          %parallel_loop3A_997 = arith.index_cast %parallel_loop3A_444 : i32 to index
          %parallel_loop3A_998 = arith.index_cast %parallel_loop3A_987 : i32 to index
          %parallel_loop3A_999 = arith.index_cast %parallel_loop3A_460 : i32 to index
          %parallel_loop3A_1000 = tpu.vector_load %parallel_loop3A_994[%parallel_loop3A_995, %parallel_loop3A_996, %parallel_loop3A_997, %parallel_loop3A_998, %parallel_loop3A_999] {strides = array<i32>} : memref<1x4x2x8x128xf32, #tpu.memory_space<vmem>>, vector<16xf32>,
          tpu.vector_store %parallel_loop3A_994[%parallel_loop3A_995, %parallel_loop3A_996, %parallel_loop3A_997, %parallel_loop3A_998, %parallel_loop3A_999], %parallel_loop3A_984 {strides = array<i32>} : memref<1x4x2x8x128xf32, #tpu.memory_space<vmem>>, vector<16xf32>,
          %parallel_loop3A_1001 = arith.constant 3456 : i32
          %parallel_loop3A_1002 = vector.broadcast %parallel_loop3A_1001 : i32 to vector<16xi32>
          %parallel_loop3A_1003 = arith.addi %parallel_loop3A_420, %parallel_loop3A_1002 : vector<16xi32>
          %parallel_loop3A_1004 = tpu.vector_load_idx %arg5[%parallel_loop3A_1003] : memref<4096xf32, #tpu.memory_space<vmem>>[vector<16xi32>], vector<16xf32>,
          %parallel_loop3A_1005 = arith.constant 0 : i32
          %parallel_loop3A_1006 = arith.constant 3 : i32
          %parallel_loop3A_1007 = arith.constant 3 : i32
          %parallel_loop3A_1008 = arith.constant 0 : i32
          %parallel_loop3A_1009 = arith.constant 0 : i32
          %parallel_loop3A_1010 = arith.constant 0 : i32
          %parallel_loop3A_1011 = arith.constant 0 : i32
          %parallel_loop3A_1012 = arith.constant 0 : i32
          %parallel_loop3A_1013 = tpu.memref_slice %run_scoped3A_8[%rem3A_319, %parallel_loop3A_1008, %parallel_loop3A_1009, %parallel_loop3A_1010, %parallel_loop3A_1011, %parallel_loop3A_1012] : memref<2x1x4x2x8x128xf32, #tpu.memory_space<vmem>> -> memref<1x1x4x2x8x128xf32, #tpu.memory_space<vmem>>
          %parallel_loop3A_1014 = tpu.memref_squeeze %parallel_loop3A_1013 : memref<1x1x4x2x8x128xf32, #tpu.memory_space<vmem>> -> memref<1x4x2x8x128xf32, #tpu.memory_space<vmem>>
          %parallel_loop3A_1015 = arith.index_cast %parallel_loop3A_1005 : i32 to index
          %parallel_loop3A_1016 = arith.index_cast %parallel_loop3A_1006 : i32 to index
          %parallel_loop3A_1017 = arith.index_cast %parallel_loop3A_444 : i32 to index
          %parallel_loop3A_1018 = arith.index_cast %parallel_loop3A_1007 : i32 to index
          %parallel_loop3A_1019 = arith.index_cast %parallel_loop3A_460 : i32 to index
          %parallel_loop3A_1020 = tpu.vector_load %parallel_loop3A_1014[%parallel_loop3A_1015, %parallel_loop3A_1016, %parallel_loop3A_1017, %parallel_loop3A_1018, %parallel_loop3A_1019] {strides = array<i32>} : memref<1x4x2x8x128xf32, #tpu.memory_space<vmem>>, vector<16xf32>,
          tpu.vector_store %parallel_loop3A_1014[%parallel_loop3A_1015, %parallel_loop3A_1016, %parallel_loop3A_1017, %parallel_loop3A_1018, %parallel_loop3A_1019], %parallel_loop3A_1004 {strides = array<i32>} : memref<1x4x2x8x128xf32, #tpu.memory_space<vmem>>, vector<16xf32>,
          %parallel_loop3A_1021 = arith.constant 3584 : i32
          %parallel_loop3A_1022 = vector.broadcast %parallel_loop3A_1021 : i32 to vector<16xi32>
          %parallel_loop3A_1023 = arith.addi %parallel_loop3A_420, %parallel_loop3A_1022 : vector<16xi32>
          %parallel_loop3A_1024 = tpu.vector_load_idx %arg5[%parallel_loop3A_1023] : memref<4096xf32, #tpu.memory_space<vmem>>[vector<16xi32>], vector<16xf32>,
          %parallel_loop3A_1025 = arith.constant 0 : i32
          %parallel_loop3A_1026 = arith.constant 3 : i32
          %parallel_loop3A_1027 = arith.constant 4 : i32
          %parallel_loop3A_1028 = arith.constant 0 : i32
          %parallel_loop3A_1029 = arith.constant 0 : i32
          %parallel_loop3A_1030 = arith.constant 0 : i32
          %parallel_loop3A_1031 = arith.constant 0 : i32
          %parallel_loop3A_1032 = arith.constant 0 : i32
          %parallel_loop3A_1033 = tpu.memref_slice %run_scoped3A_8[%rem3A_319, %parallel_loop3A_1028, %parallel_loop3A_1029, %parallel_loop3A_1030, %parallel_loop3A_1031, %parallel_loop3A_1032] : memref<2x1x4x2x8x128xf32, #tpu.memory_space<vmem>> -> memref<1x1x4x2x8x128xf32, #tpu.memory_space<vmem>>
          %parallel_loop3A_1034 = tpu.memref_squeeze %parallel_loop3A_1033 : memref<1x1x4x2x8x128xf32, #tpu.memory_space<vmem>> -> memref<1x4x2x8x128xf32, #tpu.memory_space<vmem>>
          %parallel_loop3A_1035 = arith.index_cast %parallel_loop3A_1025 : i32 to index
          %parallel_loop3A_1036 = arith.index_cast %parallel_loop3A_1026 : i32 to index
          %parallel_loop3A_1037 = arith.index_cast %parallel_loop3A_444 : i32 to index
          %parallel_loop3A_1038 = arith.index_cast %parallel_loop3A_1027 : i32 to index
          %parallel_loop3A_1039 = arith.index_cast %parallel_loop3A_460 : i32 to index
          %parallel_loop3A_1040 = tpu.vector_load %parallel_loop3A_1034[%parallel_loop3A_1035, %parallel_loop3A_1036, %parallel_loop3A_1037, %parallel_loop3A_1038, %parallel_loop3A_1039] {strides = array<i32>} : memref<1x4x2x8x128xf32, #tpu.memory_space<vmem>>, vector<16xf32>,
          tpu.vector_store %parallel_loop3A_1034[%parallel_loop3A_1035, %parallel_loop3A_1036, %parallel_loop3A_1037, %parallel_loop3A_1038, %parallel_loop3A_1039], %parallel_loop3A_1024 {strides = array<i32>} : memref<1x4x2x8x128xf32, #tpu.memory_space<vmem>>, vector<16xf32>,
          %parallel_loop3A_1041 = arith.constant 3712 : i32
          %parallel_loop3A_1042 = vector.broadcast %parallel_loop3A_1041 : i32 to vector<16xi32>
          %parallel_loop3A_1043 = arith.addi %parallel_loop3A_420, %parallel_loop3A_1042 : vector<16xi32>
          %parallel_loop3A_1044 = tpu.vector_load_idx %arg5[%parallel_loop3A_1043] : memref<4096xf32, #tpu.memory_space<vmem>>[vector<16xi32>], vector<16xf32>,
          %parallel_loop3A_1045 = arith.constant 0 : i32
          %parallel_loop3A_1046 = arith.constant 3 : i32
          %parallel_loop3A_1047 = arith.constant 5 : i32
          %parallel_loop3A_1048 = arith.constant 0 : i32
          %parallel_loop3A_1049 = arith.constant 0 : i32
          %parallel_loop3A_1050 = arith.constant 0 : i32
          %parallel_loop3A_1051 = arith.constant 0 : i32
          %parallel_loop3A_1052 = arith.constant 0 : i32
          %parallel_loop3A_1053 = tpu.memref_slice %run_scoped3A_8[%rem3A_319, %parallel_loop3A_1048, %parallel_loop3A_1049, %parallel_loop3A_1050, %parallel_loop3A_1051, %parallel_loop3A_1052] : memref<2x1x4x2x8x128xf32, #tpu.memory_space<vmem>> -> memref<1x1x4x2x8x128xf32, #tpu.memory_space<vmem>>
          %parallel_loop3A_1054 = tpu.memref_squeeze %parallel_loop3A_1053 : memref<1x1x4x2x8x128xf32, #tpu.memory_space<vmem>> -> memref<1x4x2x8x128xf32, #tpu.memory_space<vmem>>
          %parallel_loop3A_1055 = arith.index_cast %parallel_loop3A_1045 : i32 to index
          %parallel_loop3A_1056 = arith.index_cast %parallel_loop3A_1046 : i32 to index
          %parallel_loop3A_1057 = arith.index_cast %parallel_loop3A_444 : i32 to index
          %parallel_loop3A_1058 = arith.index_cast %parallel_loop3A_1047 : i32 to index
          %parallel_loop3A_1059 = arith.index_cast %parallel_loop3A_460 : i32 to index
          %parallel_loop3A_1060 = tpu.vector_load %parallel_loop3A_1054[%parallel_loop3A_1055, %parallel_loop3A_1056, %parallel_loop3A_1057, %parallel_loop3A_1058, %parallel_loop3A_1059] {strides = array<i32>} : memref<1x4x2x8x128xf32, #tpu.memory_space<vmem>>, vector<16xf32>,
          tpu.vector_store %parallel_loop3A_1054[%parallel_loop3A_1055, %parallel_loop3A_1056, %parallel_loop3A_1057, %parallel_loop3A_1058, %parallel_loop3A_1059], %parallel_loop3A_1044 {strides = array<i32>} : memref<1x4x2x8x128xf32, #tpu.memory_space<vmem>>, vector<16xf32>,
          %parallel_loop3A_1061 = arith.constant 3840 : i32
          %parallel_loop3A_1062 = vector.broadcast %parallel_loop3A_1061 : i32 to vector<16xi32>
          %parallel_loop3A_1063 = arith.addi %parallel_loop3A_420, %parallel_loop3A_1062 : vector<16xi32>
          %parallel_loop3A_1064 = tpu.vector_load_idx %arg5[%parallel_loop3A_1063] : memref<4096xf32, #tpu.memory_space<vmem>>[vector<16xi32>], vector<16xf32>,
          %parallel_loop3A_1065 = arith.constant 0 : i32
          %parallel_loop3A_1066 = arith.constant 3 : i32
          %parallel_loop3A_1067 = arith.constant 6 : i32
          %parallel_loop3A_1068 = arith.constant 0 : i32
          %parallel_loop3A_1069 = arith.constant 0 : i32
          %parallel_loop3A_1070 = arith.constant 0 : i32
          %parallel_loop3A_1071 = arith.constant 0 : i32
          %parallel_loop3A_1072 = arith.constant 0 : i32
          %parallel_loop3A_1073 = tpu.memref_slice %run_scoped3A_8[%rem3A_319, %parallel_loop3A_1068, %parallel_loop3A_1069, %parallel_loop3A_1070, %parallel_loop3A_1071, %parallel_loop3A_1072] : memref<2x1x4x2x8x128xf32, #tpu.memory_space<vmem>> -> memref<1x1x4x2x8x128xf32, #tpu.memory_space<vmem>>
          %parallel_loop3A_1074 = tpu.memref_squeeze %parallel_loop3A_1073 : memref<1x1x4x2x8x128xf32, #tpu.memory_space<vmem>> -> memref<1x4x2x8x128xf32, #tpu.memory_space<vmem>>
          %parallel_loop3A_1075 = arith.index_cast %parallel_loop3A_1065 : i32 to index
          %parallel_loop3A_1076 = arith.index_cast %parallel_loop3A_1066 : i32 to index
          %parallel_loop3A_1077 = arith.index_cast %parallel_loop3A_444 : i32 to index
          %parallel_loop3A_1078 = arith.index_cast %parallel_loop3A_1067 : i32 to index
          %parallel_loop3A_1079 = arith.index_cast %parallel_loop3A_460 : i32 to index
          %parallel_loop3A_1080 = tpu.vector_load %parallel_loop3A_1074[%parallel_loop3A_1075, %parallel_loop3A_1076, %parallel_loop3A_1077, %parallel_loop3A_1078, %parallel_loop3A_1079] {strides = array<i32>} : memref<1x4x2x8x128xf32, #tpu.memory_space<vmem>>, vector<16xf32>,
          tpu.vector_store %parallel_loop3A_1074[%parallel_loop3A_1075, %parallel_loop3A_1076, %parallel_loop3A_1077, %parallel_loop3A_1078, %parallel_loop3A_1079], %parallel_loop3A_1064 {strides = array<i32>} : memref<1x4x2x8x128xf32, #tpu.memory_space<vmem>>, vector<16xf32>,
          %parallel_loop3A_1081 = arith.constant 3968 : i32
          %parallel_loop3A_1082 = vector.broadcast %parallel_loop3A_1081 : i32 to vector<16xi32>
          %parallel_loop3A_1083 = arith.addi %parallel_loop3A_420, %parallel_loop3A_1082 : vector<16xi32>
          %parallel_loop3A_1084 = tpu.vector_load_idx %arg5[%parallel_loop3A_1083] : memref<4096xf32, #tpu.memory_space<vmem>>[vector<16xi32>], vector<16xf32>,
          %parallel_loop3A_1085 = arith.constant 0 : i32
          %parallel_loop3A_1086 = arith.constant 3 : i32
          %parallel_loop3A_1087 = arith.constant 7 : i32
          %parallel_loop3A_1088 = arith.constant 0 : i32
          %parallel_loop3A_1089 = arith.constant 0 : i32
          %parallel_loop3A_1090 = arith.constant 0 : i32
          %parallel_loop3A_1091 = arith.constant 0 : i32
          %parallel_loop3A_1092 = arith.constant 0 : i32
          %parallel_loop3A_1093 = tpu.memref_slice %run_scoped3A_8[%rem3A_319, %parallel_loop3A_1088, %parallel_loop3A_1089, %parallel_loop3A_1090, %parallel_loop3A_1091, %parallel_loop3A_1092] : memref<2x1x4x2x8x128xf32, #tpu.memory_space<vmem>> -> memref<1x1x4x2x8x128xf32, #tpu.memory_space<vmem>>
          %parallel_loop3A_1094 = tpu.memref_squeeze %parallel_loop3A_1093 : memref<1x1x4x2x8x128xf32, #tpu.memory_space<vmem>> -> memref<1x4x2x8x128xf32, #tpu.memory_space<vmem>>
          %parallel_loop3A_1095 = arith.index_cast %parallel_loop3A_1085 : i32 to index
          %parallel_loop3A_1096 = arith.index_cast %parallel_loop3A_1086 : i32 to index
          %parallel_loop3A_1097 = arith.index_cast %parallel_loop3A_444 : i32 to index
          %parallel_loop3A_1098 = arith.index_cast %parallel_loop3A_1087 : i32 to index
          %parallel_loop3A_1099 = arith.index_cast %parallel_loop3A_460 : i32 to index
          %parallel_loop3A_1100 = tpu.vector_load %parallel_loop3A_1094[%parallel_loop3A_1095, %parallel_loop3A_1096, %parallel_loop3A_1097, %parallel_loop3A_1098, %parallel_loop3A_1099] {strides = array<i32>} : memref<1x4x2x8x128xf32, #tpu.memory_space<vmem>>, vector<16xf32>,
          tpu.vector_store %parallel_loop3A_1094[%parallel_loop3A_1095, %parallel_loop3A_1096, %parallel_loop3A_1097, %parallel_loop3A_1098, %parallel_loop3A_1099], %parallel_loop3A_1084 {strides = array<i32>} : memref<1x4x2x8x128xf32, #tpu.memory_space<vmem>>, vector<16xf32>,
        } {sc.loop_unroll_factor = 16 : i64, sc.parallel_access}
        "tpu.trace_stop"() : () -> ()
        %ne3A_322 = arith.cmpi ne, %add3A_209, %add3A_245 : i32
        %ne3A_323 = arith.cmpi ne, %add3A_210, %add3A_246 : i32
        %or3A_324 = arith.constant false
        %or3A_325 = arith.ori %or3A_324, %ne3A_322 : i1
        %or3A_326 = arith.ori %or3A_325, %ne3A_323 : i1
        %or3A_327 = arith.ori %or3A_326, %eq3A_207 : i1
        %convert_element_type3A_328 = arith.extui %or3A_327 : i1 to i32
        %cond3A_329 = arith.constant 0 : i32
        %cond3A_330 = arith.cmpi ne, %convert_element_type3A_328, %cond3A_329 : i32
        scf.if %cond3A_330 {
        } else {
        }
        %and3A_331 = arith.constant false
        %and3A_332 = arith.andi %or3A_327, %and3A_331 : i1
        %ne3A_333 = arith.cmpi ne, %add3A_209, %add3A_245 : i32
        %ne3A_334 = arith.cmpi ne, %add3A_210, %add3A_246 : i32
        %or3A_335 = arith.constant false
        %or3A_336 = arith.ori %or3A_335, %ne3A_333 : i1
        %or3A_337 = arith.constant false
        %or3A_338 = arith.ori %or3A_336, %or3A_337 : i1
        %or3A_339 = arith.ori %or3A_338, %ne3A_334 : i1
        %or3A_340 = arith.constant false
        %or3A_341 = arith.ori %or3A_339, %or3A_340 : i1
        %or3A_342 = arith.constant false
        %or3A_343 = arith.ori %or3A_341, %or3A_342 : i1
        %or3A_344 = arith.ori %or3A_343, %eq3A_207 : i1
        %convert_element_type3A_345 = arith.extui %or3A_344 : i1 to i32
        %cond3A_346 = arith.constant 0 : i32
        %cond3A_347 = arith.cmpi ne, %convert_element_type3A_345, %cond3A_346 : i32
        scf.if %cond3A_347 {
          "tpu.trace_start"() <{level = 10 : i32, message = "ep_copy_out"}> : () -> ()
          %rem3A_412 = arith.constant 2 : i32
          %rem3A_413 = arith.remui %scan3A_200, %rem3A_412 : i32
          %mul3A_414 = arith.constant 1 : i32
          %mul3A_415 = arith.muli %mul3A_414, %add3A_209 : i32
          %mul3A_416 = arith.constant 2 : i32
          %mul3A_417 = arith.muli %mul3A_416, %add3A_210 : i32
          %dma_start3A_418 = arith.constant 0 : i32
          %dma_start3A_419 = arith.constant 0 : i32
          %dma_start3A_420 = arith.constant 0 : i32
          %dma_start3A_421 = arith.constant 0 : i32
          %dma_start3A_422 = arith.constant 0 : i32
          %dma_start3A_423 = tpu.memref_slice %run_scoped3A_8[%rem3A_413, %dma_start3A_418, %dma_start3A_419, %dma_start3A_420, %dma_start3A_421, %dma_start3A_422] : memref<2x1x4x2x8x128xf32, #tpu.memory_space<vmem>> -> memref<1x1x4x2x8x128xf32, #tpu.memory_space<vmem>>
          %dma_start3A_424 = tpu.memref_squeeze %dma_start3A_423 : memref<1x1x4x2x8x128xf32, #tpu.memory_space<vmem>> -> memref<1x4x2x8x128xf32, #tpu.memory_space<vmem>>
          %dma_start3A_425 = arith.constant 0 : i32
          %dma_start3A_426 = arith.constant 0 : i32
          %dma_start3A_427 = arith.constant 0 : i32
          %dma_start3A_428 = tpu.memref_slice %arg4[%mul3A_415, %dma_start3A_425, %mul3A_417, %dma_start3A_426, %dma_start3A_427] : memref<200x4x128x8x128xf32, #tpu.memory_space<hbm>> -> memref<1x4x2x8x128xf32, #tpu.memory_space<hbm>>
          %dma_start3A_429 = tpu.memref_slice %run_scoped3A_9[%rem3A_413] : memref<2x!tpu.dma_semaphore, #tpu.memory_space<semaphore_mem>> -> memref<1x!tpu.dma_semaphore, #tpu.memory_space<semaphore_mem>>
          %dma_start3A_430 = tpu.memref_squeeze %dma_start3A_429 : memref<1x!tpu.dma_semaphore, #tpu.memory_space<semaphore_mem>> -> memref<!tpu.dma_semaphore, #tpu.memory_space<semaphore_mem>>
          %dma_start3A_431 = arith.constant 0 : i32
          %dma_start3A_432 = arith.constant 0 : i32
          %dma_start3A_433 = arith.constant 0 : i32
          %dma_start3A_434 = tpu.memref_slice %arg4[%mul3A_415, %dma_start3A_431, %mul3A_417, %dma_start3A_432, %dma_start3A_433] : memref<200x4x128x8x128xf32, #tpu.memory_space<hbm>> -> memref<1x4x2x8x128xf32, #tpu.memory_space<hbm>>
          %dma_start3A_435 = arith.constant 0 : i32
          %dma_start3A_436 = arith.constant 0 : i32
          %dma_start3A_437 = arith.constant 0 : i32
          %dma_start3A_438 = arith.constant 0 : i32
          %dma_start3A_439 = arith.constant 0 : i32
          %dma_start3A_440 = tpu.memref_slice %run_scoped3A_8[%rem3A_413, %dma_start3A_435, %dma_start3A_436, %dma_start3A_437, %dma_start3A_438, %dma_start3A_439] : memref<2x1x4x2x8x128xf32, #tpu.memory_space<vmem>> -> memref<1x1x4x2x8x128xf32, #tpu.memory_space<vmem>>
          %dma_start3A_441 = tpu.memref_squeeze %dma_start3A_440 : memref<1x1x4x2x8x128xf32, #tpu.memory_space<vmem>> -> memref<1x4x2x8x128xf32, #tpu.memory_space<vmem>>
          tpu.enqueue_dma source(%dma_start3A_441 : memref<1x4x2x8x128xf32, #tpu.memory_space<vmem>>) target(%dma_start3A_434 : memref<1x4x2x8x128xf32, #tpu.memory_space<hbm>>) target_semaphore(%dma_start3A_430 : memref<!tpu.dma_semaphore, #tpu.memory_space<semaphore_mem>>)
          "tpu.trace_stop"() : () -> ()
        } else {
        }
        %and3A_348 = arith.constant true
        %and3A_349 = arith.andi %or3A_344, %and3A_348 : i1
        %add3A_350 = arith.constant 1 : i32
        %add3A_351 = arith.addi %scan3A_200, %add3A_350 : i32
        %select_n3A_352 = arith.select %and3A_349, %add3A_351, %scan3A_200 : i32
        %ne3A_353 = arith.cmpi ne, %add3A_209, %add3A_227 : i32
        %ne3A_354 = arith.cmpi ne, %add3A_210, %add3A_228 : i32
        %or3A_355 = arith.constant false
        %or3A_356 = arith.ori %or3A_355, %ne3A_353 : i1
        %or3A_357 = arith.ori %or3A_356, %ne3A_354 : i1
        %not3A_358 = arith.constant true
        %not3A_359 = arith.xori %eq3A_205, %not3A_358 : i1
        %and3A_360 = arith.andi %or3A_357, %not3A_359 : i1
        %convert_element_type3A_361 = arith.extui %and3A_360 : i1 to i32
        %cond3A_362 = arith.constant 0 : i32
        %cond3A_363 = arith.cmpi ne, %convert_element_type3A_361, %cond3A_362 : i32
        scf.if %cond3A_363 {
        } else {
        }
        %and3A_364 = arith.constant false
        %and3A_365 = arith.andi %and3A_360, %and3A_364 : i1
        %ne3A_366 = arith.cmpi ne, %add3A_209, %add3A_227 : i32
        %ne3A_367 = arith.cmpi ne, %add3A_210, %add3A_228 : i32
        %or3A_368 = arith.constant false
        %or3A_369 = arith.ori %or3A_368, %ne3A_366 : i1
        %or3A_370 = arith.constant false
        %or3A_371 = arith.ori %or3A_369, %or3A_370 : i1
        %or3A_372 = arith.ori %or3A_371, %ne3A_367 : i1
        %or3A_373 = arith.constant false
        %or3A_374 = arith.ori %or3A_372, %or3A_373 : i1
        %or3A_375 = arith.constant false
        %or3A_376 = arith.ori %or3A_374, %or3A_375 : i1
        %not3A_377 = arith.constant true
        %not3A_378 = arith.xori %eq3A_205, %not3A_377 : i1
        %and3A_379 = arith.andi %or3A_376, %not3A_378 : i1
        %convert_element_type3A_380 = arith.extui %and3A_379 : i1 to i32
        %cond3A_381 = arith.constant 0 : i32
        %cond3A_382 = arith.cmpi ne, %convert_element_type3A_380, %cond3A_381 : i32
        scf.if %cond3A_382 {
          "tpu.trace_start"() <{level = 10 : i32, message = "ep_wait_out"}> : () -> ()
          %rem3A_412 = arith.constant 2 : i32
          %rem3A_413 = arith.remui %scan3A_201, %rem3A_412 : i32
          %mul3A_414 = arith.constant 1 : i32
          %mul3A_415 = arith.muli %mul3A_414, %add3A_227 : i32
          %mul3A_416 = arith.constant 2 : i32
          %mul3A_417 = arith.muli %mul3A_416, %add3A_228 : i32
          %dma_wait3A_418 = arith.constant 0 : i32
          %dma_wait3A_419 = arith.constant 0 : i32
          %dma_wait3A_420 = arith.constant 0 : i32
          %dma_wait3A_421 = arith.constant 0 : i32
          %dma_wait3A_422 = arith.constant 0 : i32
          %dma_wait3A_423 = tpu.memref_slice %run_scoped3A_8[%rem3A_413, %dma_wait3A_418, %dma_wait3A_419, %dma_wait3A_420, %dma_wait3A_421, %dma_wait3A_422] : memref<2x1x4x2x8x128xf32, #tpu.memory_space<vmem>> -> memref<1x1x4x2x8x128xf32, #tpu.memory_space<vmem>>
          %dma_wait3A_424 = tpu.memref_squeeze %dma_wait3A_423 : memref<1x1x4x2x8x128xf32, #tpu.memory_space<vmem>> -> memref<1x4x2x8x128xf32, #tpu.memory_space<vmem>>
          %dma_wait3A_425 = arith.constant 0 : i32
          %dma_wait3A_426 = arith.constant 0 : i32
          %dma_wait3A_427 = arith.constant 0 : i32
          %dma_wait3A_428 = tpu.memref_slice %arg4[%mul3A_415, %dma_wait3A_425, %mul3A_417, %dma_wait3A_426, %dma_wait3A_427] : memref<200x4x128x8x128xf32, #tpu.memory_space<hbm>> -> memref<1x4x2x8x128xf32, #tpu.memory_space<hbm>>
          %dma_wait3A_429 = tpu.memref_slice %run_scoped3A_9[%rem3A_413] : memref<2x!tpu.dma_semaphore, #tpu.memory_space<semaphore_mem>> -> memref<1x!tpu.dma_semaphore, #tpu.memory_space<semaphore_mem>>
          %dma_wait3A_430 = tpu.memref_squeeze %dma_wait3A_429 : memref<1x!tpu.dma_semaphore, #tpu.memory_space<semaphore_mem>> -> memref<!tpu.dma_semaphore, #tpu.memory_space<semaphore_mem>>
          %dma_wait3A_431 = arith.constant 0 : i32
          %dma_wait3A_432 = arith.constant 0 : i32
          %dma_wait3A_433 = arith.constant 0 : i32
          %dma_wait3A_434 = tpu.memref_slice %arg4[%mul3A_415, %dma_wait3A_431, %mul3A_417, %dma_wait3A_432, %dma_wait3A_433] : memref<200x4x128x8x128xf32, #tpu.memory_space<hbm>> -> memref<1x4x2x8x128xf32, #tpu.memory_space<hbm>>
          %dma_wait3A_435 = arith.constant 0 : i32
          %dma_wait3A_436 = arith.constant 0 : i32
          %dma_wait3A_437 = arith.constant 0 : i32
          %dma_wait3A_438 = arith.constant 0 : i32
          %dma_wait3A_439 = arith.constant 0 : i32
          %dma_wait3A_440 = tpu.memref_slice %run_scoped3A_8[%rem3A_413, %dma_wait3A_435, %dma_wait3A_436, %dma_wait3A_437, %dma_wait3A_438, %dma_wait3A_439] : memref<2x1x4x2x8x128xf32, #tpu.memory_space<vmem>> -> memref<1x1x4x2x8x128xf32, #tpu.memory_space<vmem>>
          %dma_wait3A_441 = tpu.memref_squeeze %dma_wait3A_440 : memref<1x1x4x2x8x128xf32, #tpu.memory_space<vmem>> -> memref<1x4x2x8x128xf32, #tpu.memory_space<vmem>>
          tpu.wait_dma2 semaphore(%dma_wait3A_430 : memref<!tpu.dma_semaphore, #tpu.memory_space<semaphore_mem>>) src(%dma_wait3A_441 : memref<1x4x2x8x128xf32, #tpu.memory_space<vmem>>) dst(%dma_wait3A_434 : memref<1x4x2x8x128xf32, #tpu.memory_space<hbm>>)
          "tpu.trace_stop"() : () -> ()
        } else {
        }
        %and3A_383 = arith.constant true
        %and3A_384 = arith.andi %and3A_379, %and3A_383 : i1
        %add3A_385 = arith.constant 1 : i32
        %add3A_386 = arith.addi %scan3A_201, %add3A_385 : i32
        %select_n3A_387 = arith.select %and3A_384, %add3A_386, %scan3A_201 : i32
        %ne3A_388 = arith.cmpi ne, %add3A_209, %add3A_245 : i32
        %ne3A_389 = arith.cmpi ne, %add3A_210, %add3A_246 : i32
        %or3A_390 = arith.constant false
        %or3A_391 = arith.ori %or3A_390, %ne3A_388 : i1
        %or3A_392 = arith.ori %or3A_391, %ne3A_389 : i1
        %or3A_393 = arith.ori %or3A_392, %eq3A_207 : i1
        %add3A_394 = arith.constant 1 : i32
        %add3A_395 = arith.addi %scan3A_199, %add3A_394 : i32
        %select_n3A_396 = arith.select %or3A_393, %add3A_395, %scan3A_199 : i32
        %add3A_397 = arith.constant 1 : i32
        %add3A_398 = arith.addi %scan3A_203, %add3A_397 : i32
        %select_n3A_399 = arith.constant true
        %select_n3A_400 = arith.select %select_n3A_399, %add3A_398, %scan3A_203 : i32
        %eq3A_401 = arith.constant 2 : i32
        %eq3A_402 = arith.cmpi eq, %select_n3A_400, %eq3A_401 : i32
        %select_n3A_403 = arith.constant 0 : i32
        %select_n3A_404 = arith.select %eq3A_402, %select_n3A_403, %select_n3A_400 : i32
        %add3A_405 = arith.constant 1 : i32
        %add3A_406 = arith.addi %scan3A_202, %add3A_405 : i32
        %select_n3A_407 = arith.select %eq3A_402, %add3A_406, %scan3A_202 : i32
        %eq3A_408 = arith.constant 200 : i32
        %eq3A_409 = arith.cmpi eq, %select_n3A_407, %eq3A_408 : i32
        %select_n3A_410 = arith.constant 0 : i32
        %select_n3A_411 = arith.select %eq3A_409, %select_n3A_410, %select_n3A_407 : i32
        scf.yield %select_n3A_275, %select_n3A_396, %select_n3A_352, %select_n3A_387, %select_n3A_411, %select_n3A_404 : i32, i32, i32, i32, i32, i32
      }
      %scan3A_96 = arith.constant 400 : i32
      %sub3A = arith.constant 1 : i32
      %sub3A_97 = arith.subi %scan3A_95#5, %sub3A : i32
      %select_n3A_98 = arith.constant true
      %select_n3A_99 = arith.select %select_n3A_98, %sub3A_97, %scan3A_95#5 : i32
      %eq3A_100 = arith.constant -1 : i32
      %eq3A_101 = arith.cmpi eq, %select_n3A_99, %eq3A_100 : i32
      %select_n3A_102 = arith.constant 1 : i32
      %select_n3A_103 = arith.select %eq3A_101, %select_n3A_102, %select_n3A_99 : i32
      %sub3A_104 = arith.constant 1 : i32
      %sub3A_105 = arith.subi %scan3A_95#4, %sub3A_104 : i32
      %select_n3A_106 = arith.select %eq3A_101, %sub3A_105, %scan3A_95#4 : i32
      %eq3A_107 = arith.constant -1 : i32
      %eq3A_108 = arith.cmpi eq, %select_n3A_106, %eq3A_107 : i32
      %select_n3A_109 = arith.constant 199 : i32
      %select_n3A_110 = arith.select %eq3A_108, %select_n3A_109, %select_n3A_106 : i32
      %add3A_111 = arith.constant 0 : i32
      %add3A_112 = arith.addi %select_n3A_110, %add3A_111 : i32
      %add3A_113 = arith.addi %select_n3A_103, %mul3A_6 : i32
      %sub3A_114 = arith.constant 1 : i32
      %sub3A_115 = arith.subi %select_n3A_103, %sub3A_114 : i32
      %select_n3A_116 = arith.constant true
      %select_n3A_117 = arith.select %select_n3A_116, %sub3A_115, %select_n3A_103 : i32
      %eq3A_118 = arith.constant -1 : i32
      %eq3A_119 = arith.cmpi eq, %select_n3A_117, %eq3A_118 : i32
      %select_n3A_120 = arith.constant 1 : i32
      %select_n3A_121 = arith.select %eq3A_119, %select_n3A_120, %select_n3A_117 : i32
      %sub3A_122 = arith.constant 1 : i32
      %sub3A_123 = arith.subi %select_n3A_110, %sub3A_122 : i32
      %select_n3A_124 = arith.select %eq3A_119, %sub3A_123, %select_n3A_110 : i32
      %eq3A_125 = arith.constant -1 : i32
      %eq3A_126 = arith.cmpi eq, %select_n3A_124, %eq3A_125 : i32
      %select_n3A_127 = arith.constant 199 : i32
      %select_n3A_128 = arith.select %eq3A_126, %select_n3A_127, %select_n3A_124 : i32
      %add3A_129 = arith.constant 0 : i32
      %add3A_130 = arith.addi %select_n3A_128, %add3A_129 : i32
      %add3A_131 = arith.addi %select_n3A_121, %mul3A_6 : i32
      %add3A_132 = arith.constant 1 : i32
      %add3A_133 = arith.addi %select_n3A_103, %add3A_132 : i32
      %select_n3A_134 = arith.constant true
      %select_n3A_135 = arith.select %select_n3A_134, %add3A_133, %select_n3A_103 : i32
      %eq3A_136 = arith.constant 2 : i32
      %eq3A_137 = arith.cmpi eq, %select_n3A_135, %eq3A_136 : i32
      %select_n3A_138 = arith.constant 0 : i32
      %select_n3A_139 = arith.select %eq3A_137, %select_n3A_138, %select_n3A_135 : i32
      %add3A_140 = arith.constant 1 : i32
      %add3A_141 = arith.addi %select_n3A_110, %add3A_140 : i32
      %select_n3A_142 = arith.select %eq3A_137, %add3A_141, %select_n3A_110 : i32
      %eq3A_143 = arith.constant 200 : i32
      %eq3A_144 = arith.cmpi eq, %select_n3A_142, %eq3A_143 : i32
      %select_n3A_145 = arith.constant 0 : i32
      %select_n3A_146 = arith.select %eq3A_144, %select_n3A_145, %select_n3A_142 : i32
      %add3A_147 = arith.constant 0 : i32
      %add3A_148 = arith.addi %select_n3A_146, %add3A_147 : i32
      %add3A_149 = arith.addi %select_n3A_139, %mul3A_6 : i32
      %add3A_150 = arith.constant 1 : i32
      %add3A_151 = arith.addi %select_n3A_139, %add3A_150 : i32
      %select_n3A_152 = arith.constant true
      %select_n3A_153 = arith.select %select_n3A_152, %add3A_151, %select_n3A_139 : i32
      %eq3A_154 = arith.constant 2 : i32
      %eq3A_155 = arith.cmpi eq, %select_n3A_153, %eq3A_154 : i32
      %select_n3A_156 = arith.constant 0 : i32
      %select_n3A_157 = arith.select %eq3A_155, %select_n3A_156, %select_n3A_153 : i32
      %add3A_158 = arith.constant 1 : i32
      %add3A_159 = arith.addi %select_n3A_146, %add3A_158 : i32
      %select_n3A_160 = arith.select %eq3A_155, %add3A_159, %select_n3A_146 : i32
      %eq3A_161 = arith.constant 200 : i32
      %eq3A_162 = arith.cmpi eq, %select_n3A_160, %eq3A_161 : i32
      %select_n3A_163 = arith.constant 0 : i32
      %select_n3A_164 = arith.select %eq3A_162, %select_n3A_163, %select_n3A_160 : i32
      %add3A_165 = arith.constant 0 : i32
      %add3A_166 = arith.addi %select_n3A_164, %add3A_165 : i32
      %add3A_167 = arith.addi %select_n3A_157, %mul3A_6 : i32
      "tpu.trace_start"() <{level = 10 : i32, message = "ep_finalize"}> : () -> ()
      %rem3A_168 = arith.constant 2 : i32
      %rem3A_169 = arith.remui %scan3A_95#3, %rem3A_168 : i32
      %mul3A_170 = arith.constant 1 : i32
      %mul3A_171 = arith.muli %mul3A_170, %add3A_112 : i32
      %mul3A_172 = arith.constant 2 : i32
      %mul3A_173 = arith.muli %mul3A_172, %add3A_113 : i32
      %dma_wait3A = arith.constant 0 : i32
      %dma_wait3A_174 = arith.constant 0 : i32
      %dma_wait3A_175 = arith.constant 0 : i32
      %dma_wait3A_176 = arith.constant 0 : i32
      %dma_wait3A_177 = arith.constant 0 : i32
      %dma_wait3A_178 = tpu.memref_slice %run_scoped3A_8[%rem3A_169, %dma_wait3A, %dma_wait3A_174, %dma_wait3A_175, %dma_wait3A_176, %dma_wait3A_177] : memref<2x1x4x2x8x128xf32, #tpu.memory_space<vmem>> -> memref<1x1x4x2x8x128xf32, #tpu.memory_space<vmem>>
      %dma_wait3A_179 = tpu.memref_squeeze %dma_wait3A_178 : memref<1x1x4x2x8x128xf32, #tpu.memory_space<vmem>> -> memref<1x4x2x8x128xf32, #tpu.memory_space<vmem>>
      %dma_wait3A_180 = arith.constant 0 : i32
      %dma_wait3A_181 = arith.constant 0 : i32
      %dma_wait3A_182 = arith.constant 0 : i32
      %dma_wait3A_183 = tpu.memref_slice %arg4[%mul3A_171, %dma_wait3A_180, %mul3A_173, %dma_wait3A_181, %dma_wait3A_182] : memref<200x4x128x8x128xf32, #tpu.memory_space<hbm>> -> memref<1x4x2x8x128xf32, #tpu.memory_space<hbm>>
      %dma_wait3A_184 = tpu.memref_slice %run_scoped3A_9[%rem3A_169] : memref<2x!tpu.dma_semaphore, #tpu.memory_space<semaphore_mem>> -> memref<1x!tpu.dma_semaphore, #tpu.memory_space<semaphore_mem>>
      %dma_wait3A_185 = tpu.memref_squeeze %dma_wait3A_184 : memref<1x!tpu.dma_semaphore, #tpu.memory_space<semaphore_mem>> -> memref<!tpu.dma_semaphore, #tpu.memory_space<semaphore_mem>>
      %dma_wait3A_186 = arith.constant 0 : i32
      %dma_wait3A_187 = arith.constant 0 : i32
      %dma_wait3A_188 = arith.constant 0 : i32
      %dma_wait3A_189 = tpu.memref_slice %arg4[%mul3A_171, %dma_wait3A_186, %mul3A_173, %dma_wait3A_187, %dma_wait3A_188] : memref<200x4x128x8x128xf32, #tpu.memory_space<hbm>> -> memref<1x4x2x8x128xf32, #tpu.memory_space<hbm>>
      %dma_wait3A_190 = arith.constant 0 : i32
      %dma_wait3A_191 = arith.constant 0 : i32
      %dma_wait3A_192 = arith.constant 0 : i32
      %dma_wait3A_193 = arith.constant 0 : i32
      %dma_wait3A_194 = arith.constant 0 : i32
      %dma_wait3A_195 = tpu.memref_slice %run_scoped3A_8[%rem3A_169, %dma_wait3A_190, %dma_wait3A_191, %dma_wait3A_192, %dma_wait3A_193, %dma_wait3A_194] : memref<2x1x4x2x8x128xf32, #tpu.memory_space<vmem>> -> memref<1x1x4x2x8x128xf32, #tpu.memory_space<vmem>>
      %dma_wait3A_196 = tpu.memref_squeeze %dma_wait3A_195 : memref<1x1x4x2x8x128xf32, #tpu.memory_space<vmem>> -> memref<1x4x2x8x128xf32, #tpu.memory_space<vmem>>
      tpu.wait_dma2 semaphore(%dma_wait3A_185 : memref<!tpu.dma_semaphore, #tpu.memory_space<semaphore_mem>>) src(%dma_wait3A_196 : memref<1x4x2x8x128xf32, #tpu.memory_space<vmem>>) dst(%dma_wait3A_189 : memref<1x4x2x8x128xf32, #tpu.memory_space<hbm>>)
      "tpu.trace_stop"() : () -> ()
      tpu.yield
    }) : () -> ()
    return
  }
}

</mosaic_0001>

<sc_bundles>
// kernel: kernel.3.cloned.1.call-start
scs
__scs_entry_jumppad:
0x0: {  	(pc) =	sbr.rel $0x88, $3  }
0x1: {  	(tag) =	ssettag $0x0;
	lr =	simm.s32 $0x1  }
0x2: {  	[smem:$0x3F9F] =	sst lr;
	_ =	strace $0xD0000000  }
0x3: {  	_ = 	snop  }
0x4: {  	_ = 	snop  }
0x5: {  	_ = 	snop  }
0x6: {  	_ = 	snop  }
0x7: {  	_ = 	snop  }
__scs_overlays_trampoline_lowered:
0x8: {  	[smem:$0x3FAE] =	sst s0  }
0x9: {  	[smem:$0x3FAF] =	sst s1  }
0xa: {  	[smem:$0x3FB0] =	sst s2  }
0xb: {  	[smem:$0x3FB1] =	sst s3  }
0xc: {  	[smem:$0x3FB2] =	sst s4  }
0xd: {  	[smem:$0x3FB3] =	sst s5  }
0xe: {  	[smem:$0x3FB4] =	sst s6  }
0xf: {  	[smem:$0x3FB5] =	sst s7  }
0x10: {  	[smem:$0x3FB6] =	sst s8  }
0x11: {  	[smem:$0x3FB7] =	sst s9;
	s0 =	simm.s32 @!p0 $0x0  }
0x12: {  	s1 =	sld [smem:$0x3F9D];
	s0 =	simm.s32 @p0 $0x1  }
0x13: {  	[smem:$0x3FB8] =	sst s0;
	s0 =	simm.s32 @!p1 $0x0  }
0x14: {  	s2 =	sld [smem:$0x3F9C];
	s0 =	simm.s32 @p1 $0x1  }
0x15: {  	[smem:$0x3FB9] =	sst s0;
	s0 =	simm.s32 @!p2 $0x0  }
0x16: {  	s3 =	sld [smem:$0x3FDB];
	s0 =	simm.s32 @p2 $0x1  }
0x17: {  	s4 =	simm.s32 $0x1BF5;
	[smem:$0x3FBB] =	sst s0  }
0x18: {  	s0 =	sld [smem:$0x3F9E];
	_ =	swait.ge [sflag:s4], $0x0  }
0x19: {  	s7 =	sld [smem:$0x3F9F]  }
0x1a: {  	s8 =	sadd.s32 $0xFFFFE003, lr  }
0x1b: {  	s9 =	sadd.s32 $0xFFFFFEF7, lr;
	s5 =	simm.s32 $0xFFFFFFFF;
	p2 =	slt.u32 s8, $0xFFFFF086  }
0x1c: {  	p1 =	slt.u32 s9, $0xF7A;
	s5 =	simm.s32 @!p2 $0x0  }
0x1d: {  	s5 =	simm.s32 @p1 $0x1;
	p0 =	seq.s32 s7, s2  }
0x1e: {  	s7 =	smul.u32 @!p0 $0xF7A, s2;
	p2 =	seq.s32 @!p0 s5, $0x0  }
0x1f: {  	s9 =	smul.u32 $0xF7A, s1;
	s8 =	simm.s32 @!p0 $0x1BF5;
	p2 =	por !p2, p0  }
0x20: {  	[sflag:s8] =	ssyncset.s32 @!p0 $0xFFFFF086;
	s6 =	sadd.s32 @!p0 s3, s7;
	s7 =	simm.s32 @!p0 $0x108  }
0x21: {  	s3 =	sadd.s32 s3, s9;
	s6 =	sadd.s32 @!p0 $0x88, s6;
	s7 =	simm.s32 @p2 $0x1082  }
0x22: {  	[simem:s7], [sflag:s8] =	dma.local @!p0 [hbm:s6], $0xF7A  }
0x23: {  	s9 =	sor.u32 $0xD0000000, s2;
	s6 =	simm.s32 $0x108;
	_ =	swait.ge @!p0 [sflag:s8], $0x0  }
0x24: {  	s3 =	sadd.s32 $0x88, s3;
	s6 =	simm.s32 @!p1 $0x1082;
	[sflag:s4] =	ssyncset.s32 $0xFFFFF086  }
0x25: {  	[simem:s6], [sflag:s4] =	dma.local [hbm:s3], $0xF7A  }
0x26: {  	[smem:$0x3F9F] =	sst s1;
	(tag) =	ssettag s2;
	_ =	strace s9  }
0x27: {  	s1 =	sld [smem:$0x3FAF]  }
0x28: {  	s2 =	sld [smem:$0x3FB0]  }
0x29: {  	s4 =	sld [smem:$0x3FB2]  }
0x2a: {  	p0 =	seq.s32 s5, $0x0;
	s5 =	sld [smem:$0x3FB3]  }
0x2b: {  	s6 =	sld [smem:$0x3FB4]  }
0x2c: {  	s7 =	sld [smem:$0x3FB5]  }
0x2d: {  	s3 =	simm.s32 $0x108;
	s8 =	sld [smem:$0x3FB6]  }
0x2e: {  	s3 =	simm.s32 @!p0 $0x1082;
	s9 =	sld [smem:$0x3FB7]  }
0x2f: {  	lr =	sadd.s32 s0, s3;
	s0 =	sld [smem:$0x3FAE]  }
0x30: {  	s3 =	sld [smem:$0x3FB1]  }
0x31: {  	[smem:$0x3FBA] =	sst s10  }
0x32: {  	s10 =	sld [smem:$0x3FB8];
	_ =	sdelay $0x3  }
0x33: {  	p0 =	seq.s32 s10, $0x1;
	s10 =	sld [smem:$0x3FBA];
	_ =	sdelay $0x3  }
0x34: {  	[smem:$0x3FBA] =	sst s10  }
0x35: {  	s10 =	sld [smem:$0x3FB9];
	_ =	sdelay $0x3  }
0x36: {  	p1 =	seq.s32 s10, $0x1;
	s10 =	sld [smem:$0x3FBA];
	_ =	sdelay $0x3  }
0x37: {  	[smem:$0x3FBA] =	sst s10  }
0x38: {  	s10 =	sld [smem:$0x3FBB]  }
0x39: {  	_ = 	snop;
	(pc) =	sbr.ind lr, $3  }
0x3a: {  	_ = 	snop  }
0x3b: {  	_ = 	snop  }
0x3c: {  	p2 =	seq.s32 s10, $0x1;
	s10 =	sld [smem:$0x3FBA]  }
0x3d: {  	_ =	shalt  }
0x3e: {  	_ =	shalt  }
0x3f: {  	_ =	shalt  }
0x40: {  	_ =	shalt  }
0x41: {  	_ =	shalt  }
0x42: {  	_ =	shalt  }
0x43: {  	_ =	shalt  }
0x44: {  	_ =	shalt  }
0x45: {  	_ =	shalt  }
0x46: {  	_ =	shalt  }
0x47: {  	_ =	shalt  }
0x48: {  	_ =	shalt  }
0x49: {  	_ =	shalt  }
0x4a: {  	_ =	shalt  }
0x4b: {  	_ =	shalt  }
0x4c: {  	_ =	shalt  }
0x4d: {  	_ =	shalt  }
0x4e: {  	_ =	shalt  }
0x4f: {  	_ =	shalt  }
0x50: {  	_ =	shalt  }
0x51: {  	_ =	shalt  }
0x52: {  	_ =	shalt  }
0x53: {  	_ =	shalt  }
0x54: {  	_ =	shalt  }
0x55: {  	_ =	shalt  }
0x56: {  	_ =	shalt  }
0x57: {  	_ =	shalt  }
0x58: {  	_ =	shalt  }
0x59: {  	_ =	shalt  }
0x5a: {  	_ =	shalt  }
0x5b: {  	_ =	shalt  }
0x5c: {  	_ =	shalt  }
0x5d: {  	_ =	shalt  }
0x5e: {  	_ =	shalt  }
0x5f: {  	_ =	shalt  }
0x60: {  	_ =	shalt  }
0x61: {  	_ =	shalt  }
0x62: {  	_ =	shalt  }
0x63: {  	_ =	shalt  }
0x64: {  	_ =	shalt  }
0x65: {  	_ =	shalt  }
0x66: {  	_ =	shalt  }
0x67: {  	_ =	shalt  }
0x68: {  	_ =	shalt  }
0x69: {  	_ =	shalt  }
0x6a: {  	_ =	shalt  }
0x6b: {  	_ =	shalt  }
0x6c: {  	_ =	shalt  }
0x6d: {  	_ =	shalt  }
0x6e: {  	_ =	shalt  }
0x6f: {  	_ =	shalt  }
0x70: {  	_ =	shalt  }
0x71: {  	_ =	shalt  }
0x72: {  	_ =	shalt  }
0x73: {  	_ =	shalt  }
0x74: {  	_ =	shalt  }
0x75: {  	_ =	shalt  }
0x76: {  	_ =	shalt  }
0x77: {  	_ =	shalt  }
0x78: {  	_ =	shalt  }
0x79: {  	_ =	shalt  }
0x7a: {  	_ =	shalt  }
0x7b: {  	_ =	shalt  }
0x7c: {  	_ =	shalt  }
0x7d: {  	_ =	shalt  }
0x7e: {  	_ =	shalt  }
0x7f: {  	_ =	shalt  }
0x80: {  	_ =	shalt  }
0x81: {  	_ =	shalt  }
0x82: {  	_ =	shalt  }
0x83: {  	_ =	shalt  }
0x84: {  	_ =	shalt  }
0x85: {  	_ =	shalt  }
0x86: {  	_ =	shalt  }
0x87: {  	_ =	shalt  }
.Lfunc_end0:
.L_simem_size_0:
called_computation_lowered:
.L_overlay_start_0:
0x88: {  	s2 =	sld [smem:$0x3FD9]  }
0x89: {  	s3 =	sld [smem:$0x3FFE];
	_ =	sdelay $0x1  }
0x8a: {  	s1 =	srdreg.scid  }
0x8b: {  	s0 =	sand.u32 $0x1, s1  }
0x8c: {  	s17 =	sshll.u32 s0, $0xA;
	s2 =	sadd.s32 s3, s2  }
0x8d: {  	s2 =	sadd.s32 s2, s17  }
0x8e: {  	[smem:$0x3FC6] =	sst s2  }
0x8f: {  	_ = 	snop  }
0x90: {  	s2 =	sld [smem:$0x3FC8]  }
0x91: {  	s18 =	sld [smem:$0x3FD0];
	(tm) =	ssettm $0x1  }
0x92: {  	s4 =	sld [smem:$0x3FFB];
	_ =	sdelay $0x3  }
0x93: {  	_ =	strace s4  }
0x94: {  	s4 =	sld [smem:$0x3FFC];
	_ =	sdelay $0x3  }
0x95: {  	_ =	strace s4  }
0x96: {  	s4 =	sld [smem:$0x3FFD];
	_ =	sdelay $0x3  }
0x97: {  	_ =	strace s4  }
0x98: {  	_ =	strace $0x8FFFFFFF  }
0x99: {  	s19 =	sld [smem:$0x3FDB];
	_ =	sdelay $0x1  }
0x9a: {  	s5 =	simm.s32 $_scs_section_size  }
0x9b: {  	s6 =	simm.s32 $_size__tile_overlayer_lowered;
	s7 =	simm.s32 $_tile_overlayer_lowered  }
0x9c: {  	s22 =	simm.s32 $0x1BFF;
	s21 =	sshll.u32 s7, $0x1;
	s4 =	sadd.s32 s5, s19  }
0x9d: {  	s8 =	simm.s32 $0x0;
	s20 =	sshll.u32 s6, $0x1;
	s6 =	sadd.s32 s21, s4  }
0x9e: {  	[timem:s8], [sflag:s22] =	dma.local [hbm:s6], s20  }
0x9f: {  	_ =	swait.ge [sflag:s22], s20  }
0xa0: {  	s5 =	ssub.s32 $0x0, s20;
	[sflag:s22] =	ssyncset.done $0x0  }
0xa1: {  	[sflag:s22] =	ssyncadd.s32 s5;
	_ =	sdelay $0x1  }
0xa2: {  	s23 =	simm.s32 $0x1B8B  }
0xa3: {  	_ =	swait.ge [sflag:s23], $0x1  }
0xa4: {  	[sflag:s23] =	ssyncset.done $0x0  }
0xa5: {  	s25 =	simm.s32 $0x1B8E;
	s24 =	sld [smem:$0x3FFE];
	[sflag:s23] =	ssyncadd.s32 $0xFFFFFFFF  }
0xa6: {  	s26 =	simm.s32 $execute0_lowered;
	[smem:$0x3FD2] =	sst s25  }
0xa7: {  	s6 =	sshll.u32 s26, $0x1;
	_ =	strace $0x80000046;
	[dreg:$0x1] =	wrdreg $0xFFFFFFFF  }
0xa8: {  	s28 =	simm.s32 $_size_execute0_lowered;
	s4 =	sadd.s32 s4, s6;
	[dreg:$0x0] =	wrdreg $0x0  }
0xa9: {  	s6 =	sshll.u32 s28, $0x1;
	[dreg:$0x2] =	wrdreg s4  }
0xaa: {  	[dreg:$0x3] =	wrdreg s6  }
0xab: {  	[dreg:$0x4] =	wrdreg $0xC0  }
0xac: {  	_ =	task [dreg:s8], $0x5FFFF  }
0xad: {  	[dreg:$0x1] =	wrdreg $0xFFFFFFFF  }
0xae: {  	[dreg:$0x0] =	wrdreg $0x60  }
0xaf: {  	[dreg:$0x2] =	wrdreg s2  }
0xb0: {  	[dreg:$0x3] =	wrdreg s24  }
0xb1: {  	[dreg:$0x4] =	wrdreg s18  }
0xb2: {  	[dreg:$0x5] =	wrdreg $0x9  }
0xb3: {  	_ =	task.clear_ibuf [dreg:s8], $0x6FFFF;
	_ =	strace $0x90000046  }
0xb4: {  	s29 =	simm.s32 $0x9;
	_ =	strace $0x8000004F  }
0xb5: {  	_ =	swait.ge [sflag:s29], $0x1  }
0xb6: {  	[sflag:s29] =	ssyncadd.s32 $0xFFFFFFFF  }
0xb7: {  	_ =	strace $0x9000004F  }
0xb8: {  	_ =	sfence  }
0xb9: {  	s30 =	sld [smem:$0x0];
	_ =	sdelay $0x2  }
0xba: {  	s31 =	sshll.u32 s1, $0xD;
	s1 =	sshrl.u32 s1, $0x2  }
0xbb: {  	s3 =	sand.u32 $0x4000, s31;
	s1 =	sadd.s32 s1, s30  }
0xbc: {  	s0 =	sor.u32 s3, s0;
	s1 =	sshll.u32 s1, $0x11  }
0xbd: {  	s0 =	sor.u32 s1, s0  }
0xbe: {  	s0 =	sadd.s32 $0x8F2B, s0  }
0xbf: {  	[sflag:s0] =	ssyncadd.remote.s32 $0x1  }
0xc0: {  	_ =	sfence.sel $0xFFFF  }
0xc1: {  	[dreg:$0x0] =	wrdreg $0xFFFFFFFF;
	(pc) =	sbr.abs _section_cstart, $3  }
0xc2: {  	[dreg:$0x1] =	wrdreg $0xFFFFFFFF  }
0xc3: {  	_ =	task.clear_ibuf [dreg:s8], $0x2FFFF;
	_ =	strace $0x9FFFFFFF  }
0xc4: {  	(tm) =	ssettm $0x7FFFFFFF  }
0xc5: {  	_ =	shalt  }
tec
execute0_lowered:
.L_overlay_start_1:
0x0: {  	(tag) =	ssettag $0x1  }
0x1: {  	s1 =	rddreg [dreg:$0x0]  }
0x2: {  	s4 =	rddreg [dreg:$0x1]  }
0x3: {  	s0 =	rddreg [dreg:$0x2]  }
0x4: {  	s3 =	simm.s32 $0x0;
	s2 =	srdreg.scid;
	[dreg:$0x4] =	wrdreg s0  }
0x5: {  	s8 =	simm.s32 $0x1000;
	s9 =	simm.s32 $0x1;
	s0 =	rddreg [dreg:$0x3]  }
0x6: {  	s10 =	simm.s32 $0x0;
	[smem:$0x7FF] =	sst s3;
	s5 =	sand.u32 $0x1, s2  }
0x7: {  	s2 =	stileid.u32;
	s6 =	ssub.s32 $0x2, s5;
	s5 =	sshll.u32 s5, $0x4  }
0x8: {  	s4 =	sadd.s32 $0x400, s4;
	s7 =	sshrl.u32 s6, $0x1;
	s5 =	sor.u32 s2, s5  }
0x9: {  	_ =	strace $0x80000047;
	s7 =	ssub.s32 s6, s7;
	s31 =	sshll.u32 s5, $0x6  }
0xa: {  	s5 =	sshll.u32 s5, $0x1;
	s6 =	sadd.s32 s4, s31;
	s7 =	smax.u32 s7, $0x1  }
.LBB2_1:
0xb: {  	[tilespmem:s3], [sflag:$0x1] =	stream.linear.gather [hbm4b:s1+s3], $0x1000, $0x38;
	[tilespmem:$0x5200] =	vst v63  }
0xc: {  	_ =	swait.ge [sflag:s9], $0x1000  }
0xd: {  	s11 =	simm.s32 $0x190;
	[sflag:s9] =	ssyncset.done $0x0  }
0xe: {  	s13 =	simm.s32 $0x0;
	s14 =	simm.s32 $0x0;
	[sflag:s9] =	ssyncadd.s32 $0xFFFFF000  }
0xf: {  	s12 =	simm.s32 $0x0;
	s15 =	simm.s32 $0x0;
	_ =	strace $0x80000048  }
0x10: {  	[tilespmem:s8], [sflag:$0x1] =	stream.linear.gather [hbm4b:s6+s3], $0x100, $0x200038;
	[tilespmem:$0x5200] =	vst v63  }
0x11: {  	s16 =	simm.s32 $0x0;
	s17 =	simm.s32 $0x1;
	_ =	strace $0x90000048  }
.LBB2_2:
0x12: {  	s18 =	smov.u32 s13;
	s13 =	sadd.s32 $0x1, s13  }
0x13: {  	s20 =	simm.s32 $0x1;
	p0 =	seq.s32 s13, $0x2  }
0x14: {  	s20 =	simm.s32 @!p0 $0x0  }
0x15: {  	s19 =	smov.u32 s14;
	s14 =	sadd.s32 s20, s14  }
0x16: {  	p1 =	seq.s32 s14, $0xC8  }
0x17: {  	s13 =	simm.s32 @p0 $0x0;
	s14 =	simm.s32 @p1 $0x0  }
0x18: {  	p5 =	sne.s32 s18, s13;
	p4 =	sne.s32 s19, s14  }
0x19: {  	p6 =	sne.s32 s11, $0x1;
	p1 =	por p5, p4  }
0x1a: {  	p0 =	por !p6, !p1  }
0x1b: {  	p0 =	por !p0, !p0  }
0x1c: {  	s20 =	sadd.s32 @p0 s5, s13  }
0x1d: {  	s21 =	sshll.u32 @p0 s14, $0xE;
	s20 =	sshll.u32 @p0 s20, $0x8  }
0x1e: {  	s22 =	sand.u32 @p0 $0x1, s17;
	_ =	strace @p0 $0x80000049;
	s20 =	sadd.s32 @p0 s20, s21  }
0x1f: {  	s23 =	simm.s32 @p0 $0x0;
	s21 =	sshll.u32 @p0 s22, $0x8;
	s20 =	sshrl.u32 @p0 s20, $0x3  }
0x20: {  	s22 =	sadd.s32 @p0 $0x1, s22;
	s21 =	sor.u32 @p0 $0x1000, s21;
	s20 =	sadd.s32 @p0 s4, s20  }
0x21: {  	[tilespmem:s21], [sflag:s22] =	stream.linear.gather @p0 [hbm4b:s20+s23], $0x100, $0x200038;
	[tilespmem:$0x5200] =	vst v63  }
0x22: {  	s28 =	sand.u32 $0x1, s16;
	_ =	strace @p0 $0x90000049  }
0x23: {  	s20 =	sadd.s32 $0x1, s28;
	_ =	strace $0x8000004A  }
0x24: {  	_ =	swait.ge [sflag:s20], $0x100  }
0x25: {  	[sflag:s20] =	ssyncset.done $0x0  }
0x26: {  	[sflag:s20] =	ssyncadd.s32 $0xFFFFFF00  }
0x27: {  	s29 =	sshll.u32 s16, $0x8;
	_ =	strace $0x9000004A  }
0x28: {  	s30 =	sand.u32 $0x100, s29;
	_ =	strace $0x8000004B  }
0x29: {  	v0 =	vld [tilespmem:s30+$0x1000];
	_ =	sdelay $0x7  }
0x2a: {  	v1 =	vld.idx.msk [tilespmem:v0+s3+$0x0], $0xffff  }
0x2b: {  	v2 =	vadd.s32 $0x80, v0;
	_ =	sdelay $0x1  }
0x2c: {  	s20 =	sand.u32 $0x1, s15  }
0x2d: {  	s31 =	sshll.u32 s20, $0xD  }
0x2e: {  	[tilespmem:s31+$0x1200] =	vst v1  }
0x2f: {  	v1 =	vld.idx.msk [tilespmem:v2+s3+$0x0], $0xffff  }
0x30: {  	v48 =	vadd.s32 $0x100, v0;
	_ =	sdelay $0x3  }
0x31: {  	[tilespmem:s31+$0x1280] =	vst v1  }
0x32: {  	v1 =	vld.idx.msk [tilespmem:v48+s3+$0x0], $0xffff  }
0x33: {  	v49 =	vadd.s32 $0x180, v0;
	_ =	sdelay $0x3  }
0x34: {  	[tilespmem:s31+$0x1300] =	vst v1  }
0x35: {  	v1 =	vld.idx.msk [tilespmem:v49+s3+$0x0], $0xffff  }
0x36: {  	v50 =	vadd.s32 $0x200, v0;
	_ =	sdelay $0x3  }
0x37: {  	[tilespmem:s31+$0x1380] =	vst v1  }
0x38: {  	v1 =	vld.idx.msk [tilespmem:v50+s3+$0x0], $0xffff  }
0x39: {  	v51 =	vadd.s32 $0x280, v0;
	_ =	sdelay $0x3  }
0x3a: {  	[tilespmem:s31+$0x1400] =	vst v1  }
0x3b: {  	v1 =	vld.idx.msk [tilespmem:v51+s3+$0x0], $0xffff  }
0x3c: {  	v52 =	vadd.s32 $0x300, v0;
	_ =	sdelay $0x3  }
0x3d: {  	[tilespmem:s31+$0x1480] =	vst v1  }
0x3e: {  	v1 =	vld.idx.msk [tilespmem:v52+s3+$0x0], $0xffff  }
0x3f: {  	v53 =	vadd.s32 $0x380, v0;
	_ =	sdelay $0x3  }
0x40: {  	[tilespmem:s31+$0x1500] =	vst v1  }
0x41: {  	v1 =	vld.idx.msk [tilespmem:v53+s3+$0x0], $0xffff  }
0x42: {  	v54 =	vadd.s32 $0x400, v0;
	_ =	sdelay $0x3  }
0x43: {  	[tilespmem:s31+$0x1580] =	vst v1  }
0x44: {  	v1 =	vld.idx.msk [tilespmem:v54+s3+$0x0], $0xffff  }
0x45: {  	v55 =	vadd.s32 $0x480, v0;
	_ =	sdelay $0x3  }
0x46: {  	[tilespmem:s31+$0x1A00] =	vst v1  }
0x47: {  	v1 =	vld.idx.msk [tilespmem:v55+s3+$0x0], $0xffff  }
0x48: {  	v56 =	vadd.s32 $0x500, v0;
	_ =	sdelay $0x3  }
0x49: {  	[tilespmem:s31+$0x1A80] =	vst v1  }
0x4a: {  	v1 =	vld.idx.msk [tilespmem:v56+s3+$0x0], $0xffff  }
0x4b: {  	v57 =	vadd.s32 $0x580, v0;
	_ =	sdelay $0x3  }
0x4c: {  	[tilespmem:s31+$0x1B00] =	vst v1  }
0x4d: {  	v1 =	vld.idx.msk [tilespmem:v57+s3+$0x0], $0xffff  }
0x4e: {  	v58 =	vadd.s32 $0x600, v0;
	_ =	sdelay $0x3  }
0x4f: {  	[tilespmem:s31+$0x1B80] =	vst v1  }
0x50: {  	v1 =	vld.idx.msk [tilespmem:v58+s3+$0x0], $0xffff  }
0x51: {  	v59 =	vadd.s32 $0x680, v0;
	_ =	sdelay $0x3  }
0x52: {  	[tilespmem:s31+$0x1C00] =	vst v1  }
0x53: {  	v1 =	vld.idx.msk [tilespmem:v59+s3+$0x0], $0xffff  }
0x54: {  	v60 =	vadd.s32 $0x700, v0;
	_ =	sdelay $0x3  }
0x55: {  	[tilespmem:s31+$0x1C80] =	vst v1  }
0x56: {  	v1 =	vld.idx.msk [tilespmem:v60+s3+$0x0], $0xffff  }
0x57: {  	v61 =	vadd.s32 $0x780, v0;
	_ =	sdelay $0x3  }
0x58: {  	[tilespmem:s31+$0x1D00] =	vst v1  }
0x59: {  	v1 =	vld.idx.msk [tilespmem:v61+s3+$0x0], $0xffff  }
0x5a: {  	v62 =	vadd.s32 $0x800, v0;
	_ =	sdelay $0x3  }
0x5b: {  	[tilespmem:s31+$0x1D80] =	vst v1  }
0x5c: {  	v1 =	vld.idx.msk [tilespmem:v62+s3+$0x0], $0xffff  }
0x5d: {  	v63 =	vadd.s32 $0x880, v0;
	_ =	sdelay $0x3  }
0x5e: {  	[tilespmem:s31+$0x2200] =	vst v1  }
0x5f: {  	v1 =	vld.idx.msk [tilespmem:v63+s3+$0x0], $0xffff  }
0x60: {  	v4 =	vadd.s32 $0x900, v0;
	_ =	sdelay $0x3  }
0x61: {  	[tilespmem:s31+$0x2280] =	vst v1  }
0x62: {  	v1 =	vld.idx.msk [tilespmem:v4+s3+$0x0], $0xffff  }
0x63: {  	v5 =	vadd.s32 $0x980, v0;
	_ =	sdelay $0x3  }
0x64: {  	[tilespmem:s31+$0x2300] =	vst v1  }
0x65: {  	v1 =	vld.idx.msk [tilespmem:v5+s3+$0x0], $0xffff  }
0x66: {  	v6 =	vadd.s32 $0xA00, v0;
	_ =	sdelay $0x3  }
0x67: {  	[tilespmem:s31+$0x2380] =	vst v1  }
0x68: {  	v1 =	vld.idx.msk [tilespmem:v6+s3+$0x0], $0xffff  }
0x69: {  	v7 =	vadd.s32 $0xA80, v0;
	_ =	sdelay $0x3  }
0x6a: {  	[tilespmem:s31+$0x2400] =	vst v1  }
0x6b: {  	v1 =	vld.idx.msk [tilespmem:v7+s3+$0x0], $0xffff;
	_ =	sdelay $0x4  }
0x6c: {  	[tilespmem:s31+$0x2480] =	vst v1  }
0x6d: {  	v1 =	vld [tilespmem:s30+$0x1010];
	_ =	sdelay $0x7  }
0x6e: {  	v8 =	vld.idx.msk [tilespmem:v1+s3+$0x0], $0xffff  }
0x6f: {  	v3 =	vadd.s32 $0x80, v1;
	_ =	sdelay $0x3  }
0x70: {  	[tilespmem:s31+$0x1210] =	vst v8  }
0x71: {  	v2 =	vld.idx.msk [tilespmem:v3+s3+$0x0], $0xffff  }
0x72: {  	v9 =	vadd.s32 $0x100, v1;
	_ =	sdelay $0x3  }
0x73: {  	[tilespmem:s31+$0x1290] =	vst v2  }
0x74: {  	v2 =	vld.idx.msk [tilespmem:v9+s3+$0x0], $0xffff  }
0x75: {  	v10 =	vadd.s32 $0x180, v1;
	_ =	sdelay $0x3  }
0x76: {  	[tilespmem:s31+$0x1310] =	vst v2  }
0x77: {  	v2 =	vld.idx.msk [tilespmem:v10+s3+$0x0], $0xffff  }
0x78: {  	v11 =	vadd.s32 $0x200, v1;
	_ =	sdelay $0x3  }
0x79: {  	[tilespmem:s31+$0x1390] =	vst v2  }
0x7a: {  	v2 =	vld.idx.msk [tilespmem:v11+s3+$0x0], $0xffff  }
0x7b: {  	v12 =	vadd.s32 $0x280, v1;
	_ =	sdelay $0x3  }
0x7c: {  	[tilespmem:s31+$0x1410] =	vst v2  }
0x7d: {  	v2 =	vld.idx.msk [tilespmem:v12+s3+$0x0], $0xffff  }
0x7e: {  	v13 =	vadd.s32 $0x300, v1;
	_ =	sdelay $0x3  }
0x7f: {  	[tilespmem:s31+$0x1490] =	vst v2  }
0x80: {  	v2 =	vld.idx.msk [tilespmem:v13+s3+$0x0], $0xffff  }
0x81: {  	v14 =	vadd.s32 $0x380, v1;
	_ =	sdelay $0x3  }
0x82: {  	[tilespmem:s31+$0x1510] =	vst v2  }
0x83: {  	v2 =	vld.idx.msk [tilespmem:v14+s3+$0x0], $0xffff  }
0x84: {  	v15 =	vadd.s32 $0x400, v1;
	_ =	sdelay $0x3  }
0x85: {  	[tilespmem:s31+$0x1590] =	vst v2  }
0x86: {  	v2 =	vld.idx.msk [tilespmem:v15+s3+$0x0], $0xffff  }
0x87: {  	v16 =	vadd.s32 $0x480, v1;
	_ =	sdelay $0x3  }
0x88: {  	[tilespmem:s31+$0x1A10] =	vst v2  }
0x89: {  	v2 =	vld.idx.msk [tilespmem:v16+s3+$0x0], $0xffff  }
0x8a: {  	v17 =	vadd.s32 $0x500, v1;
	_ =	sdelay $0x3  }
0x8b: {  	[tilespmem:s31+$0x1A90] =	vst v2  }
0x8c: {  	v2 =	vld.idx.msk [tilespmem:v17+s3+$0x0], $0xffff  }
0x8d: {  	v18 =	vadd.s32 $0x580, v1;
	_ =	sdelay $0x3  }
0x8e: {  	[tilespmem:s31+$0x1B10] =	vst v2  }
0x8f: {  	v2 =	vld.idx.msk [tilespmem:v18+s3+$0x0], $0xffff  }
0x90: {  	v19 =	vadd.s32 $0x600, v1;
	_ =	sdelay $0x3  }
0x91: {  	[tilespmem:s31+$0x1B90] =	vst v2  }
0x92: {  	v2 =	vld.idx.msk [tilespmem:v19+s3+$0x0], $0xffff  }
0x93: {  	v20 =	vadd.s32 $0x680, v1;
	_ =	sdelay $0x3  }
0x94: {  	[tilespmem:s31+$0x1C10] =	vst v2  }
0x95: {  	v2 =	vld.idx.msk [tilespmem:v20+s3+$0x0], $0xffff  }
0x96: {  	v21 =	vadd.s32 $0x700, v1;
	_ =	sdelay $0x3  }
0x97: {  	[tilespmem:s31+$0x1C90] =	vst v2  }
0x98: {  	v2 =	vld.idx.msk [tilespmem:v21+s3+$0x0], $0xffff  }
0x99: {  	v22 =	vadd.s32 $0x780, v1;
	_ =	sdelay $0x3  }
0x9a: {  	[tilespmem:s31+$0x1D10] =	vst v2  }
0x9b: {  	v2 =	vld.idx.msk [tilespmem:v22+s3+$0x0], $0xffff  }
0x9c: {  	v23 =	vadd.s32 $0x800, v1;
	_ =	sdelay $0x3  }
0x9d: {  	[tilespmem:s31+$0x1D90] =	vst v2  }
0x9e: {  	v2 =	vld.idx.msk [tilespmem:v23+s3+$0x0], $0xffff  }
0x9f: {  	v24 =	vadd.s32 $0x880, v1;
	_ =	sdelay $0x3  }
0xa0: {  	v5 =	vld [tilespmem:s30+$0x1020];
	[tilespmem:s31+$0x2210] =	vst v2  }
0xa1: {  	v2 =	vld.idx.msk [tilespmem:v24+s3+$0x0], $0xffff  }
0xa2: {  	v25 =	vadd.s32 $0x900, v1;
	_ =	sdelay $0x3  }
0xa3: {  	[tilespmem:s31+$0x2290] =	vst v2  }
0xa4: {  	v2 =	vld.idx.msk [tilespmem:v25+s3+$0x0], $0xffff  }
0xa5: {  	v26 =	vadd.s32 $0x980, v1  }
0xa6: {  	v4 =	vld.idx.msk [tilespmem:v5+s3+$0x0], $0xffff  }
0xa7: {  	v6 =	vadd.s32 $0x80, v5;
	_ =	sdelay $0x1  }
0xa8: {  	[tilespmem:s31+$0x2310] =	vst v2  }
0xa9: {  	v2 =	vld.idx.msk [tilespmem:v26+s3+$0x0], $0xffff  }
0xaa: {  	v27 =	vadd.s32 $0xA00, v1;
	[tilespmem:s31+$0x1220] =	vst v4  }
0xab: {  	v6 =	vld.idx.msk [tilespmem:v6+s3+$0x0], $0xffff  }
0xac: {  	v7 =	vadd.s32 $0x100, v5;
	_ =	sdelay $0x1  }
0xad: {  	[tilespmem:s31+$0x2390] =	vst v2  }
0xae: {  	v29 =	vadd.s32 $0xB00, v0;
	v2 =	vld.idx.msk [tilespmem:v27+s3+$0x0], $0xffff  }
0xaf: {  	v28 =	vadd.s32 $0xA80, v1;
	[tilespmem:s31+$0x12A0] =	vst v6  }
0xb0: {  	v7 =	vld.idx.msk [tilespmem:v7+s3+$0x0], $0xffff  }
0xb1: {  	v8 =	vadd.s32 $0x180, v5;
	_ =	sdelay $0x1  }
0xb2: {  	[tilespmem:s31+$0x2410] =	vst v2;
	v2 =	vld.idx.msk [tilespmem:v29+s3+$0x0], $0xffff  }
0xb3: {  	v31 =	vadd.s32 $0xB80, v0;
	v3 =	vld.idx.msk [tilespmem:v28+s3+$0x0], $0xffff  }
0xb4: {  	v30 =	vadd.s32 $0xB00, v1;
	[tilespmem:s31+$0x1320] =	vst v7  }
0xb5: {  	v7 =	vld.idx.msk [tilespmem:v8+s3+$0x0], $0xffff  }
0xb6: {  	v35 =	vadd.s32 $0x200, v5  }
0xb7: {  	[tilespmem:s31+$0x2500] =	vst v2  }
0xb8: {  	[tilespmem:s31+$0x2490] =	vst v3;
	v2 =	vld.idx.msk [tilespmem:v31+s3+$0x0], $0xffff  }
0xb9: {  	v33 =	vadd.s32 $0xC00, v0;
	v4 =	vld.idx.msk [tilespmem:v30+s3+$0x0], $0xffff  }
0xba: {  	v32 =	vadd.s32 $0xB80, v1;
	[tilespmem:s31+$0x13A0] =	vst v7  }
0xbb: {  	v7 =	vld.idx.msk [tilespmem:v35+s3+$0x0], $0xffff  }
0xbc: {  	v38 =	vadd.s32 $0x280, v5  }
0xbd: {  	[tilespmem:s31+$0x2580] =	vst v2  }
0xbe: {  	[tilespmem:s31+$0x2510] =	vst v4;
	v2 =	vld.idx.msk [tilespmem:v33+s3+$0x0], $0xffff  }
0xbf: {  	v36 =	vadd.s32 $0xC80, v0;
	v4 =	vld.idx.msk [tilespmem:v32+s3+$0x0], $0xffff  }
0xc0: {  	v34 =	vadd.s32 $0xC00, v1;
	[tilespmem:s31+$0x1420] =	vst v7  }
0xc1: {  	v7 =	vld.idx.msk [tilespmem:v38+s3+$0x0], $0xffff  }
0xc2: {  	v41 =	vadd.s32 $0x300, v5  }
0xc3: {  	[tilespmem:s31+$0x2A00] =	vst v2  }
0xc4: {  	[tilespmem:s31+$0x2590] =	vst v4;
	v2 =	vld.idx.msk [tilespmem:v36+s3+$0x0], $0xffff  }
0xc5: {  	v39 =	vadd.s32 $0xD00, v0;
	v4 =	vld.idx.msk [tilespmem:v34+s3+$0x0], $0xffff  }
0xc6: {  	v37 =	vadd.s32 $0xC80, v1;
	[tilespmem:s31+$0x14A0] =	vst v7  }
0xc7: {  	v7 =	vld.idx.msk [tilespmem:v41+s3+$0x0], $0xffff  }
0xc8: {  	v44 =	vadd.s32 $0x380, v5  }
0xc9: {  	[tilespmem:s31+$0x2A80] =	vst v2  }
0xca: {  	[tilespmem:s31+$0x2A10] =	vst v4;
	v2 =	vld.idx.msk [tilespmem:v39+s3+$0x0], $0xffff  }
0xcb: {  	v42 =	vadd.s32 $0xD80, v0;
	v4 =	vld.idx.msk [tilespmem:v37+s3+$0x0], $0xffff  }
0xcc: {  	v40 =	vadd.s32 $0xD00, v1;
	[tilespmem:s31+$0x1520] =	vst v7  }
0xcd: {  	v7 =	vld.idx.msk [tilespmem:v44+s3+$0x0], $0xffff  }
0xce: {  	v47 =	vadd.s32 $0x400, v5  }
0xcf: {  	[tilespmem:s31+$0x2B00] =	vst v2  }
0xd0: {  	[tilespmem:s31+$0x2A90] =	vst v4;
	v2 =	vld.idx.msk [tilespmem:v42+s3+$0x0], $0xffff  }
0xd1: {  	v45 =	vadd.s32 $0xE00, v0;
	v4 =	vld.idx.msk [tilespmem:v40+s3+$0x0], $0xffff  }
0xd2: {  	v43 =	vadd.s32 $0xD80, v1;
	[tilespmem:s31+$0x15A0] =	vst v7  }
0xd3: {  	v7 =	vld.idx.msk [tilespmem:v47+s3+$0x0], $0xffff  }
0xd4: {  	v50 =	vadd.s32 $0x480, v5  }
0xd5: {  	[tilespmem:s31+$0x2B80] =	vst v2  }
0xd6: {  	[tilespmem:s31+$0x2B10] =	vst v4;
	v2 =	vld.idx.msk [tilespmem:v45+s3+$0x0], $0xffff  }
0xd7: {  	v48 =	vadd.s32 $0xE80, v0;
	v4 =	vld.idx.msk [tilespmem:v43+s3+$0x0], $0xffff  }
0xd8: {  	v46 =	vadd.s32 $0xE00, v1;
	[tilespmem:s31+$0x1A20] =	vst v7;
	v3 =	vld [tilespmem:s30+$0x1040]  }
0xd9: {  	v7 =	vld.idx.msk [tilespmem:v50+s3+$0x0], $0xffff  }
0xda: {  	v53 =	vadd.s32 $0x500, v5  }
0xdb: {  	[tilespmem:s31+$0x2C00] =	vst v2  }
0xdc: {  	[tilespmem:s31+$0x2B90] =	vst v4;
	v2 =	vld.idx.msk [tilespmem:v48+s3+$0x0], $0xffff  }
0xdd: {  	v51 =	vadd.s32 $0xF00, v0;
	v4 =	vld.idx.msk [tilespmem:v46+s3+$0x0], $0xffff  }
0xde: {  	v49 =	vadd.s32 $0xE80, v1;
	[tilespmem:s31+$0x1AA0] =	vst v7  }
0xdf: {  	v7 =	vld.idx.msk [tilespmem:v53+s3+$0x0], $0xffff  }
0xe0: {  	v54 =	vadd.s32 $0x580, v5;
	v12 =	vld.idx.msk [tilespmem:v3+s3+$0x0], $0xffff  }
0xe1: {  	v52 =	vadd.s32 $0xF00, v1;
	v10 =	vadd.s32 $0xF80, v1;
	v1 =	vld [tilespmem:s30+$0x1060];
	v13 =	vadd.s32 $0x80, v3;
	[tilespmem:s31+$0x2C80] =	vst v2  }
0xe2: {  	[tilespmem:s31+$0x2C10] =	vst v4;
	v9 =	vld.idx.msk [tilespmem:v51+s3+$0x0], $0xffff  }
0xe3: {  	v4 =	vld.idx.msk [tilespmem:v49+s3+$0x0], $0xffff  }
0xe4: {  	v0 =	vadd.s32 $0xF80, v0;
	[tilespmem:s31+$0x1B20] =	vst v7  }
0xe5: {  	v7 =	vld.idx.msk [tilespmem:v54+s3+$0x0], $0xffff;
	[tilespmem:s31+$0x1240] =	vst v12  }
0xe6: {  	v13 =	vld.idx.msk [tilespmem:v13+s3+$0x0], $0xffff  }
0xe7: {  	v2 =	vld [tilespmem:s30+$0x1050];
	[tilespmem:s31+$0x2D00] =	vst v9  }
0xe8: {  	v55 =	vadd.s32 $0x600, v5;
	[tilespmem:s31+$0x2C90] =	vst v4;
	v4 =	vld [tilespmem:s30+$0x1030]  }
0xe9: {  	v9 =	vld.idx.msk [tilespmem:v0+s3+$0x0], $0xffff  }
0xea: {  	v0 =	vld [tilespmem:s30+$0x1070]  }
0xeb: {  	v15 =	vld.idx.msk [tilespmem:v1+s3+$0x0], $0xffff;
	v62 =	vadd.s32 $0x100, v3  }
0xec: {  	[tilespmem:s31+$0x1BA0] =	vst v7  }
0xed: {  	v8 =	vld.idx.msk [tilespmem:v55+s3+$0x0], $0xffff;
	_ =	sdelay $0x1  }
0xee: {  	v58 =	vadd.s32 $0x80, v1;
	[tilespmem:s31+$0x12C0] =	vst v13;
	v14 =	vld.idx.msk [tilespmem:v2+s3+$0x0], $0xffff  }
0xef: {  	[tilespmem:s31+$0x1260] =	vst v15;
	v15 =	vld.idx.msk [tilespmem:v62+s3+$0x0], $0xffff;
	v57 =	vadd.s32 $0x80, v2  }
0xf0: {  	v16 =	vadd.s32 $0x680, v5;
	v56 =	vld.idx.msk [tilespmem:v4+s3+$0x0], $0xffff  }
0xf1: {  	[tilespmem:s31+$0x1C20] =	vst v8;
	v11 =	vadd.s32 $0x80, v4;
	v59 =	vld.idx.msk [tilespmem:v0+s3+$0x0], $0xffff  }
0xf2: {  	v6 =	vld.idx.msk [tilespmem:v52+s3+$0x0], $0xffff;
	[tilespmem:s31+$0x2D80] =	vst v9;
	v60 =	vadd.s32 $0x80, v0  }
0xf3: {  	v9 =	vld.idx.msk [tilespmem:v58+s3+$0x0], $0xffff;
	[tilespmem:s31+$0x1250] =	vst v14  }
0xf4: {  	v24 =	vadd.s32 $0x180, v3;
	[tilespmem:s31+$0x1340] =	vst v15;
	v7 =	vld.idx.msk [tilespmem:v57+s3+$0x0], $0xffff  }
0xf5: {  	v16 =	vld.idx.msk [tilespmem:v16+s3+$0x0], $0xffff;
	v63 =	vadd.s32 $0x100, v2;
	[tilespmem:s31+$0x1230] =	vst v56  }
0xf6: {  	v20 =	vadd.s32 $0x100, v1;
	[tilespmem:s31+$0x1270] =	vst v59;
	v11 =	vld.idx.msk [tilespmem:v11+s3+$0x0], $0xffff  }
0xf7: {  	v61 =	vadd.s32 $0x100, v4;
	[tilespmem:s31+$0x2D10] =	vst v6;
	v12 =	vld.idx.msk [tilespmem:v60+s3+$0x0], $0xffff  }
0xf8: {  	v22 =	vadd.s32 $0x100, v0;
	v6 =	vld.idx.msk [tilespmem:v10+s3+$0x0], $0xffff;
	[tilespmem:s31+$0x12E0] =	vst v9  }
0xf9: {  	v9 =	vld.idx.msk [tilespmem:v24+s3+$0x0], $0xffff;
	[tilespmem:s31+$0x12D0] =	vst v7  }
0xfa: {  	v21 =	vadd.s32 $0x700, v5;
	v8 =	vld.idx.msk [tilespmem:v63+s3+$0x0], $0xffff  }
0xfb: {  	v25 =	vadd.s32 $0x180, v2;
	v10 =	vld.idx.msk [tilespmem:v20+s3+$0x0], $0xffff;
	[tilespmem:s31+$0x12B0] =	vst v11  }
0xfc: {  	v26 =	vadd.s32 $0x180, v1;
	[tilespmem:s31+$0x12F0] =	vst v12;
	v14 =	vld.idx.msk [tilespmem:v61+s3+$0x0], $0xffff  }
0xfd: {  	[tilespmem:s31+$0x1CA0] =	vst v16;
	v23 =	vadd.s32 $0x180, v4;
	v13 =	vld.idx.msk [tilespmem:v22+s3+$0x0], $0xffff  }
0xfe: {  	v28 =	vadd.s32 $0x180, v0;
	[tilespmem:s31+$0x2D90] =	vst v6;
	v6 =	vld [tilespmem:s30+$0x1080]  }
0xff: {  	v30 =	vadd.s32 $0x200, v3;
	[tilespmem:s31+$0x1350] =	vst v8;
	v11 =	vld.idx.msk [tilespmem:v21+s3+$0x0], $0xffff  }
0x100: {  	v27 =	vadd.s32 $0x780, v5;
	[tilespmem:s31+$0x1360] =	vst v10;
	v16 =	vld.idx.msk [tilespmem:v25+s3+$0x0], $0xffff  }
0x101: {  	v31 =	vadd.s32 $0x200, v2;
	v12 =	vld.idx.msk [tilespmem:v26+s3+$0x0], $0xffff;
	[tilespmem:s31+$0x1330] =	vst v14  }
0x102: {  	v32 =	vadd.s32 $0x200, v1;
	[tilespmem:s31+$0x1370] =	vst v13;
	v7 =	vld.idx.msk [tilespmem:v23+s3+$0x0], $0xffff  }
0x103: {  	v29 =	vadd.s32 $0x200, v4;
	[tilespmem:s31+$0x13C0] =	vst v9;
	v15 =	vld.idx.msk [tilespmem:v28+s3+$0x0], $0xffff  }
0x104: {  	v34 =	vadd.s32 $0x200, v0;
	v10 =	vld.idx.msk [tilespmem:v30+s3+$0x0], $0xffff;
	[tilespmem:s31+$0x1D20] =	vst v11  }
0x105: {  	v36 =	vadd.s32 $0x280, v3;
	[tilespmem:s31+$0x13D0] =	vst v16;
	v14 =	vld.idx.msk [tilespmem:v27+s3+$0x0], $0xffff  }
0x106: {  	v33 =	vadd.s32 $0x800, v5;
	[tilespmem:s31+$0x13E0] =	vst v12;
	v11 =	vld.idx.msk [tilespmem:v31+s3+$0x0], $0xffff  }
0x107: {  	v37 =	vadd.s32 $0x280, v2;
	v13 =	vld.idx.msk [tilespmem:v32+s3+$0x0], $0xffff;
	[tilespmem:s31+$0x13B0] =	vst v7  }
0x108: {  	v38 =	vadd.s32 $0x280, v1;
	[tilespmem:s31+$0x13F0] =	vst v15;
	v8 =	vld.idx.msk [tilespmem:v29+s3+$0x0], $0xffff  }
0x109: {  	v35 =	vadd.s32 $0x280, v4;
	[tilespmem:s31+$0x1440] =	vst v10;
	v9 =	vld.idx.msk [tilespmem:v34+s3+$0x0], $0xffff  }
0x10a: {  	v40 =	vadd.s32 $0x280, v0;
	v12 =	vld.idx.msk [tilespmem:v36+s3+$0x0], $0xffff;
	[tilespmem:s31+$0x1DA0] =	vst v14  }
0x10b: {  	v42 =	vadd.s32 $0x300, v3;
	[tilespmem:s31+$0x1450] =	vst v11;
	v7 =	vld.idx.msk [tilespmem:v33+s3+$0x0], $0xffff  }
0x10c: {  	v39 =	vadd.s32 $0x880, v5;
	[tilespmem:s31+$0x1460] =	vst v13;
	v14 =	vld.idx.msk [tilespmem:v37+s3+$0x0], $0xffff  }
0x10d: {  	v43 =	vadd.s32 $0x300, v2;
	v15 =	vld.idx.msk [tilespmem:v38+s3+$0x0], $0xffff;
	[tilespmem:s31+$0x1430] =	vst v8  }
0x10e: {  	v44 =	vadd.s32 $0x300, v1;
	[tilespmem:s31+$0x1470] =	vst v9;
	v16 =	vld.idx.msk [tilespmem:v35+s3+$0x0], $0xffff  }
0x10f: {  	v41 =	vadd.s32 $0x300, v4;
	[tilespmem:s31+$0x14C0] =	vst v12;
	v10 =	vld.idx.msk [tilespmem:v40+s3+$0x0], $0xffff  }
0x110: {  	v46 =	vadd.s32 $0x300, v0;
	v13 =	vld.idx.msk [tilespmem:v42+s3+$0x0], $0xffff;
	[tilespmem:s31+$0x2220] =	vst v7  }
0x111: {  	v48 =	vadd.s32 $0x380, v3;
	[tilespmem:s31+$0x14D0] =	vst v14;
	v8 =	vld.idx.msk [tilespmem:v39+s3+$0x0], $0xffff  }
0x112: {  	v45 =	vadd.s32 $0x900, v5;
	[tilespmem:s31+$0x14E0] =	vst v15;
	v7 =	vld.idx.msk [tilespmem:v43+s3+$0x0], $0xffff  }
0x113: {  	v49 =	vadd.s32 $0x380, v2;
	v9 =	vld.idx.msk [tilespmem:v44+s3+$0x0], $0xffff;
	[tilespmem:s31+$0x14B0] =	vst v16  }
0x114: {  	v50 =	vadd.s32 $0x380, v1;
	[tilespmem:s31+$0x14F0] =	vst v10;
	v11 =	vld.idx.msk [tilespmem:v41+s3+$0x0], $0xffff  }
0x115: {  	v47 =	vadd.s32 $0x380, v4;
	[tilespmem:s31+$0x1540] =	vst v13;
	v12 =	vld.idx.msk [tilespmem:v46+s3+$0x0], $0xffff  }
0x116: {  	v52 =	vadd.s32 $0x380, v0;
	v15 =	vld.idx.msk [tilespmem:v48+s3+$0x0], $0xffff;
	[tilespmem:s31+$0x22A0] =	vst v8  }
0x117: {  	v54 =	vadd.s32 $0x400, v3;
	[tilespmem:s31+$0x1550] =	vst v7;
	v16 =	vld.idx.msk [tilespmem:v45+s3+$0x0], $0xffff  }
0x118: {  	v51 =	vadd.s32 $0x980, v5;
	[tilespmem:s31+$0x1560] =	vst v9;
	v8 =	vld.idx.msk [tilespmem:v49+s3+$0x0], $0xffff  }
0x119: {  	v55 =	vadd.s32 $0x400, v2;
	v10 =	vld.idx.msk [tilespmem:v50+s3+$0x0], $0xffff;
	[tilespmem:s31+$0x1530] =	vst v11  }
0x11a: {  	v56 =	vadd.s32 $0x400, v1;
	[tilespmem:s31+$0x1570] =	vst v12;
	v14 =	vld.idx.msk [tilespmem:v47+s3+$0x0], $0xffff  }
0x11b: {  	v53 =	vadd.s32 $0x400, v4;
	[tilespmem:s31+$0x15C0] =	vst v15;
	v13 =	vld.idx.msk [tilespmem:v52+s3+$0x0], $0xffff  }
0x11c: {  	v58 =	vadd.s32 $0x400, v0;
	v9 =	vld.idx.msk [tilespmem:v54+s3+$0x0], $0xffff;
	[tilespmem:s31+$0x2320] =	vst v16  }
0x11d: {  	v60 =	vadd.s32 $0x480, v3;
	[tilespmem:s31+$0x15D0] =	vst v8;
	v11 =	vld.idx.msk [tilespmem:v51+s3+$0x0], $0xffff  }
0x11e: {  	v57 =	vadd.s32 $0xA00, v5;
	[tilespmem:s31+$0x15E0] =	vst v10;
	v16 =	vld.idx.msk [tilespmem:v55+s3+$0x0], $0xffff  }
0x11f: {  	v61 =	vadd.s32 $0x480, v2;
	v12 =	vld.idx.msk [tilespmem:v56+s3+$0x0], $0xffff;
	[tilespmem:s31+$0x15B0] =	vst v14  }
0x120: {  	v62 =	vadd.s32 $0x480, v1;
	[tilespmem:s31+$0x15F0] =	vst v13;
	v7 =	vld.idx.msk [tilespmem:v53+s3+$0x0], $0xffff  }
0x121: {  	v59 =	vadd.s32 $0x480, v4;
	[tilespmem:s31+$0x1A40] =	vst v9;
	v15 =	vld.idx.msk [tilespmem:v58+s3+$0x0], $0xffff  }
0x122: {  	v20 =	vadd.s32 $0x480, v0;
	v10 =	vld.idx.msk [tilespmem:v60+s3+$0x0], $0xffff;
	[tilespmem:s31+$0x23A0] =	vst v11  }
0x123: {  	v22 =	vadd.s32 $0x500, v3;
	[tilespmem:s31+$0x1A50] =	vst v16;
	v14 =	vld.idx.msk [tilespmem:v57+s3+$0x0], $0xffff  }
0x124: {  	v63 =	vadd.s32 $0xA80, v5;
	[tilespmem:s31+$0x1A60] =	vst v12;
	v11 =	vld.idx.msk [tilespmem:v61+s3+$0x0], $0xffff  }
0x125: {  	v23 =	vadd.s32 $0x500, v2;
	v13 =	vld.idx.msk [tilespmem:v62+s3+$0x0], $0xffff;
	[tilespmem:s31+$0x1A30] =	vst v7  }
0x126: {  	v24 =	vadd.s32 $0x500, v1;
	[tilespmem:s31+$0x1A70] =	vst v15;
	v8 =	vld.idx.msk [tilespmem:v59+s3+$0x0], $0xffff  }
0x127: {  	v21 =	vadd.s32 $0x500, v4;
	[tilespmem:s31+$0x1AC0] =	vst v10;
	v9 =	vld.idx.msk [tilespmem:v20+s3+$0x0], $0xffff  }
0x128: {  	v26 =	vadd.s32 $0x500, v0;
	v12 =	vld.idx.msk [tilespmem:v22+s3+$0x0], $0xffff;
	[tilespmem:s31+$0x2420] =	vst v14  }
0x129: {  	v28 =	vadd.s32 $0x580, v3;
	[tilespmem:s31+$0x1AD0] =	vst v11;
	v7 =	vld.idx.msk [tilespmem:v63+s3+$0x0], $0xffff  }
0x12a: {  	v25 =	vadd.s32 $0xB00, v5;
	[tilespmem:s31+$0x1AE0] =	vst v13;
	v14 =	vld.idx.msk [tilespmem:v23+s3+$0x0], $0xffff  }
0x12b: {  	v29 =	vadd.s32 $0x580, v2;
	v15 =	vld.idx.msk [tilespmem:v24+s3+$0x0], $0xffff;
	[tilespmem:s31+$0x1AB0] =	vst v8  }
0x12c: {  	v30 =	vadd.s32 $0x580, v1;
	[tilespmem:s31+$0x1AF0] =	vst v9;
	v16 =	vld.idx.msk [tilespmem:v21+s3+$0x0], $0xffff  }
0x12d: {  	v27 =	vadd.s32 $0x580, v4;
	[tilespmem:s31+$0x1B40] =	vst v12;
	v10 =	vld.idx.msk [tilespmem:v26+s3+$0x0], $0xffff  }
0x12e: {  	v32 =	vadd.s32 $0x580, v0;
	v13 =	vld.idx.msk [tilespmem:v28+s3+$0x0], $0xffff;
	[tilespmem:s31+$0x24A0] =	vst v7  }
0x12f: {  	v34 =	vadd.s32 $0x600, v3;
	[tilespmem:s31+$0x1B50] =	vst v14;
	v8 =	vld.idx.msk [tilespmem:v25+s3+$0x0], $0xffff  }
0x130: {  	v31 =	vadd.s32 $0xB80, v5;
	[tilespmem:s31+$0x1B60] =	vst v15;
	v7 =	vld.idx.msk [tilespmem:v29+s3+$0x0], $0xffff  }
0x131: {  	v35 =	vadd.s32 $0x600, v2;
	v9 =	vld.idx.msk [tilespmem:v30+s3+$0x0], $0xffff;
	[tilespmem:s31+$0x1B30] =	vst v16  }
0x132: {  	v36 =	vadd.s32 $0x600, v1;
	[tilespmem:s31+$0x1B70] =	vst v10;
	v11 =	vld.idx.msk [tilespmem:v27+s3+$0x0], $0xffff  }
0x133: {  	v33 =	vadd.s32 $0x600, v4;
	[tilespmem:s31+$0x1BC0] =	vst v13;
	v12 =	vld.idx.msk [tilespmem:v32+s3+$0x0], $0xffff  }
0x134: {  	v38 =	vadd.s32 $0x600, v0;
	v15 =	vld.idx.msk [tilespmem:v34+s3+$0x0], $0xffff;
	[tilespmem:s31+$0x2520] =	vst v8  }
0x135: {  	v40 =	vadd.s32 $0x680, v3;
	[tilespmem:s31+$0x1BD0] =	vst v7;
	v16 =	vld.idx.msk [tilespmem:v31+s3+$0x0], $0xffff  }
0x136: {  	v37 =	vadd.s32 $0xC00, v5;
	[tilespmem:s31+$0x1BE0] =	vst v9;
	v8 =	vld.idx.msk [tilespmem:v35+s3+$0x0], $0xffff  }
0x137: {  	v41 =	vadd.s32 $0x680, v2;
	v10 =	vld.idx.msk [tilespmem:v36+s3+$0x0], $0xffff;
	[tilespmem:s31+$0x1BB0] =	vst v11  }
0x138: {  	v42 =	vadd.s32 $0x680, v1;
	[tilespmem:s31+$0x1BF0] =	vst v12;
	v14 =	vld.idx.msk [tilespmem:v33+s3+$0x0], $0xffff  }
0x139: {  	v39 =	vadd.s32 $0x680, v4;
	[tilespmem:s31+$0x1C40] =	vst v15;
	v13 =	vld.idx.msk [tilespmem:v38+s3+$0x0], $0xffff  }
0x13a: {  	v44 =	vadd.s32 $0x680, v0;
	v9 =	vld.idx.msk [tilespmem:v40+s3+$0x0], $0xffff;
	[tilespmem:s31+$0x25A0] =	vst v16  }
0x13b: {  	v46 =	vadd.s32 $0x700, v3;
	[tilespmem:s31+$0x1C50] =	vst v8;
	v11 =	vld.idx.msk [tilespmem:v37+s3+$0x0], $0xffff  }
0x13c: {  	v43 =	vadd.s32 $0xC80, v5;
	[tilespmem:s31+$0x1C60] =	vst v10;
	v16 =	vld.idx.msk [tilespmem:v41+s3+$0x0], $0xffff  }
0x13d: {  	v47 =	vadd.s32 $0x700, v2;
	v12 =	vld.idx.msk [tilespmem:v42+s3+$0x0], $0xffff;
	[tilespmem:s31+$0x1C30] =	vst v14  }
0x13e: {  	v48 =	vadd.s32 $0x700, v1;
	[tilespmem:s31+$0x1C70] =	vst v13;
	v7 =	vld.idx.msk [tilespmem:v39+s3+$0x0], $0xffff  }
0x13f: {  	v45 =	vadd.s32 $0x700, v4;
	[tilespmem:s31+$0x1CC0] =	vst v9;
	v15 =	vld.idx.msk [tilespmem:v44+s3+$0x0], $0xffff  }
0x140: {  	v50 =	vadd.s32 $0x700, v0;
	v10 =	vld.idx.msk [tilespmem:v46+s3+$0x0], $0xffff;
	[tilespmem:s31+$0x2A20] =	vst v11  }
0x141: {  	v52 =	vadd.s32 $0x780, v3;
	[tilespmem:s31+$0x1CD0] =	vst v16;
	v14 =	vld.idx.msk [tilespmem:v43+s3+$0x0], $0xffff  }
0x142: {  	v49 =	vadd.s32 $0xD00, v5;
	[tilespmem:s31+$0x1CE0] =	vst v12;
	v11 =	vld.idx.msk [tilespmem:v47+s3+$0x0], $0xffff  }
0x143: {  	v53 =	vadd.s32 $0x780, v2;
	v13 =	vld.idx.msk [tilespmem:v48+s3+$0x0], $0xffff;
	[tilespmem:s31+$0x1CB0] =	vst v7  }
0x144: {  	v54 =	vadd.s32 $0x780, v1;
	[tilespmem:s31+$0x1CF0] =	vst v15;
	v8 =	vld.idx.msk [tilespmem:v45+s3+$0x0], $0xffff  }
0x145: {  	v51 =	vadd.s32 $0x780, v4;
	[tilespmem:s31+$0x1D40] =	vst v10;
	v9 =	vld.idx.msk [tilespmem:v50+s3+$0x0], $0xffff  }
0x146: {  	v56 =	vadd.s32 $0x780, v0;
	v12 =	vld.idx.msk [tilespmem:v52+s3+$0x0], $0xffff;
	[tilespmem:s31+$0x2AA0] =	vst v14  }
0x147: {  	v58 =	vadd.s32 $0x800, v3;
	[tilespmem:s31+$0x1D50] =	vst v11;
	v7 =	vld.idx.msk [tilespmem:v49+s3+$0x0], $0xffff  }
0x148: {  	v55 =	vadd.s32 $0xD80, v5;
	[tilespmem:s31+$0x1D60] =	vst v13;
	v14 =	vld.idx.msk [tilespmem:v53+s3+$0x0], $0xffff  }
0x149: {  	v59 =	vadd.s32 $0x800, v2;
	v15 =	vld.idx.msk [tilespmem:v54+s3+$0x0], $0xffff;
	[tilespmem:s31+$0x1D30] =	vst v8  }
0x14a: {  	v60 =	vadd.s32 $0x800, v1;
	[tilespmem:s31+$0x1D70] =	vst v9;
	v16 =	vld.idx.msk [tilespmem:v51+s3+$0x0], $0xffff  }
0x14b: {  	v57 =	vadd.s32 $0x800, v4;
	[tilespmem:s31+$0x1DC0] =	vst v12;
	v10 =	vld.idx.msk [tilespmem:v56+s3+$0x0], $0xffff  }
0x14c: {  	v62 =	vadd.s32 $0x800, v0;
	v13 =	vld.idx.msk [tilespmem:v58+s3+$0x0], $0xffff;
	[tilespmem:s31+$0x2B20] =	vst v7  }
0x14d: {  	v20 =	vadd.s32 $0x880, v3;
	[tilespmem:s31+$0x1DD0] =	vst v14;
	v8 =	vld.idx.msk [tilespmem:v55+s3+$0x0], $0xffff  }
0x14e: {  	v61 =	vadd.s32 $0xE00, v5;
	[tilespmem:s31+$0x1DE0] =	vst v15;
	v7 =	vld.idx.msk [tilespmem:v59+s3+$0x0], $0xffff  }
0x14f: {  	v21 =	vadd.s32 $0x880, v2;
	v9 =	vld.idx.msk [tilespmem:v60+s3+$0x0], $0xffff;
	[tilespmem:s31+$0x1DB0] =	vst v16  }
0x150: {  	v22 =	vadd.s32 $0x880, v1;
	[tilespmem:s31+$0x1DF0] =	vst v10;
	v11 =	vld.idx.msk [tilespmem:v57+s3+$0x0], $0xffff  }
0x151: {  	v63 =	vadd.s32 $0x880, v4;
	[tilespmem:s31+$0x2240] =	vst v13;
	v12 =	vld.idx.msk [tilespmem:v62+s3+$0x0], $0xffff  }
0x152: {  	v24 =	vadd.s32 $0x880, v0;
	v15 =	vld.idx.msk [tilespmem:v20+s3+$0x0], $0xffff;
	[tilespmem:s31+$0x2BA0] =	vst v8  }
0x153: {  	v26 =	vadd.s32 $0x900, v3;
	[tilespmem:s31+$0x2250] =	vst v7;
	v16 =	vld.idx.msk [tilespmem:v61+s3+$0x0], $0xffff  }
0x154: {  	v23 =	vadd.s32 $0xE80, v5;
	[tilespmem:s31+$0x2260] =	vst v9;
	v8 =	vld.idx.msk [tilespmem:v21+s3+$0x0], $0xffff  }
0x155: {  	v27 =	vadd.s32 $0x900, v2;
	v10 =	vld.idx.msk [tilespmem:v22+s3+$0x0], $0xffff;
	[tilespmem:s31+$0x2230] =	vst v11  }
0x156: {  	v28 =	vadd.s32 $0x900, v1;
	[tilespmem:s31+$0x2270] =	vst v12;
	v14 =	vld.idx.msk [tilespmem:v63+s3+$0x0], $0xffff  }
0x157: {  	v25 =	vadd.s32 $0x900, v4;
	[tilespmem:s31+$0x22C0] =	vst v15;
	v13 =	vld.idx.msk [tilespmem:v24+s3+$0x0], $0xffff  }
0x158: {  	v30 =	vadd.s32 $0x900, v0;
	v9 =	vld.idx.msk [tilespmem:v26+s3+$0x0], $0xffff;
	[tilespmem:s31+$0x2C20] =	vst v16  }
0x159: {  	v32 =	vadd.s32 $0x980, v3;
	[tilespmem:s31+$0x22D0] =	vst v8;
	v11 =	vld.idx.msk [tilespmem:v23+s3+$0x0], $0xffff  }
0x15a: {  	v29 =	vadd.s32 $0xF00, v5;
	[tilespmem:s31+$0x22E0] =	vst v10;
	v16 =	vld.idx.msk [tilespmem:v27+s3+$0x0], $0xffff  }
0x15b: {  	v33 =	vadd.s32 $0x980, v2;
	v12 =	vld.idx.msk [tilespmem:v28+s3+$0x0], $0xffff;
	[tilespmem:s31+$0x22B0] =	vst v14  }
0x15c: {  	v34 =	vadd.s32 $0x980, v1;
	[tilespmem:s31+$0x22F0] =	vst v13;
	v7 =	vld.idx.msk [tilespmem:v25+s3+$0x0], $0xffff  }
0x15d: {  	v31 =	vadd.s32 $0x980, v4;
	[tilespmem:s31+$0x2340] =	vst v9;
	v35 =	vld.idx.msk [tilespmem:v30+s3+$0x0], $0xffff  }
0x15e: {  	v36 =	vadd.s32 $0x980, v0;
	v10 =	vld.idx.msk [tilespmem:v32+s3+$0x0], $0xffff;
	[tilespmem:s31+$0x2CA0] =	vst v11  }
0x15f: {  	v38 =	vadd.s32 $0xA00, v3;
	[tilespmem:s31+$0x2350] =	vst v16;
	v14 =	vld.idx.msk [tilespmem:v29+s3+$0x0], $0xffff  }
0x160: {  	v5 =	vadd.s32 $0xF80, v5;
	[tilespmem:s31+$0x2360] =	vst v12;
	v11 =	vld.idx.msk [tilespmem:v33+s3+$0x0], $0xffff  }
0x161: {  	v39 =	vadd.s32 $0xA00, v2;
	v13 =	vld.idx.msk [tilespmem:v34+s3+$0x0], $0xffff;
	[tilespmem:s31+$0x2330] =	vst v7  }
0x162: {  	v40 =	vadd.s32 $0xA00, v1;
	[tilespmem:s31+$0x2370] =	vst v35;
	v8 =	vld.idx.msk [tilespmem:v31+s3+$0x0], $0xffff  }
0x163: {  	v37 =	vadd.s32 $0xA00, v4;
	[tilespmem:s31+$0x23C0] =	vst v10;
	v9 =	vld.idx.msk [tilespmem:v36+s3+$0x0], $0xffff  }
0x164: {  	v41 =	vadd.s32 $0xA00, v0;
	v12 =	vld.idx.msk [tilespmem:v38+s3+$0x0], $0xffff;
	[tilespmem:s31+$0x2D20] =	vst v14  }
0x165: {  	[tilespmem:s31+$0x23D0] =	vst v11;
	v5 =	vld.idx.msk [tilespmem:v5+s3+$0x0], $0xffff  }
0x166: {  	v44 =	vadd.s32 $0xA80, v3;
	[tilespmem:s31+$0x23E0] =	vst v13;
	v45 =	vld.idx.msk [tilespmem:v39+s3+$0x0], $0xffff  }
0x167: {  	v46 =	vadd.s32 $0xA80, v2;
	v7 =	vld.idx.msk [tilespmem:v40+s3+$0x0], $0xffff;
	[tilespmem:s31+$0x23B0] =	vst v8  }
0x168: {  	v47 =	vadd.s32 $0xA80, v1;
	[tilespmem:s31+$0x23F0] =	vst v9;
	v42 =	vld.idx.msk [tilespmem:v37+s3+$0x0], $0xffff  }
0x169: {  	v43 =	vadd.s32 $0xA80, v4;
	[tilespmem:s31+$0x2440] =	vst v12;
	v8 =	vld.idx.msk [tilespmem:v41+s3+$0x0], $0xffff  }
0x16a: {  	v48 =	vadd.s32 $0xA80, v0;
	v49 =	vld.idx.msk [tilespmem:v6+s3+$0x0], $0xffff;
	[tilespmem:s31+$0x2DA0] =	vst v5  }
0x16b: {  	v50 =	vadd.s32 $0x80, v6;
	v11 =	vld.idx.msk [tilespmem:v44+s3+$0x0], $0xffff;
	[tilespmem:s31+$0x2450] =	vst v45  }
0x16c: {  	v52 =	vadd.s32 $0xB00, v3;
	[tilespmem:s31+$0x2460] =	vst v7;
	v13 =	vld.idx.msk [tilespmem:v46+s3+$0x0], $0xffff  }
0x16d: {  	v53 =	vadd.s32 $0xB00, v2;
	v5 =	vld.idx.msk [tilespmem:v47+s3+$0x0], $0xffff;
	[tilespmem:s31+$0x2430] =	vst v42  }
0x16e: {  	v54 =	vadd.s32 $0xB00, v1;
	[tilespmem:s31+$0x2470] =	vst v8;
	v10 =	vld.idx.msk [tilespmem:v43+s3+$0x0], $0xffff  }
0x16f: {  	[tilespmem:s31+$0x1600] =	vst v49;
	v51 =	vadd.s32 $0xB00, v4;
	v9 =	vld.idx.msk [tilespmem:v48+s3+$0x0], $0xffff  }
0x170: {  	v55 =	vadd.s32 $0xB00, v0;
	v12 =	vld.idx.msk [tilespmem:v50+s3+$0x0], $0xffff;
	[tilespmem:s31+$0x24C0] =	vst v11  }
0x171: {  	v56 =	vadd.s32 $0x100, v6;
	v7 =	vld.idx.msk [tilespmem:v52+s3+$0x0], $0xffff;
	[tilespmem:s31+$0x24D0] =	vst v13  }
0x172: {  	v58 =	vadd.s32 $0xB80, v3;
	[tilespmem:s31+$0x24E0] =	vst v5;
	v8 =	vld.idx.msk [tilespmem:v53+s3+$0x0], $0xffff  }
0x173: {  	v59 =	vadd.s32 $0xB80, v2;
	v14 =	vld.idx.msk [tilespmem:v54+s3+$0x0], $0xffff;
	[tilespmem:s31+$0x24B0] =	vst v10  }
0x174: {  	v60 =	vadd.s32 $0xB80, v1;
	[tilespmem:s31+$0x24F0] =	vst v9;
	v15 =	vld.idx.msk [tilespmem:v51+s3+$0x0], $0xffff  }
0x175: {  	v57 =	vadd.s32 $0xB80, v4;
	[tilespmem:s31+$0x1680] =	vst v12;
	v10 =	vld.idx.msk [tilespmem:v55+s3+$0x0], $0xffff  }
0x176: {  	v61 =	vadd.s32 $0xB80, v0;
	v11 =	vld.idx.msk [tilespmem:v56+s3+$0x0], $0xffff;
	[tilespmem:s31+$0x2540] =	vst v7  }
0x177: {  	v62 =	vadd.s32 $0x180, v6;
	v5 =	vld.idx.msk [tilespmem:v58+s3+$0x0], $0xffff;
	[tilespmem:s31+$0x2550] =	vst v8  }
0x178: {  	v18 =	vadd.s32 $0xC00, v3;
	[tilespmem:s31+$0x2560] =	vst v14;
	v9 =	vld.idx.msk [tilespmem:v59+s3+$0x0], $0xffff  }
0x179: {  	v19 =	vadd.s32 $0xC00, v2;
	v12 =	vld.idx.msk [tilespmem:v60+s3+$0x0], $0xffff;
	[tilespmem:s31+$0x2530] =	vst v15  }
0x17a: {  	v20 =	vadd.s32 $0xC00, v1;
	[tilespmem:s31+$0x2570] =	vst v10;
	v13 =	vld.idx.msk [tilespmem:v57+s3+$0x0], $0xffff  }
0x17b: {  	v63 =	vadd.s32 $0xC00, v4;
	[tilespmem:s31+$0x1700] =	vst v11;
	v15 =	vld.idx.msk [tilespmem:v61+s3+$0x0], $0xffff  }
0x17c: {  	v21 =	vadd.s32 $0xC00, v0;
	v7 =	vld.idx.msk [tilespmem:v62+s3+$0x0], $0xffff;
	[tilespmem:s31+$0x25C0] =	vst v5  }
0x17d: {  	v22 =	vadd.s32 $0x200, v6;
	v14 =	vld.idx.msk [tilespmem:v18+s3+$0x0], $0xffff;
	[tilespmem:s31+$0x25D0] =	vst v9  }
0x17e: {  	v24 =	vadd.s32 $0xC80, v3;
	[tilespmem:s31+$0x25E0] =	vst v12;
	v10 =	vld.idx.msk [tilespmem:v19+s3+$0x0], $0xffff  }
0x17f: {  	v25 =	vadd.s32 $0xC80, v2;
	v11 =	vld.idx.msk [tilespmem:v20+s3+$0x0], $0xffff;
	[tilespmem:s31+$0x25B0] =	vst v13  }
0x180: {  	v26 =	vadd.s32 $0xC80, v1;
	[tilespmem:s31+$0x25F0] =	vst v15;
	v8 =	vld.idx.msk [tilespmem:v63+s3+$0x0], $0xffff  }
0x181: {  	v23 =	vadd.s32 $0xC80, v4;
	[tilespmem:s31+$0x1780] =	vst v7;
	v13 =	vld.idx.msk [tilespmem:v21+s3+$0x0], $0xffff  }
0x182: {  	v27 =	vadd.s32 $0xC80, v0;
	v5 =	vld.idx.msk [tilespmem:v22+s3+$0x0], $0xffff;
	[tilespmem:s31+$0x2A40] =	vst v14  }
0x183: {  	v28 =	vadd.s32 $0x280, v6;
	v12 =	vld.idx.msk [tilespmem:v24+s3+$0x0], $0xffff;
	[tilespmem:s31+$0x2A50] =	vst v10  }
0x184: {  	v30 =	vadd.s32 $0xD00, v3;
	[tilespmem:s31+$0x2A60] =	vst v11;
	v15 =	vld.idx.msk [tilespmem:v25+s3+$0x0], $0xffff  }
0x185: {  	v31 =	vadd.s32 $0xD00, v2;
	v7 =	vld.idx.msk [tilespmem:v26+s3+$0x0], $0xffff;
	[tilespmem:s31+$0x2A30] =	vst v8  }
0x186: {  	v32 =	vadd.s32 $0xD00, v1;
	[tilespmem:s31+$0x2A70] =	vst v13;
	v9 =	vld.idx.msk [tilespmem:v23+s3+$0x0], $0xffff  }
0x187: {  	v29 =	vadd.s32 $0xD00, v4;
	[tilespmem:s31+$0x1800] =	vst v5;
	v8 =	vld.idx.msk [tilespmem:v27+s3+$0x0], $0xffff  }
0x188: {  	v33 =	vadd.s32 $0xD00, v0;
	v14 =	vld.idx.msk [tilespmem:v28+s3+$0x0], $0xffff;
	[tilespmem:s31+$0x2AC0] =	vst v12  }
0x189: {  	v34 =	vadd.s32 $0x300, v6;
	v11 =	vld.idx.msk [tilespmem:v30+s3+$0x0], $0xffff;
	[tilespmem:s31+$0x2AD0] =	vst v15  }
0x18a: {  	v36 =	vadd.s32 $0xD80, v3;
	[tilespmem:s31+$0x2AE0] =	vst v7;
	v13 =	vld.idx.msk [tilespmem:v31+s3+$0x0], $0xffff  }
0x18b: {  	v37 =	vadd.s32 $0xD80, v2;
	v5 =	vld.idx.msk [tilespmem:v32+s3+$0x0], $0xffff;
	[tilespmem:s31+$0x2AB0] =	vst v9  }
0x18c: {  	v38 =	vadd.s32 $0xD80, v1;
	[tilespmem:s31+$0x2AF0] =	vst v8;
	v10 =	vld.idx.msk [tilespmem:v29+s3+$0x0], $0xffff  }
0x18d: {  	v35 =	vadd.s32 $0xD80, v4;
	[tilespmem:s31+$0x1880] =	vst v14;
	v9 =	vld.idx.msk [tilespmem:v33+s3+$0x0], $0xffff  }
0x18e: {  	v39 =	vadd.s32 $0xD80, v0;
	v12 =	vld.idx.msk [tilespmem:v34+s3+$0x0], $0xffff;
	[tilespmem:s31+$0x2B40] =	vst v11  }
0x18f: {  	v40 =	vadd.s32 $0x380, v6;
	v7 =	vld.idx.msk [tilespmem:v36+s3+$0x0], $0xffff;
	[tilespmem:s31+$0x2B50] =	vst v13  }
0x190: {  	v42 =	vadd.s32 $0xE00, v3;
	[tilespmem:s31+$0x2B60] =	vst v5;
	v8 =	vld.idx.msk [tilespmem:v37+s3+$0x0], $0xffff  }
0x191: {  	v43 =	vadd.s32 $0xE00, v2;
	v14 =	vld.idx.msk [tilespmem:v38+s3+$0x0], $0xffff;
	[tilespmem:s31+$0x2B30] =	vst v10  }
0x192: {  	v44 =	vadd.s32 $0xE00, v1;
	[tilespmem:s31+$0x2B70] =	vst v9;
	v15 =	vld.idx.msk [tilespmem:v35+s3+$0x0], $0xffff  }
0x193: {  	v41 =	vadd.s32 $0xE00, v4;
	[tilespmem:s31+$0x1900] =	vst v12;
	v10 =	vld.idx.msk [tilespmem:v39+s3+$0x0], $0xffff  }
0x194: {  	v45 =	vadd.s32 $0xE00, v0;
	v11 =	vld.idx.msk [tilespmem:v40+s3+$0x0], $0xffff;
	[tilespmem:s31+$0x2BC0] =	vst v7  }
0x195: {  	v46 =	vadd.s32 $0x400, v6;
	v5 =	vld.idx.msk [tilespmem:v42+s3+$0x0], $0xffff;
	[tilespmem:s31+$0x2BD0] =	vst v8  }
0x196: {  	v48 =	vadd.s32 $0xE80, v3;
	[tilespmem:s31+$0x2BE0] =	vst v14;
	v9 =	vld.idx.msk [tilespmem:v43+s3+$0x0], $0xffff  }
0x197: {  	v49 =	vadd.s32 $0xE80, v2;
	v12 =	vld.idx.msk [tilespmem:v44+s3+$0x0], $0xffff;
	[tilespmem:s31+$0x2BB0] =	vst v15  }
0x198: {  	v50 =	vadd.s32 $0xE80, v1;
	[tilespmem:s31+$0x2BF0] =	vst v10;
	v13 =	vld.idx.msk [tilespmem:v41+s3+$0x0], $0xffff  }
0x199: {  	v47 =	vadd.s32 $0xE80, v4;
	[tilespmem:s31+$0x1980] =	vst v11;
	v15 =	vld.idx.msk [tilespmem:v45+s3+$0x0], $0xffff  }
0x19a: {  	v51 =	vadd.s32 $0xE80, v0;
	v7 =	vld.idx.msk [tilespmem:v46+s3+$0x0], $0xffff;
	[tilespmem:s31+$0x2C40] =	vst v5  }
0x19b: {  	v52 =	vadd.s32 $0x480, v6;
	v14 =	vld.idx.msk [tilespmem:v48+s3+$0x0], $0xffff;
	[tilespmem:s31+$0x2C50] =	vst v9  }
0x19c: {  	v54 =	vadd.s32 $0xF00, v3;
	[tilespmem:s31+$0x2C60] =	vst v12;
	v10 =	vld.idx.msk [tilespmem:v49+s3+$0x0], $0xffff  }
0x19d: {  	v55 =	vadd.s32 $0xF00, v2;
	v11 =	vld.idx.msk [tilespmem:v50+s3+$0x0], $0xffff;
	[tilespmem:s31+$0x2C30] =	vst v13  }
0x19e: {  	v56 =	vadd.s32 $0xF00, v1;
	[tilespmem:s31+$0x2C70] =	vst v15;
	v8 =	vld.idx.msk [tilespmem:v47+s3+$0x0], $0xffff  }
0x19f: {  	v53 =	vadd.s32 $0xF00, v4;
	[tilespmem:s31+$0x1E00] =	vst v7;
	v13 =	vld.idx.msk [tilespmem:v51+s3+$0x0], $0xffff  }
0x1a0: {  	v57 =	vadd.s32 $0xF00, v0;
	v5 =	vld.idx.msk [tilespmem:v52+s3+$0x0], $0xffff;
	[tilespmem:s31+$0x2CC0] =	vst v14  }
0x1a1: {  	v58 =	vadd.s32 $0x500, v6;
	v12 =	vld.idx.msk [tilespmem:v54+s3+$0x0], $0xffff;
	[tilespmem:s31+$0x2CD0] =	vst v10  }
0x1a2: {  	v3 =	vadd.s32 $0xF80, v3;
	[tilespmem:s31+$0x2CE0] =	vst v11;
	v10 =	vld.idx.msk [tilespmem:v55+s3+$0x0], $0xffff  }
0x1a3: {  	v2 =	vadd.s32 $0xF80, v2;
	v7 =	vld.idx.msk [tilespmem:v56+s3+$0x0], $0xffff;
	[tilespmem:s31+$0x2CB0] =	vst v8  }
0x1a4: {  	v1 =	vadd.s32 $0xF80, v1;
	[tilespmem:s31+$0x2CF0] =	vst v13;
	v9 =	vld.idx.msk [tilespmem:v53+s3+$0x0], $0xffff  }
0x1a5: {  	v4 =	vadd.s32 $0xF80, v4;
	[tilespmem:s31+$0x1E80] =	vst v5;
	v8 =	vld.idx.msk [tilespmem:v57+s3+$0x0], $0xffff  }
0x1a6: {  	v0 =	vadd.s32 $0xF80, v0;
	v5 =	vld.idx.msk [tilespmem:v58+s3+$0x0], $0xffff;
	[tilespmem:s31+$0x2D40] =	vst v12  }
0x1a7: {  	v59 =	vadd.s32 $0x580, v6;
	v3 =	vld.idx.msk [tilespmem:v3+s3+$0x0], $0xffff;
	[tilespmem:s31+$0x2D50] =	vst v10  }
0x1a8: {  	[tilespmem:s31+$0x2D60] =	vst v7;
	v2 =	vld.idx.msk [tilespmem:v2+s3+$0x0], $0xffff  }
0x1a9: {  	v1 =	vld.idx.msk [tilespmem:v1+s3+$0x0], $0xffff;
	[tilespmem:s31+$0x2D30] =	vst v9  }
0x1aa: {  	[tilespmem:s31+$0x2D70] =	vst v8;
	v4 =	vld.idx.msk [tilespmem:v4+s3+$0x0], $0xffff  }
0x1ab: {  	[tilespmem:s31+$0x1F00] =	vst v5;
	v0 =	vld.idx.msk [tilespmem:v0+s3+$0x0], $0xffff  }
0x1ac: {  	v60 =	vld.idx.msk [tilespmem:v59+s3+$0x0], $0xffff;
	[tilespmem:s31+$0x2DC0] =	vst v3  }
0x1ad: {  	[tilespmem:s31+$0x2DD0] =	vst v2  }
0x1ae: {  	[tilespmem:s31+$0x2DE0] =	vst v1  }
0x1af: {  	[tilespmem:s31+$0x2DB0] =	vst v4  }
0x1b0: {  	[tilespmem:s31+$0x2DF0] =	vst v0  }
0x1b1: {  	[tilespmem:s31+$0x1F80] =	vst v60  }
0x1b2: {  	v61 =	vld [tilespmem:s30+$0x1090];
	_ =	sdelay $0x7  }
0x1b3: {  	v62 =	vld.idx.msk [tilespmem:v61+s3+$0x0], $0xffff  }
0x1b4: {  	v63 =	vadd.s32 $0x80, v61;
	_ =	sdelay $0x3  }
0x1b5: {  	[tilespmem:s31+$0x1610] =	vst v62  }
0x1b6: {  	v1 =	vld.idx.msk [tilespmem:v63+s3+$0x0], $0xffff  }
0x1b7: {  	v4 =	vadd.s32 $0x100, v61;
	_ =	sdelay $0x3  }
0x1b8: {  	[tilespmem:s31+$0x1690] =	vst v1  }
0x1b9: {  	v1 =	vld.idx.msk [tilespmem:v4+s3+$0x0], $0xffff  }
0x1ba: {  	v5 =	vadd.s32 $0x180, v61;
	_ =	sdelay $0x3  }
0x1bb: {  	[tilespmem:s31+$0x1710] =	vst v1  }
0x1bc: {  	v1 =	vld.idx.msk [tilespmem:v5+s3+$0x0], $0xffff  }
0x1bd: {  	v7 =	vadd.s32 $0x200, v61;
	_ =	sdelay $0x3  }
0x1be: {  	[tilespmem:s31+$0x1790] =	vst v1  }
0x1bf: {  	v1 =	vld.idx.msk [tilespmem:v7+s3+$0x0], $0xffff  }
0x1c0: {  	v8 =	vadd.s32 $0x280, v61;
	_ =	sdelay $0x3  }
0x1c1: {  	[tilespmem:s31+$0x1810] =	vst v1  }
0x1c2: {  	v1 =	vld.idx.msk [tilespmem:v8+s3+$0x0], $0xffff  }
0x1c3: {  	v9 =	vadd.s32 $0x300, v61;
	_ =	sdelay $0x3  }
0x1c4: {  	[tilespmem:s31+$0x1890] =	vst v1  }
0x1c5: {  	v1 =	vld.idx.msk [tilespmem:v9+s3+$0x0], $0xffff  }
0x1c6: {  	v10 =	vadd.s32 $0x380, v61;
	_ =	sdelay $0x3  }
0x1c7: {  	[tilespmem:s31+$0x1910] =	vst v1  }
0x1c8: {  	v1 =	vld.idx.msk [tilespmem:v10+s3+$0x0], $0xffff  }
0x1c9: {  	v11 =	vadd.s32 $0x400, v61;
	_ =	sdelay $0x3  }
0x1ca: {  	[tilespmem:s31+$0x1990] =	vst v1  }
0x1cb: {  	v1 =	vld.idx.msk [tilespmem:v11+s3+$0x0], $0xffff  }
0x1cc: {  	v12 =	vadd.s32 $0x480, v61;
	_ =	sdelay $0x3  }
0x1cd: {  	[tilespmem:s31+$0x1E10] =	vst v1  }
0x1ce: {  	v1 =	vld.idx.msk [tilespmem:v12+s3+$0x0], $0xffff  }
0x1cf: {  	v13 =	vadd.s32 $0x500, v61;
	_ =	sdelay $0x3  }
0x1d0: {  	[tilespmem:s31+$0x1E90] =	vst v1  }
0x1d1: {  	v1 =	vld.idx.msk [tilespmem:v13+s3+$0x0], $0xffff  }
0x1d2: {  	v14 =	vadd.s32 $0x580, v61;
	_ =	sdelay $0x3  }
0x1d3: {  	[tilespmem:s31+$0x1F10] =	vst v1  }
0x1d4: {  	v15 =	vadd.s32 $0x600, v6;
	v2 =	vld.idx.msk [tilespmem:v14+s3+$0x0], $0xffff  }
0x1d5: {  	v16 =	vadd.s32 $0x600, v61;
	_ =	sdelay $0x3  }
0x1d6: {  	v1 =	vld.idx.msk [tilespmem:v15+s3+$0x0], $0xffff;
	[tilespmem:s31+$0x1F90] =	vst v2  }
0x1d7: {  	v17 =	vadd.s32 $0x680, v6;
	v3 =	vld.idx.msk [tilespmem:v16+s3+$0x0], $0xffff  }
0x1d8: {  	v18 =	vadd.s32 $0x680, v61;
	_ =	sdelay $0x2  }
0x1d9: {  	[tilespmem:s31+$0x2000] =	vst v1  }
0x1da: {  	v1 =	vld.idx.msk [tilespmem:v17+s3+$0x0], $0xffff;
	[tilespmem:s31+$0x2010] =	vst v3  }
0x1db: {  	v19 =	vadd.s32 $0x700, v6;
	v3 =	vld.idx.msk [tilespmem:v18+s3+$0x0], $0xffff  }
0x1dc: {  	v20 =	vadd.s32 $0x700, v61;
	_ =	sdelay $0x2  }
0x1dd: {  	[tilespmem:s31+$0x2080] =	vst v1  }
0x1de: {  	v1 =	vld.idx.msk [tilespmem:v19+s3+$0x0], $0xffff;
	[tilespmem:s31+$0x2090] =	vst v3  }
0x1df: {  	v21 =	vadd.s32 $0x780, v6;
	v3 =	vld.idx.msk [tilespmem:v20+s3+$0x0], $0xffff  }
0x1e0: {  	v22 =	vadd.s32 $0x780, v61;
	_ =	sdelay $0x2  }
0x1e1: {  	[tilespmem:s31+$0x2100] =	vst v1  }
0x1e2: {  	v1 =	vld.idx.msk [tilespmem:v21+s3+$0x0], $0xffff;
	[tilespmem:s31+$0x2110] =	vst v3  }
0x1e3: {  	v23 =	vadd.s32 $0x800, v6;
	v3 =	vld.idx.msk [tilespmem:v22+s3+$0x0], $0xffff  }
0x1e4: {  	v24 =	vadd.s32 $0x800, v61;
	_ =	sdelay $0x2  }
0x1e5: {  	[tilespmem:s31+$0x2180] =	vst v1  }
0x1e6: {  	v1 =	vld.idx.msk [tilespmem:v23+s3+$0x0], $0xffff;
	[tilespmem:s31+$0x2190] =	vst v3  }
0x1e7: {  	v25 =	vadd.s32 $0x880, v6;
	v3 =	vld.idx.msk [tilespmem:v24+s3+$0x0], $0xffff  }
0x1e8: {  	v26 =	vadd.s32 $0x880, v61;
	_ =	sdelay $0x2  }
0x1e9: {  	[tilespmem:s31+$0x2600] =	vst v1  }
0x1ea: {  	v1 =	vld.idx.msk [tilespmem:v25+s3+$0x0], $0xffff;
	[tilespmem:s31+$0x2610] =	vst v3  }
0x1eb: {  	v27 =	vadd.s32 $0x900, v6;
	v3 =	vld.idx.msk [tilespmem:v26+s3+$0x0], $0xffff  }
0x1ec: {  	v28 =	vadd.s32 $0x900, v61;
	_ =	sdelay $0x2  }
0x1ed: {  	[tilespmem:s31+$0x2680] =	vst v1  }
0x1ee: {  	v1 =	vld.idx.msk [tilespmem:v27+s3+$0x0], $0xffff;
	[tilespmem:s31+$0x2690] =	vst v3  }
0x1ef: {  	v29 =	vadd.s32 $0x980, v6;
	v3 =	vld.idx.msk [tilespmem:v28+s3+$0x0], $0xffff  }
0x1f0: {  	v30 =	vadd.s32 $0x980, v61;
	_ =	sdelay $0x2  }
0x1f1: {  	[tilespmem:s31+$0x2700] =	vst v1  }
0x1f2: {  	v1 =	vld.idx.msk [tilespmem:v29+s3+$0x0], $0xffff;
	[tilespmem:s31+$0x2710] =	vst v3  }
0x1f3: {  	v31 =	vadd.s32 $0xA00, v6;
	v3 =	vld.idx.msk [tilespmem:v30+s3+$0x0], $0xffff  }
0x1f4: {  	v32 =	vadd.s32 $0xA00, v61;
	_ =	sdelay $0x2  }
0x1f5: {  	[tilespmem:s31+$0x2780] =	vst v1  }
0x1f6: {  	v1 =	vld.idx.msk [tilespmem:v31+s3+$0x0], $0xffff;
	[tilespmem:s31+$0x2790] =	vst v3  }
0x1f7: {  	v33 =	vadd.s32 $0xA80, v6;
	v3 =	vld.idx.msk [tilespmem:v32+s3+$0x0], $0xffff  }
0x1f8: {  	v34 =	vadd.s32 $0xA80, v61;
	_ =	sdelay $0x2  }
0x1f9: {  	[tilespmem:s31+$0x2800] =	vst v1  }
0x1fa: {  	v1 =	vld.idx.msk [tilespmem:v33+s3+$0x0], $0xffff;
	[tilespmem:s31+$0x2810] =	vst v3  }
0x1fb: {  	v35 =	vadd.s32 $0xB00, v6;
	v3 =	vld.idx.msk [tilespmem:v34+s3+$0x0], $0xffff  }
0x1fc: {  	v36 =	vadd.s32 $0xB00, v61;
	_ =	sdelay $0x2  }
0x1fd: {  	[tilespmem:s31+$0x2880] =	vst v1  }
0x1fe: {  	v1 =	vld.idx.msk [tilespmem:v35+s3+$0x0], $0xffff;
	[tilespmem:s31+$0x2890] =	vst v3  }
0x1ff: {  	v37 =	vadd.s32 $0xB80, v6;
	v3 =	vld.idx.msk [tilespmem:v36+s3+$0x0], $0xffff  }
0x200: {  	v38 =	vadd.s32 $0xB80, v61;
	_ =	sdelay $0x2  }
0x201: {  	[tilespmem:s31+$0x2900] =	vst v1  }
0x202: {  	v1 =	vld.idx.msk [tilespmem:v37+s3+$0x0], $0xffff;
	[tilespmem:s31+$0x2910] =	vst v3  }
0x203: {  	v39 =	vadd.s32 $0xC00, v6;
	v3 =	vld.idx.msk [tilespmem:v38+s3+$0x0], $0xffff  }
0x204: {  	v40 =	vadd.s32 $0xC00, v61;
	_ =	sdelay $0x2  }
0x205: {  	[tilespmem:s31+$0x2980] =	vst v1  }
0x206: {  	v1 =	vld.idx.msk [tilespmem:v39+s3+$0x0], $0xffff;
	[tilespmem:s31+$0x2990] =	vst v3  }
0x207: {  	v41 =	vadd.s32 $0xC80, v6;
	v3 =	vld.idx.msk [tilespmem:v40+s3+$0x0], $0xffff  }
0x208: {  	v42 =	vadd.s32 $0xC80, v61;
	_ =	sdelay $0x2  }
0x209: {  	[tilespmem:s31+$0x2E00] =	vst v1  }
0x20a: {  	v1 =	vld.idx.msk [tilespmem:v41+s3+$0x0], $0xffff;
	[tilespmem:s31+$0x2E10] =	vst v3  }
0x20b: {  	v43 =	vadd.s32 $0xD00, v6;
	v3 =	vld.idx.msk [tilespmem:v42+s3+$0x0], $0xffff  }
0x20c: {  	v44 =	vadd.s32 $0xD00, v61;
	_ =	sdelay $0x2  }
0x20d: {  	[tilespmem:s31+$0x2E80] =	vst v1  }
0x20e: {  	v1 =	vld.idx.msk [tilespmem:v43+s3+$0x0], $0xffff;
	[tilespmem:s31+$0x2E90] =	vst v3  }
0x20f: {  	v45 =	vadd.s32 $0xD80, v6;
	v3 =	vld.idx.msk [tilespmem:v44+s3+$0x0], $0xffff  }
0x210: {  	v46 =	vadd.s32 $0xD80, v61;
	_ =	sdelay $0x2  }
0x211: {  	[tilespmem:s31+$0x2F00] =	vst v1  }
0x212: {  	v1 =	vld.idx.msk [tilespmem:v45+s3+$0x0], $0xffff;
	[tilespmem:s31+$0x2F10] =	vst v3  }
0x213: {  	v47 =	vadd.s32 $0xE00, v6;
	v3 =	vld.idx.msk [tilespmem:v46+s3+$0x0], $0xffff  }
0x214: {  	v48 =	vadd.s32 $0xE00, v61;
	_ =	sdelay $0x1  }
0x215: {  	v4 =	vld [tilespmem:s30+$0x10B0]  }
0x216: {  	v2 =	vld [tilespmem:s30+$0x10D0];
	[tilespmem:s31+$0x2F80] =	vst v1  }
0x217: {  	v1 =	vld.idx.msk [tilespmem:v47+s3+$0x0], $0xffff;
	[tilespmem:s31+$0x2F90] =	vst v3  }
0x218: {  	v49 =	vadd.s32 $0xE80, v6;
	v3 =	vld.idx.msk [tilespmem:v48+s3+$0x0], $0xffff  }
0x219: {  	v0 =	vld [tilespmem:s30+$0x10F0];
	v50 =	vadd.s32 $0xE80, v61;
	_ =	sdelay $0x2  }
0x21a: {  	v5 =	vld [tilespmem:s30+$0x10A0];
	[tilespmem:s31+$0x3000] =	vst v1  }
0x21b: {  	v1 =	vld.idx.msk [tilespmem:v49+s3+$0x0], $0xffff;
	[tilespmem:s31+$0x3010] =	vst v3  }
0x21c: {  	v3 =	vld.idx.msk [tilespmem:v50+s3+$0x0], $0xffff  }
0x21d: {  	v59 =	vld.idx.msk [tilespmem:v4+s3+$0x0], $0xffff  }
0x21e: {  	v63 =	vld.idx.msk [tilespmem:v2+s3+$0x0], $0xffff  }
0x21f: {  	v51 =	vadd.s32 $0xF00, v6;
	v21 =	vld.idx.msk [tilespmem:v0+s3+$0x0], $0xffff  }
0x220: {  	v60 =	vadd.s32 $0x80, v4;
	[tilespmem:s31+$0x3080] =	vst v1;
	v1 =	vld [tilespmem:s30+$0x10E0]  }
0x221: {  	v18 =	vadd.s32 $0x80, v2;
	[tilespmem:s31+$0x3090] =	vst v3;
	v3 =	vld [tilespmem:s30+$0x10C0]  }
0x222: {  	v22 =	vadd.s32 $0x80, v0  }
0x223: {  	v57 =	vld.idx.msk [tilespmem:v5+s3+$0x0], $0xffff  }
0x224: {  	[tilespmem:s31+$0x1630] =	vst v59;
	v53 =	vld.idx.msk [tilespmem:v51+s3+$0x0], $0xffff  }
0x225: {  	v6 =	vadd.s32 $0xF80, v6;
	v11 =	vld.idx.msk [tilespmem:v60+s3+$0x0], $0xffff;
	[tilespmem:s31+$0x1650] =	vst v63  }
0x226: {  	v7 =	vld.idx.msk [tilespmem:v18+s3+$0x0], $0xffff;
	[tilespmem:s31+$0x1670] =	vst v21;
	v24 =	vadd.s32 $0x100, v4  }
0x227: {  	v10 =	vld.idx.msk [tilespmem:v22+s3+$0x0], $0xffff;
	v26 =	vadd.s32 $0x100, v2  }
0x228: {  	v58 =	vadd.s32 $0x80, v5;
	[tilespmem:s31+$0x1620] =	vst v57;
	v19 =	vld.idx.msk [tilespmem:v1+s3+$0x0], $0xffff  }
0x229: {  	v52 =	vadd.s32 $0xF00, v61;
	v55 =	vadd.s32 $0xF80, v61;
	v20 =	vadd.s32 $0x80, v1;
	[tilespmem:s31+$0x3100] =	vst v53;
	v61 =	vld.idx.msk [tilespmem:v3+s3+$0x0], $0xffff  }
0x22a: {  	[tilespmem:s31+$0x16B0] =	vst v11;
	v6 =	vld.idx.msk [tilespmem:v6+s3+$0x0], $0xffff;
	v62 =	vadd.s32 $0x80, v3  }
0x22b: {  	[tilespmem:s31+$0x16D0] =	vst v7;
	v13 =	vld.idx.msk [tilespmem:v24+s3+$0x0], $0xffff;
	v28 =	vadd.s32 $0x100, v0  }
0x22c: {  	[tilespmem:s31+$0x16F0] =	vst v10;
	v15 =	vld.idx.msk [tilespmem:v26+s3+$0x0], $0xffff;
	v30 =	vadd.s32 $0x180, v4  }
0x22d: {  	v9 =	vld.idx.msk [tilespmem:v58+s3+$0x0], $0xffff;
	v32 =	vadd.s32 $0x180, v2;
	[tilespmem:s31+$0x1660] =	vst v19  }
0x22e: {  	v23 =	vadd.s32 $0x100, v5;
	v8 =	vld.idx.msk [tilespmem:v20+s3+$0x0], $0xffff;
	[tilespmem:s31+$0x1640] =	vst v61  }
0x22f: {  	v27 =	vadd.s32 $0x100, v1;
	[tilespmem:s31+$0x3180] =	vst v6;
	v6 =	vld.idx.msk [tilespmem:v62+s3+$0x0], $0xffff  }
0x230: {  	[tilespmem:s31+$0x1730] =	vst v13;
	v11 =	vld.idx.msk [tilespmem:v28+s3+$0x0], $0xffff;
	v25 =	vadd.s32 $0x100, v3  }
0x231: {  	[tilespmem:s31+$0x1750] =	vst v15;
	v7 =	vld.idx.msk [tilespmem:v30+s3+$0x0], $0xffff;
	v34 =	vadd.s32 $0x180, v0  }
0x232: {  	[tilespmem:s31+$0x16A0] =	vst v9;
	v10 =	vld.idx.msk [tilespmem:v32+s3+$0x0], $0xffff;
	v36 =	vadd.s32 $0x200, v4  }
0x233: {  	v12 =	vld.idx.msk [tilespmem:v23+s3+$0x0], $0xffff;
	v38 =	vadd.s32 $0x200, v2;
	[tilespmem:s31+$0x16E0] =	vst v8  }
0x234: {  	v29 =	vadd.s32 $0x180, v5;
	v9 =	vld.idx.msk [tilespmem:v27+s3+$0x0], $0xffff;
	[tilespmem:s31+$0x16C0] =	vst v6  }
0x235: {  	[tilespmem:s31+$0x1770] =	vst v11;
	v33 =	vadd.s32 $0x180, v1;
	v14 =	vld.idx.msk [tilespmem:v25+s3+$0x0], $0xffff  }
0x236: {  	[tilespmem:s31+$0x17B0] =	vst v7;
	v13 =	vld.idx.msk [tilespmem:v34+s3+$0x0], $0xffff;
	v31 =	vadd.s32 $0x180, v3  }
0x237: {  	[tilespmem:s31+$0x17D0] =	vst v10;
	v15 =	vld.idx.msk [tilespmem:v36+s3+$0x0], $0xffff;
	v40 =	vadd.s32 $0x200, v0  }
0x238: {  	[tilespmem:s31+$0x1720] =	vst v12;
	v11 =	vld.idx.msk [tilespmem:v38+s3+$0x0], $0xffff;
	v42 =	vadd.s32 $0x280, v4  }
0x239: {  	[tilespmem:s31+$0x1760] =	vst v9;
	v6 =	vld.idx.msk [tilespmem:v29+s3+$0x0], $0xffff  }
0x23a: {  	v35 =	vadd.s32 $0x200, v5;
	v12 =	vld.idx.msk [tilespmem:v33+s3+$0x0], $0xffff;
	[tilespmem:s31+$0x1740] =	vst v14  }
0x23b: {  	[tilespmem:s31+$0x17F0] =	vst v13;
	v39 =	vadd.s32 $0x200, v1;
	v8 =	vld.idx.msk [tilespmem:v31+s3+$0x0], $0xffff  }
0x23c: {  	[tilespmem:s31+$0x1830] =	vst v15;
	v7 =	vld.idx.msk [tilespmem:v40+s3+$0x0], $0xffff;
	v37 =	vadd.s32 $0x200, v3  }
0x23d: {  	[tilespmem:s31+$0x1850] =	vst v11;
	v10 =	vld.idx.msk [tilespmem:v42+s3+$0x0], $0xffff;
	v44 =	vadd.s32 $0x280, v2  }
0x23e: {  	v46 =	vadd.s32 $0x280, v0;
	v54 =	vld.idx.msk [tilespmem:v52+s3+$0x0], $0xffff;
	[tilespmem:s31+$0x17A0] =	vst v6  }
0x23f: {  	[tilespmem:s31+$0x17E0] =	vst v12;
	v14 =	vld.idx.msk [tilespmem:v35+s3+$0x0], $0xffff  }
0x240: {  	v41 =	vadd.s32 $0x280, v5;
	v6 =	vld.idx.msk [tilespmem:v39+s3+$0x0], $0xffff;
	[tilespmem:s31+$0x17C0] =	vst v8  }
0x241: {  	[tilespmem:s31+$0x1870] =	vst v7;
	v45 =	vadd.s32 $0x280, v1;
	v9 =	vld.idx.msk [tilespmem:v37+s3+$0x0], $0xffff  }
0x242: {  	[tilespmem:s31+$0x18B0] =	vst v10;
	v13 =	vld.idx.msk [tilespmem:v44+s3+$0x0], $0xffff;
	v43 =	vadd.s32 $0x280, v3  }
0x243: {  	v15 =	vld.idx.msk [tilespmem:v46+s3+$0x0], $0xffff;
	v48 =	vadd.s32 $0x300, v4;
	[tilespmem:s31+$0x3110] =	vst v54  }
0x244: {  	v52 =	vadd.s32 $0x300, v0;
	v56 =	vld.idx.msk [tilespmem:v55+s3+$0x0], $0xffff;
	[tilespmem:s31+$0x1820] =	vst v14  }
0x245: {  	v50 =	vadd.s32 $0x300, v2;
	[tilespmem:s31+$0x1860] =	vst v6;
	v8 =	vld.idx.msk [tilespmem:v41+s3+$0x0], $0xffff  }
0x246: {  	v47 =	vadd.s32 $0x300, v5;
	v14 =	vld.idx.msk [tilespmem:v45+s3+$0x0], $0xffff;
	[tilespmem:s31+$0x1840] =	vst v9  }
0x247: {  	[tilespmem:s31+$0x18D0] =	vst v13;
	v51 =	vadd.s32 $0x300, v1;
	v12 =	vld.idx.msk [tilespmem:v43+s3+$0x0], $0xffff  }
0x248: {  	[tilespmem:s31+$0x18F0] =	vst v15;
	v11 =	vld.idx.msk [tilespmem:v48+s3+$0x0], $0xffff;
	v49 =	vadd.s32 $0x300, v3  }
0x249: {  	v54 =	vadd.s32 $0x380, v4;
	v10 =	vld.idx.msk [tilespmem:v52+s3+$0x0], $0xffff;
	[tilespmem:s31+$0x3190] =	vst v56  }
0x24a: {  	v58 =	vadd.s32 $0x380, v0;
	v7 =	vld.idx.msk [tilespmem:v50+s3+$0x0], $0xffff;
	[tilespmem:s31+$0x18A0] =	vst v8  }
0x24b: {  	v56 =	vadd.s32 $0x380, v2;
	[tilespmem:s31+$0x18E0] =	vst v14;
	v9 =	vld.idx.msk [tilespmem:v47+s3+$0x0], $0xffff  }
0x24c: {  	v53 =	vadd.s32 $0x380, v5;
	v8 =	vld.idx.msk [tilespmem:v51+s3+$0x0], $0xffff;
	[tilespmem:s31+$0x18C0] =	vst v12  }
0x24d: {  	v57 =	vadd.s32 $0x380, v1;
	[tilespmem:s31+$0x1930] =	vst v11;
	v6 =	vld.idx.msk [tilespmem:v49+s3+$0x0], $0xffff  }
0x24e: {  	v55 =	vadd.s32 $0x380, v3;
	v13 =	vld.idx.msk [tilespmem:v54+s3+$0x0], $0xffff;
	[tilespmem:s31+$0x1970] =	vst v10  }
0x24f: {  	v60 =	vadd.s32 $0x400, v4;
	[tilespmem:s31+$0x1950] =	vst v7;
	v11 =	vld.idx.msk [tilespmem:v58+s3+$0x0], $0xffff  }
0x250: {  	v18 =	vadd.s32 $0x400, v0;
	v15 =	vld.idx.msk [tilespmem:v56+s3+$0x0], $0xffff;
	[tilespmem:s31+$0x1920] =	vst v9  }
0x251: {  	v62 =	vadd.s32 $0x400, v2;
	[tilespmem:s31+$0x1960] =	vst v8;
	v12 =	vld.idx.msk [tilespmem:v53+s3+$0x0], $0xffff  }
0x252: {  	v59 =	vadd.s32 $0x400, v5;
	v9 =	vld.idx.msk [tilespmem:v57+s3+$0x0], $0xffff;
	[tilespmem:s31+$0x1940] =	vst v6  }
0x253: {  	v63 =	vadd.s32 $0x400, v1;
	[tilespmem:s31+$0x19B0] =	vst v13;
	v14 =	vld.idx.msk [tilespmem:v55+s3+$0x0], $0xffff  }
0x254: {  	v61 =	vadd.s32 $0x400, v3;
	v7 =	vld.idx.msk [tilespmem:v60+s3+$0x0], $0xffff;
	[tilespmem:s31+$0x19F0] =	vst v11  }
0x255: {  	v20 =	vadd.s32 $0x480, v4;
	v13 =	vld.idx.msk [tilespmem:v18+s3+$0x0], $0xffff;
	[tilespmem:s31+$0x19D0] =	vst v15  }
0x256: {  	v24 =	vadd.s32 $0x480, v0;
	v10 =	vld.idx.msk [tilespmem:v62+s3+$0x0], $0xffff;
	[tilespmem:s31+$0x19A0] =	vst v12  }
0x257: {  	v22 =	vadd.s32 $0x480, v2;
	[tilespmem:s31+$0x19E0] =	vst v9;
	v6 =	vld.idx.msk [tilespmem:v59+s3+$0x0], $0xffff  }
0x258: {  	v19 =	vadd.s32 $0x480, v5;
	v12 =	vld.idx.msk [tilespmem:v63+s3+$0x0], $0xffff;
	[tilespmem:s31+$0x19C0] =	vst v14  }
0x259: {  	v23 =	vadd.s32 $0x480, v1;
	[tilespmem:s31+$0x1E30] =	vst v7;
	v8 =	vld.idx.msk [tilespmem:v61+s3+$0x0], $0xffff  }
0x25a: {  	v21 =	vadd.s32 $0x480, v3;
	v15 =	vld.idx.msk [tilespmem:v20+s3+$0x0], $0xffff;
	[tilespmem:s31+$0x1E70] =	vst v13  }
0x25b: {  	v26 =	vadd.s32 $0x500, v4;
	v7 =	vld.idx.msk [tilespmem:v24+s3+$0x0], $0xffff;
	[tilespmem:s31+$0x1E50] =	vst v10  }
0x25c: {  	v30 =	vadd.s32 $0x500, v0;
	v11 =	vld.idx.msk [tilespmem:v22+s3+$0x0], $0xffff;
	[tilespmem:s31+$0x1E20] =	vst v6  }
0x25d: {  	v28 =	vadd.s32 $0x500, v2;
	[tilespmem:s31+$0x1E60] =	vst v12;
	v14 =	vld.idx.msk [tilespmem:v19+s3+$0x0], $0xffff  }
0x25e: {  	v25 =	vadd.s32 $0x500, v5;
	v6 =	vld.idx.msk [tilespmem:v23+s3+$0x0], $0xffff;
	[tilespmem:s31+$0x1E40] =	vst v8  }
0x25f: {  	v29 =	vadd.s32 $0x500, v1;
	[tilespmem:s31+$0x1EB0] =	vst v15;
	v9 =	vld.idx.msk [tilespmem:v21+s3+$0x0], $0xffff  }
0x260: {  	v27 =	vadd.s32 $0x500, v3;
	v10 =	vld.idx.msk [tilespmem:v26+s3+$0x0], $0xffff;
	[tilespmem:s31+$0x1EF0] =	vst v7  }
0x261: {  	v32 =	vadd.s32 $0x580, v4;
	v15 =	vld.idx.msk [tilespmem:v30+s3+$0x0], $0xffff;
	[tilespmem:s31+$0x1ED0] =	vst v11  }
0x262: {  	v36 =	vadd.s32 $0x580, v0;
	v13 =	vld.idx.msk [tilespmem:v28+s3+$0x0], $0xffff;
	[tilespmem:s31+$0x1EA0] =	vst v14  }
0x263: {  	v34 =	vadd.s32 $0x580, v2;
	[tilespmem:s31+$0x1EE0] =	vst v6;
	v8 =	vld.idx.msk [tilespmem:v25+s3+$0x0], $0xffff  }
0x264: {  	v31 =	vadd.s32 $0x580, v5;
	v14 =	vld.idx.msk [tilespmem:v29+s3+$0x0], $0xffff;
	[tilespmem:s31+$0x1EC0] =	vst v9  }
0x265: {  	v35 =	vadd.s32 $0x580, v1;
	[tilespmem:s31+$0x1F30] =	vst v10;
	v12 =	vld.idx.msk [tilespmem:v27+s3+$0x0], $0xffff  }
0x266: {  	v33 =	vadd.s32 $0x580, v3;
	v11 =	vld.idx.msk [tilespmem:v32+s3+$0x0], $0xffff;
	[tilespmem:s31+$0x1F70] =	vst v15  }
0x267: {  	v38 =	vadd.s32 $0x600, v4;
	v10 =	vld.idx.msk [tilespmem:v36+s3+$0x0], $0xffff;
	[tilespmem:s31+$0x1F50] =	vst v13  }
0x268: {  	v42 =	vadd.s32 $0x600, v0;
	v7 =	vld.idx.msk [tilespmem:v34+s3+$0x0], $0xffff;
	[tilespmem:s31+$0x1F20] =	vst v8  }
0x269: {  	v40 =	vadd.s32 $0x600, v2;
	[tilespmem:s31+$0x1F60] =	vst v14;
	v9 =	vld.idx.msk [tilespmem:v31+s3+$0x0], $0xffff  }
0x26a: {  	v37 =	vadd.s32 $0x600, v5;
	v8 =	vld.idx.msk [tilespmem:v35+s3+$0x0], $0xffff;
	[tilespmem:s31+$0x1F40] =	vst v12  }
0x26b: {  	v41 =	vadd.s32 $0x600, v1;
	[tilespmem:s31+$0x1FB0] =	vst v11;
	v6 =	vld.idx.msk [tilespmem:v33+s3+$0x0], $0xffff  }
0x26c: {  	v39 =	vadd.s32 $0x600, v3;
	v13 =	vld.idx.msk [tilespmem:v38+s3+$0x0], $0xffff;
	[tilespmem:s31+$0x1FF0] =	vst v10  }
0x26d: {  	v44 =	vadd.s32 $0x680, v4;
	v11 =	vld.idx.msk [tilespmem:v42+s3+$0x0], $0xffff;
	[tilespmem:s31+$0x1FD0] =	vst v7  }
0x26e: {  	v48 =	vadd.s32 $0x680, v0;
	v15 =	vld.idx.msk [tilespmem:v40+s3+$0x0], $0xffff;
	[tilespmem:s31+$0x1FA0] =	vst v9  }
0x26f: {  	v46 =	vadd.s32 $0x680, v2;
	[tilespmem:s31+$0x1FE0] =	vst v8;
	v12 =	vld.idx.msk [tilespmem:v37+s3+$0x0], $0xffff  }
0x270: {  	v43 =	vadd.s32 $0x680, v5;
	v9 =	vld.idx.msk [tilespmem:v41+s3+$0x0], $0xffff;
	[tilespmem:s31+$0x1FC0] =	vst v6  }
0x271: {  	v47 =	vadd.s32 $0x680, v1;
	[tilespmem:s31+$0x2030] =	vst v13;
	v14 =	vld.idx.msk [tilespmem:v39+s3+$0x0], $0xffff  }
0x272: {  	v45 =	vadd.s32 $0x680, v3;
	v7 =	vld.idx.msk [tilespmem:v44+s3+$0x0], $0xffff;
	[tilespmem:s31+$0x2070] =	vst v11  }
0x273: {  	v50 =	vadd.s32 $0x700, v4;
	v13 =	vld.idx.msk [tilespmem:v48+s3+$0x0], $0xffff;
	[tilespmem:s31+$0x2050] =	vst v15  }
0x274: {  	v54 =	vadd.s32 $0x700, v0;
	v10 =	vld.idx.msk [tilespmem:v46+s3+$0x0], $0xffff;
	[tilespmem:s31+$0x2020] =	vst v12  }
0x275: {  	v52 =	vadd.s32 $0x700, v2;
	[tilespmem:s31+$0x2060] =	vst v9;
	v6 =	vld.idx.msk [tilespmem:v43+s3+$0x0], $0xffff  }
0x276: {  	v49 =	vadd.s32 $0x700, v5;
	v12 =	vld.idx.msk [tilespmem:v47+s3+$0x0], $0xffff;
	[tilespmem:s31+$0x2040] =	vst v14  }
0x277: {  	v53 =	vadd.s32 $0x700, v1;
	[tilespmem:s31+$0x20B0] =	vst v7;
	v8 =	vld.idx.msk [tilespmem:v45+s3+$0x0], $0xffff  }
0x278: {  	v51 =	vadd.s32 $0x700, v3;
	v15 =	vld.idx.msk [tilespmem:v50+s3+$0x0], $0xffff;
	[tilespmem:s31+$0x20F0] =	vst v13  }
0x279: {  	v56 =	vadd.s32 $0x780, v4;
	v7 =	vld.idx.msk [tilespmem:v54+s3+$0x0], $0xffff;
	[tilespmem:s31+$0x20D0] =	vst v10  }
0x27a: {  	v60 =	vadd.s32 $0x780, v0;
	v11 =	vld.idx.msk [tilespmem:v52+s3+$0x0], $0xffff;
	[tilespmem:s31+$0x20A0] =	vst v6  }
0x27b: {  	v58 =	vadd.s32 $0x780, v2;
	[tilespmem:s31+$0x20E0] =	vst v12;
	v14 =	vld.idx.msk [tilespmem:v49+s3+$0x0], $0xffff  }
0x27c: {  	v55 =	vadd.s32 $0x780, v5;
	v6 =	vld.idx.msk [tilespmem:v53+s3+$0x0], $0xffff;
	[tilespmem:s31+$0x20C0] =	vst v8  }
0x27d: {  	v59 =	vadd.s32 $0x780, v1;
	[tilespmem:s31+$0x2130] =	vst v15;
	v9 =	vld.idx.msk [tilespmem:v51+s3+$0x0], $0xffff  }
0x27e: {  	v57 =	vadd.s32 $0x780, v3;
	v10 =	vld.idx.msk [tilespmem:v56+s3+$0x0], $0xffff;
	[tilespmem:s31+$0x2170] =	vst v7  }
0x27f: {  	v62 =	vadd.s32 $0x800, v4;
	v15 =	vld.idx.msk [tilespmem:v60+s3+$0x0], $0xffff;
	[tilespmem:s31+$0x2150] =	vst v11  }
0x280: {  	v20 =	vadd.s32 $0x800, v0;
	v13 =	vld.idx.msk [tilespmem:v58+s3+$0x0], $0xffff;
	[tilespmem:s31+$0x2120] =	vst v14  }
0x281: {  	v18 =	vadd.s32 $0x800, v2;
	[tilespmem:s31+$0x2160] =	vst v6;
	v8 =	vld.idx.msk [tilespmem:v55+s3+$0x0], $0xffff  }
0x282: {  	v61 =	vadd.s32 $0x800, v5;
	v14 =	vld.idx.msk [tilespmem:v59+s3+$0x0], $0xffff;
	[tilespmem:s31+$0x2140] =	vst v9  }
0x283: {  	v19 =	vadd.s32 $0x800, v1;
	[tilespmem:s31+$0x21B0] =	vst v10;
	v12 =	vld.idx.msk [tilespmem:v57+s3+$0x0], $0xffff  }
0x284: {  	v63 =	vadd.s32 $0x800, v3;
	v11 =	vld.idx.msk [tilespmem:v62+s3+$0x0], $0xffff;
	[tilespmem:s31+$0x21F0] =	vst v15  }
0x285: {  	v22 =	vadd.s32 $0x880, v4;
	v10 =	vld.idx.msk [tilespmem:v20+s3+$0x0], $0xffff;
	[tilespmem:s31+$0x21D0] =	vst v13  }
0x286: {  	v26 =	vadd.s32 $0x880, v0;
	v7 =	vld.idx.msk [tilespmem:v18+s3+$0x0], $0xffff;
	[tilespmem:s31+$0x21A0] =	vst v8  }
0x287: {  	v24 =	vadd.s32 $0x880, v2;
	[tilespmem:s31+$0x21E0] =	vst v14;
	v9 =	vld.idx.msk [tilespmem:v61+s3+$0x0], $0xffff  }
0x288: {  	v21 =	vadd.s32 $0x880, v5;
	v8 =	vld.idx.msk [tilespmem:v19+s3+$0x0], $0xffff;
	[tilespmem:s31+$0x21C0] =	vst v12  }
0x289: {  	v25 =	vadd.s32 $0x880, v1;
	[tilespmem:s31+$0x2630] =	vst v11;
	v6 =	vld.idx.msk [tilespmem:v63+s3+$0x0], $0xffff  }
0x28a: {  	v23 =	vadd.s32 $0x880, v3;
	v13 =	vld.idx.msk [tilespmem:v22+s3+$0x0], $0xffff;
	[tilespmem:s31+$0x2670] =	vst v10  }
0x28b: {  	v28 =	vadd.s32 $0x900, v4;
	v11 =	vld.idx.msk [tilespmem:v26+s3+$0x0], $0xffff;
	[tilespmem:s31+$0x2650] =	vst v7  }
0x28c: {  	v32 =	vadd.s32 $0x900, v0;
	v15 =	vld.idx.msk [tilespmem:v24+s3+$0x0], $0xffff;
	[tilespmem:s31+$0x2620] =	vst v9  }
0x28d: {  	v30 =	vadd.s32 $0x900, v2;
	[tilespmem:s31+$0x2660] =	vst v8;
	v12 =	vld.idx.msk [tilespmem:v21+s3+$0x0], $0xffff  }
0x28e: {  	v27 =	vadd.s32 $0x900, v5;
	v9 =	vld.idx.msk [tilespmem:v25+s3+$0x0], $0xffff;
	[tilespmem:s31+$0x2640] =	vst v6  }
0x28f: {  	v31 =	vadd.s32 $0x900, v1;
	[tilespmem:s31+$0x26B0] =	vst v13;
	v14 =	vld.idx.msk [tilespmem:v23+s3+$0x0], $0xffff  }
0x290: {  	v29 =	vadd.s32 $0x900, v3;
	v7 =	vld.idx.msk [tilespmem:v28+s3+$0x0], $0xffff;
	[tilespmem:s31+$0x26F0] =	vst v11  }
0x291: {  	v34 =	vadd.s32 $0x980, v4;
	v13 =	vld.idx.msk [tilespmem:v32+s3+$0x0], $0xffff;
	[tilespmem:s31+$0x26D0] =	vst v15  }
0x292: {  	v38 =	vadd.s32 $0x980, v0;
	v10 =	vld.idx.msk [tilespmem:v30+s3+$0x0], $0xffff;
	[tilespmem:s31+$0x26A0] =	vst v12  }
0x293: {  	v36 =	vadd.s32 $0x980, v2;
	[tilespmem:s31+$0x26E0] =	vst v9;
	v6 =	vld.idx.msk [tilespmem:v27+s3+$0x0], $0xffff  }
0x294: {  	v33 =	vadd.s32 $0x980, v5;
	v12 =	vld.idx.msk [tilespmem:v31+s3+$0x0], $0xffff;
	[tilespmem:s31+$0x26C0] =	vst v14  }
0x295: {  	v37 =	vadd.s32 $0x980, v1;
	[tilespmem:s31+$0x2730] =	vst v7;
	v8 =	vld.idx.msk [tilespmem:v29+s3+$0x0], $0xffff  }
0x296: {  	v35 =	vadd.s32 $0x980, v3;
	v15 =	vld.idx.msk [tilespmem:v34+s3+$0x0], $0xffff;
	[tilespmem:s31+$0x2770] =	vst v13  }
0x297: {  	v40 =	vadd.s32 $0xA00, v4;
	v7 =	vld.idx.msk [tilespmem:v38+s3+$0x0], $0xffff;
	[tilespmem:s31+$0x2750] =	vst v10  }
0x298: {  	v44 =	vadd.s32 $0xA00, v0;
	v11 =	vld.idx.msk [tilespmem:v36+s3+$0x0], $0xffff;
	[tilespmem:s31+$0x2720] =	vst v6  }
0x299: {  	v42 =	vadd.s32 $0xA00, v2;
	[tilespmem:s31+$0x2760] =	vst v12;
	v14 =	vld.idx.msk [tilespmem:v33+s3+$0x0], $0xffff  }
0x29a: {  	v39 =	vadd.s32 $0xA00, v5;
	v6 =	vld.idx.msk [tilespmem:v37+s3+$0x0], $0xffff;
	[tilespmem:s31+$0x2740] =	vst v8  }
0x29b: {  	v43 =	vadd.s32 $0xA00, v1;
	[tilespmem:s31+$0x27B0] =	vst v15;
	v9 =	vld.idx.msk [tilespmem:v35+s3+$0x0], $0xffff  }
0x29c: {  	v41 =	vadd.s32 $0xA00, v3;
	v10 =	vld.idx.msk [tilespmem:v40+s3+$0x0], $0xffff;
	[tilespmem:s31+$0x27F0] =	vst v7  }
0x29d: {  	v46 =	vadd.s32 $0xA80, v4;
	v15 =	vld.idx.msk [tilespmem:v44+s3+$0x0], $0xffff;
	[tilespmem:s31+$0x27D0] =	vst v11  }
0x29e: {  	v50 =	vadd.s32 $0xA80, v0;
	v13 =	vld.idx.msk [tilespmem:v42+s3+$0x0], $0xffff;
	[tilespmem:s31+$0x27A0] =	vst v14  }
0x29f: {  	v48 =	vadd.s32 $0xA80, v2;
	[tilespmem:s31+$0x27E0] =	vst v6;
	v8 =	vld.idx.msk [tilespmem:v39+s3+$0x0], $0xffff  }
0x2a0: {  	v45 =	vadd.s32 $0xA80, v5;
	v14 =	vld.idx.msk [tilespmem:v43+s3+$0x0], $0xffff;
	[tilespmem:s31+$0x27C0] =	vst v9  }
0x2a1: {  	v49 =	vadd.s32 $0xA80, v1;
	[tilespmem:s31+$0x2830] =	vst v10;
	v12 =	vld.idx.msk [tilespmem:v41+s3+$0x0], $0xffff  }
0x2a2: {  	v47 =	vadd.s32 $0xA80, v3;
	v11 =	vld.idx.msk [tilespmem:v46+s3+$0x0], $0xffff;
	[tilespmem:s31+$0x2870] =	vst v15  }
0x2a3: {  	v52 =	vadd.s32 $0xB00, v4;
	v10 =	vld.idx.msk [tilespmem:v50+s3+$0x0], $0xffff;
	[tilespmem:s31+$0x2850] =	vst v13  }
0x2a4: {  	v56 =	vadd.s32 $0xB00, v0;
	v7 =	vld.idx.msk [tilespmem:v48+s3+$0x0], $0xffff;
	[tilespmem:s31+$0x2820] =	vst v8  }
0x2a5: {  	v54 =	vadd.s32 $0xB00, v2;
	[tilespmem:s31+$0x2860] =	vst v14;
	v9 =	vld.idx.msk [tilespmem:v45+s3+$0x0], $0xffff  }
0x2a6: {  	v51 =	vadd.s32 $0xB00, v5;
	v8 =	vld.idx.msk [tilespmem:v49+s3+$0x0], $0xffff;
	[tilespmem:s31+$0x2840] =	vst v12  }
0x2a7: {  	v55 =	vadd.s32 $0xB00, v1;
	[tilespmem:s31+$0x28B0] =	vst v11;
	v6 =	vld.idx.msk [tilespmem:v47+s3+$0x0], $0xffff  }
0x2a8: {  	v53 =	vadd.s32 $0xB00, v3;
	v13 =	vld.idx.msk [tilespmem:v52+s3+$0x0], $0xffff;
	[tilespmem:s31+$0x28F0] =	vst v10  }
0x2a9: {  	v58 =	vadd.s32 $0xB80, v4;
	v11 =	vld.idx.msk [tilespmem:v56+s3+$0x0], $0xffff;
	[tilespmem:s31+$0x28D0] =	vst v7  }
0x2aa: {  	v62 =	vadd.s32 $0xB80, v0;
	v15 =	vld.idx.msk [tilespmem:v54+s3+$0x0], $0xffff;
	[tilespmem:s31+$0x28A0] =	vst v9  }
0x2ab: {  	v60 =	vadd.s32 $0xB80, v2;
	[tilespmem:s31+$0x28E0] =	vst v8;
	v12 =	vld.idx.msk [tilespmem:v51+s3+$0x0], $0xffff  }
0x2ac: {  	v57 =	vadd.s32 $0xB80, v5;
	v9 =	vld.idx.msk [tilespmem:v55+s3+$0x0], $0xffff;
	[tilespmem:s31+$0x28C0] =	vst v6  }
0x2ad: {  	v61 =	vadd.s32 $0xB80, v1;
	[tilespmem:s31+$0x2930] =	vst v13;
	v14 =	vld.idx.msk [tilespmem:v53+s3+$0x0], $0xffff  }
0x2ae: {  	v59 =	vadd.s32 $0xB80, v3;
	v7 =	vld.idx.msk [tilespmem:v58+s3+$0x0], $0xffff;
	[tilespmem:s31+$0x2970] =	vst v11  }
0x2af: {  	v18 =	vadd.s32 $0xC00, v4;
	v13 =	vld.idx.msk [tilespmem:v62+s3+$0x0], $0xffff;
	[tilespmem:s31+$0x2950] =	vst v15  }
0x2b0: {  	v22 =	vadd.s32 $0xC00, v0;
	v10 =	vld.idx.msk [tilespmem:v60+s3+$0x0], $0xffff;
	[tilespmem:s31+$0x2920] =	vst v12  }
0x2b1: {  	v20 =	vadd.s32 $0xC00, v2;
	[tilespmem:s31+$0x2960] =	vst v9;
	v6 =	vld.idx.msk [tilespmem:v57+s3+$0x0], $0xffff  }
0x2b2: {  	v63 =	vadd.s32 $0xC00, v5;
	v12 =	vld.idx.msk [tilespmem:v61+s3+$0x0], $0xffff;
	[tilespmem:s31+$0x2940] =	vst v14  }
0x2b3: {  	v21 =	vadd.s32 $0xC00, v1;
	[tilespmem:s31+$0x29B0] =	vst v7;
	v8 =	vld.idx.msk [tilespmem:v59+s3+$0x0], $0xffff  }
0x2b4: {  	v19 =	vadd.s32 $0xC00, v3;
	v15 =	vld.idx.msk [tilespmem:v18+s3+$0x0], $0xffff;
	[tilespmem:s31+$0x29F0] =	vst v13  }
0x2b5: {  	v24 =	vadd.s32 $0xC80, v4;
	v7 =	vld.idx.msk [tilespmem:v22+s3+$0x0], $0xffff;
	[tilespmem:s31+$0x29D0] =	vst v10  }
0x2b6: {  	v28 =	vadd.s32 $0xC80, v0;
	v11 =	vld.idx.msk [tilespmem:v20+s3+$0x0], $0xffff;
	[tilespmem:s31+$0x29A0] =	vst v6  }
0x2b7: {  	v26 =	vadd.s32 $0xC80, v2;
	[tilespmem:s31+$0x29E0] =	vst v12;
	v14 =	vld.idx.msk [tilespmem:v63+s3+$0x0], $0xffff  }
0x2b8: {  	v23 =	vadd.s32 $0xC80, v5;
	v6 =	vld.idx.msk [tilespmem:v21+s3+$0x0], $0xffff;
	[tilespmem:s31+$0x29C0] =	vst v8  }
0x2b9: {  	v27 =	vadd.s32 $0xC80, v1;
	[tilespmem:s31+$0x2E30] =	vst v15;
	v9 =	vld.idx.msk [tilespmem:v19+s3+$0x0], $0xffff  }
0x2ba: {  	v25 =	vadd.s32 $0xC80, v3;
	v10 =	vld.idx.msk [tilespmem:v24+s3+$0x0], $0xffff;
	[tilespmem:s31+$0x2E70] =	vst v7  }
0x2bb: {  	v30 =	vadd.s32 $0xD00, v4;
	v15 =	vld.idx.msk [tilespmem:v28+s3+$0x0], $0xffff;
	[tilespmem:s31+$0x2E50] =	vst v11  }
0x2bc: {  	v34 =	vadd.s32 $0xD00, v0;
	v13 =	vld.idx.msk [tilespmem:v26+s3+$0x0], $0xffff;
	[tilespmem:s31+$0x2E20] =	vst v14  }
0x2bd: {  	v32 =	vadd.s32 $0xD00, v2;
	[tilespmem:s31+$0x2E60] =	vst v6;
	v8 =	vld.idx.msk [tilespmem:v23+s3+$0x0], $0xffff  }
0x2be: {  	v29 =	vadd.s32 $0xD00, v5;
	v14 =	vld.idx.msk [tilespmem:v27+s3+$0x0], $0xffff;
	[tilespmem:s31+$0x2E40] =	vst v9  }
0x2bf: {  	v33 =	vadd.s32 $0xD00, v1;
	[tilespmem:s31+$0x2EB0] =	vst v10;
	v12 =	vld.idx.msk [tilespmem:v25+s3+$0x0], $0xffff  }
0x2c0: {  	v31 =	vadd.s32 $0xD00, v3;
	v11 =	vld.idx.msk [tilespmem:v30+s3+$0x0], $0xffff;
	[tilespmem:s31+$0x2EF0] =	vst v15  }
0x2c1: {  	v36 =	vadd.s32 $0xD80, v4;
	v10 =	vld.idx.msk [tilespmem:v34+s3+$0x0], $0xffff;
	[tilespmem:s31+$0x2ED0] =	vst v13  }
0x2c2: {  	v40 =	vadd.s32 $0xD80, v0;
	v7 =	vld.idx.msk [tilespmem:v32+s3+$0x0], $0xffff;
	[tilespmem:s31+$0x2EA0] =	vst v8  }
0x2c3: {  	v38 =	vadd.s32 $0xD80, v2;
	[tilespmem:s31+$0x2EE0] =	vst v14;
	v9 =	vld.idx.msk [tilespmem:v29+s3+$0x0], $0xffff  }
0x2c4: {  	v35 =	vadd.s32 $0xD80, v5;
	v8 =	vld.idx.msk [tilespmem:v33+s3+$0x0], $0xffff;
	[tilespmem:s31+$0x2EC0] =	vst v12  }
0x2c5: {  	v39 =	vadd.s32 $0xD80, v1;
	[tilespmem:s31+$0x2F30] =	vst v11;
	v6 =	vld.idx.msk [tilespmem:v31+s3+$0x0], $0xffff  }
0x2c6: {  	v37 =	vadd.s32 $0xD80, v3;
	v13 =	vld.idx.msk [tilespmem:v36+s3+$0x0], $0xffff;
	[tilespmem:s31+$0x2F70] =	vst v10  }
0x2c7: {  	v42 =	vadd.s32 $0xE00, v4;
	v11 =	vld.idx.msk [tilespmem:v40+s3+$0x0], $0xffff;
	[tilespmem:s31+$0x2F50] =	vst v7  }
0x2c8: {  	v46 =	vadd.s32 $0xE00, v0;
	v15 =	vld.idx.msk [tilespmem:v38+s3+$0x0], $0xffff;
	[tilespmem:s31+$0x2F20] =	vst v9  }
0x2c9: {  	v44 =	vadd.s32 $0xE00, v2;
	[tilespmem:s31+$0x2F60] =	vst v8;
	v12 =	vld.idx.msk [tilespmem:v35+s3+$0x0], $0xffff  }
0x2ca: {  	v41 =	vadd.s32 $0xE00, v5;
	v9 =	vld.idx.msk [tilespmem:v39+s3+$0x0], $0xffff;
	[tilespmem:s31+$0x2F40] =	vst v6  }
0x2cb: {  	v45 =	vadd.s32 $0xE00, v1;
	[tilespmem:s31+$0x2FB0] =	vst v13;
	v14 =	vld.idx.msk [tilespmem:v37+s3+$0x0], $0xffff  }
0x2cc: {  	v43 =	vadd.s32 $0xE00, v3;
	v7 =	vld.idx.msk [tilespmem:v42+s3+$0x0], $0xffff;
	[tilespmem:s31+$0x2FF0] =	vst v11  }
0x2cd: {  	v48 =	vadd.s32 $0xE80, v4;
	v13 =	vld.idx.msk [tilespmem:v46+s3+$0x0], $0xffff;
	[tilespmem:s31+$0x2FD0] =	vst v15  }
0x2ce: {  	v52 =	vadd.s32 $0xE80, v0;
	v10 =	vld.idx.msk [tilespmem:v44+s3+$0x0], $0xffff;
	[tilespmem:s31+$0x2FA0] =	vst v12  }
0x2cf: {  	v50 =	vadd.s32 $0xE80, v2;
	[tilespmem:s31+$0x2FE0] =	vst v9;
	v6 =	vld.idx.msk [tilespmem:v41+s3+$0x0], $0xffff  }
0x2d0: {  	v47 =	vadd.s32 $0xE80, v5;
	v12 =	vld.idx.msk [tilespmem:v45+s3+$0x0], $0xffff;
	[tilespmem:s31+$0x2FC0] =	vst v14  }
0x2d1: {  	v51 =	vadd.s32 $0xE80, v1;
	[tilespmem:s31+$0x3030] =	vst v7;
	v8 =	vld.idx.msk [tilespmem:v43+s3+$0x0], $0xffff  }
0x2d2: {  	v49 =	vadd.s32 $0xE80, v3;
	v15 =	vld.idx.msk [tilespmem:v48+s3+$0x0], $0xffff;
	[tilespmem:s31+$0x3070] =	vst v13  }
0x2d3: {  	v54 =	vadd.s32 $0xF00, v4;
	v7 =	vld.idx.msk [tilespmem:v52+s3+$0x0], $0xffff;
	[tilespmem:s31+$0x3050] =	vst v10  }
0x2d4: {  	v58 =	vadd.s32 $0xF00, v0;
	v11 =	vld.idx.msk [tilespmem:v50+s3+$0x0], $0xffff;
	[tilespmem:s31+$0x3020] =	vst v6  }
0x2d5: {  	v56 =	vadd.s32 $0xF00, v2;
	[tilespmem:s31+$0x3060] =	vst v12;
	v14 =	vld.idx.msk [tilespmem:v47+s3+$0x0], $0xffff  }
0x2d6: {  	v53 =	vadd.s32 $0xF00, v5;
	v6 =	vld.idx.msk [tilespmem:v51+s3+$0x0], $0xffff;
	[tilespmem:s31+$0x3040] =	vst v8  }
0x2d7: {  	v57 =	vadd.s32 $0xF00, v1;
	[tilespmem:s31+$0x30B0] =	vst v15;
	v9 =	vld.idx.msk [tilespmem:v49+s3+$0x0], $0xffff  }
0x2d8: {  	v55 =	vadd.s32 $0xF00, v3;
	v59 =	vld.idx.msk [tilespmem:v54+s3+$0x0], $0xffff;
	[tilespmem:s31+$0x30F0] =	vst v7  }
0x2d9: {  	v4 =	vadd.s32 $0xF80, v4;
	v63 =	vld.idx.msk [tilespmem:v58+s3+$0x0], $0xffff;
	[tilespmem:s31+$0x30D0] =	vst v11  }
0x2da: {  	v0 =	vadd.s32 $0xF80, v0;
	v61 =	vld.idx.msk [tilespmem:v56+s3+$0x0], $0xffff;
	[tilespmem:s31+$0x30A0] =	vst v14  }
0x2db: {  	v2 =	vadd.s32 $0xF80, v2;
	[tilespmem:s31+$0x30E0] =	vst v6;
	v8 =	vld.idx.msk [tilespmem:v53+s3+$0x0], $0xffff  }
0x2dc: {  	v5 =	vadd.s32 $0xF80, v5;
	v62 =	vld.idx.msk [tilespmem:v57+s3+$0x0], $0xffff;
	[tilespmem:s31+$0x30C0] =	vst v9  }
0x2dd: {  	v1 =	vadd.s32 $0xF80, v1;
	[tilespmem:s31+$0x3130] =	vst v59;
	v60 =	vld.idx.msk [tilespmem:v55+s3+$0x0], $0xffff  }
0x2de: {  	v3 =	vadd.s32 $0xF80, v3;
	v4 =	vld.idx.msk [tilespmem:v4+s3+$0x0], $0xffff;
	[tilespmem:s31+$0x3170] =	vst v63  }
0x2df: {  	v0 =	vld.idx.msk [tilespmem:v0+s3+$0x0], $0xffff;
	[tilespmem:s31+$0x3150] =	vst v61  }
0x2e0: {  	v2 =	vld.idx.msk [tilespmem:v2+s3+$0x0], $0xffff;
	[tilespmem:s31+$0x3120] =	vst v8  }
0x2e1: {  	[tilespmem:s31+$0x3160] =	vst v62;
	v5 =	vld.idx.msk [tilespmem:v5+s3+$0x0], $0xffff  }
0x2e2: {  	v1 =	vld.idx.msk [tilespmem:v1+s3+$0x0], $0xffff;
	[tilespmem:s31+$0x3140] =	vst v60  }
0x2e3: {  	[tilespmem:s31+$0x31B0] =	vst v4;
	v3 =	vld.idx.msk [tilespmem:v3+s3+$0x0], $0xffff  }
0x2e4: {  	[tilespmem:s31+$0x31F0] =	vst v0  }
0x2e5: {  	p2 =	seq.s32 s11, $0x1;
	[tilespmem:s31+$0x31D0] =	vst v2  }
0x2e6: {  	s18 =	sadd.s32 s5, s18;
	p1 =	por p2, p1;
	[tilespmem:s31+$0x31A0] =	vst v5  }
0x2e7: {  	s19 =	sshll.u32 @p1 s19, $0x13;
	s18 =	sshll.u32 @p1 s18, $0xB;
	[tilespmem:s31+$0x31E0] =	vst v1  }
0x2e8: {  	s18 =	sadd.s32 @p1 s19, s18;
	[tilespmem:s31+$0x31C0] =	vst v3  }
0x2e9: {  	s18 =	sshrl.u32 @p1 s18, $0x3;
	s22 =	simm.s32 $0x1;
	_ =	strace $0x9000004B  }
0x2ea: {  	s21 =	simm.s32 @p1 $0x800;
	s22 =	simm.s32 @!p0 $0x0;
	_ =	strace @p1 $0x8000004C  }
0x2eb: {  	p0 =	seq.s32 s11, $0x190;
	s20 =	sadd.s32 @p1 $0x3, s20;
	s23 =	rddreg [dreg:$0x4]  }
0x2ec: {  	s19 =	sor.u32 $0x1200, s31;
	s18 =	sadd.s32 @p1 s23, s18;
	s23 =	simm.s32 @p1 $0x20000  }
0x2ed: {  	[hbm4b:s18+s21] =	stream.strided.scatter @p1 [tilespmem:s19], [sflag:s20], $0x2000, s23, s21, $0x200038;
	[tilespmem:$0x5200] =	vst v63  }
0x2ee: {  	s18 =	simm.s32 $0x1;
	s20 =	simm.s32 $0x1;
	_ =	strace @p1 $0x9000004C  }
0x2ef: {  	s18 =	simm.s32 @!p1 $0x0;
	p1 =	sne.s32 s11, $0x190;
	s11 =	sadd.s32 $0xFFFFFFFF, s11  }
0x2f0: {  	s19 =	sand.u32 @!p0 $0x1, s12;
	s20 =	simm.s32 @!p1 $0x0;
	p1 =	sne.s32 s11, $0x0  }
.Ltmp0:
0x2f1: {  	s19 =	sadd.s32 @!p0 $0x3, s19;
	_ =	strace @!p0 $0x8000004D;
	(pc) =	sbr.rel @p1 .LBB2_2-.Ltmp0, $4  }
0x2f2: {  	_ =	swait.ge @!p0 [sflag:s19], $0x2000  }
0x2f3: {  	[sflag:s19] =	ssyncset.done @!p0 $0x0  }
0x2f4: {  	s17 =	sadd.s32 s22, s17;
	s15 =	sadd.s32 s18, s15;
	[sflag:s19] =	ssyncadd.s32 @!p0 $0xFFFFE000  }
0x2f5: {  	s16 =	sadd.s32 s18, s16;
	s12 =	sadd.s32 s20, s12;
	_ =	strace @!p0 $0x9000004D  }
0x2f6: {  	s10 =	sadd.s32 $0x1, s10  }
0x2f7: {  	s11 =	sand.u32 $0x1, s12;
	p0 =	sne.s32 s10, s7  }
.Ltmp1:
0x2f8: {  	_ =	strace $0x8000004E;
	s11 =	sadd.s32 $0x3, s11;
	(pc) =	sbr.rel @p0 .LBB2_1-.Ltmp1, $4  }
0x2f9: {  	_ =	swait.ge [sflag:s11], $0x2000  }
0x2fa: {  	[sflag:s11] =	ssyncset.done $0x0  }
0x2fb: {  	[sflag:s11] =	ssyncadd.s32 $0xFFFFE000  }
0x2fc: {  	_ =	strace $0x9000004E  }
0x2fd: {  	_ =	sfence.sel $0x180000  }
0x2fe: {  	[bflag:$0x0] =	sbarrier.arrive $0xFFFF  }
0x2ff: {  	p0 =	sne.s32 s2, $0x0;
	_ =	strace $0x90000047  }
0x300: {  	s0 =	sadd.s32 @!p0 $0x100000, s0;
	[bflag:$0x2] =	sbarrier.arrive $0xFFFF  }
0x301: {  	[sflag:s0] =	ssyncadd.tile.s32 @!p0 $0x1;
	_ =	shalt  }
.Lfunc_end2:
_tile_overlayer_lowered:
.L_overlay_start_2:
0x302: {  	(tag) =	ssettag $0x2  }
0x303: {  	s0 =	rddreg [dreg:$0x0];
	s2 =	stileid.u32  }
0x304: {  	s1 =	rddreg [dreg:$0x1];
	p0 =	sne.s32 s2, $0x0  }
0x305: {  	s3 =	rddreg [dreg:$0x2];
	[bflag:$0x3] =	sbarrier.arrive $0xFFFF;
	s2 =	simm.s32 @!p0 $0x1C01  }
0x306: {  	[timem:s3], [sflag:s2] =	dma.local @!p0 [hbm:s0], s1  }
0x307: {  	s0 =	simm.s32 @!p0 $0x1  }
0x308: {  	_ =	swait.ge @!p0 [sflag:s0], s1  }
0x309: {  	s1 =	ssub.s32 @!p0 $0x0, s1;
	[sflag:s0] =	ssyncset.done @!p0 $0x0  }
0x30a: {  	[sflag:s0] =	ssyncadd.s32 @!p0 s1  }
0x30b: {  	[bflag:$0x3] =	sbarrier.arrive $0xFFFF  }
0x30c: {  	_ =	shalt  }

</sc_bundles>
